<compile_context>
chip_gen: v7x
topology: tpu7x:2x2x1
jax: 0.10.2.dev20260603
libtpu: 0.0.44.dev20260713+nightly
codegen_flags: <defaults>
</compile_context>

<pallas_src>
import functools

import jax
import jax.numpy as jnp
from jax.experimental import pallas as pl
from jax.experimental.pallas import tpu as pltpu
from jax.experimental.pallas import tpu_sc as plsc

_K = 512
_D = 32
_BETA = 0.5
_KT = 64

_NC = 2
_NS = 16
_NW = _NC * _NS
_N_TOK = 4096
_BPW = _N_TOK // _NW


def _combine8(q):
    return ((q[0] + q[4]) + (q[2] + q[6])) + ((q[1] + q[5]) + (q[3] + q[7]))


def _dist_tree(ps):
    cs = [_combine8(ps[8 * c:8 * c + 8]) for c in range(len(ps) // 8)]
    acc = cs[0]
    for c in cs[1:]:
        acc = acc + c
    return acc


def _vq_body(x_ref, W_ref, idx_ref, loss_ref):
    nb = pl.num_programs(0)
    i = pl.program_id(0)
    dd, hh, ww = x_ref.shape[1:]
    nt = hh * ww
    xT = x_ref[0].reshape(dd, nt)
    run_min = jnp.full((1, nt), jnp.inf, dtype=jnp.float32)
    run_idx = jnp.zeros((1, nt), dtype=jnp.int32)
    for t in range(_K // _KT):
        Wt = W_ref[t * _KT:(t + 1) * _KT, :]
        ps = []
        for d in range(_D):
            diff = Wt[:, d:d + 1] - xT[d:d + 1, :]
            ps.append(diff * diff)
        dist = _dist_tree(ps)
        tmin = jnp.min(dist, axis=0, keepdims=True)
        kio = jax.lax.broadcasted_iota(jnp.int32, (_KT, nt), 0)
        tidx = jnp.min(jnp.where(dist == tmin, kio, _K),
                       axis=0, keepdims=True) + t * _KT
        better = tmin < run_min
        run_min = jnp.where(better, tmin, run_min)
        run_idx = jnp.where(better, tidx, run_idx)
    idx_ref[0, :] = run_idx[0]
    part = jnp.sum(run_min, axis=(0, 1), keepdims=True)

    @pl.when(i == 0)
    def _init():
        loss_ref[...] = jnp.zeros_like(loss_ref)

    loss_ref[...] += part

    @pl.when(i == nb - 1)
    def _fini():
        loss_ref[...] *= (1.0 + _BETA) / (nb * dd * nt)


_sc_mesh = plsc.VectorSubcoreMesh(core_axis_name="c", subcore_axis_name="s")


_DP = 128


@functools.partial(
    pl.kernel,
    mesh=_sc_mesh,
    out_type=jax.ShapeDtypeStruct((_N_TOK, _DP), jnp.float32),
    scratch_types=[
        pltpu.VMEM((_BPW,), jnp.int32),
        pltpu.VMEM((_BPW, _DP), jnp.float32),
        pltpu.SemaphoreType.DMA,
    ],
)
def _sc_gather(W_hbm, idx_hbm, out_hbm, idx_v, rows_v, sem):
    wid = jax.lax.axis_index("s") * _NC + jax.lax.axis_index("c")
    base = wid * _BPW
    pltpu.sync_copy(idx_hbm.at[pl.ds(base, _BPW)], idx_v)
    pltpu.async_copy(W_hbm.at[idx_v], rows_v, sem).wait()
    pltpu.sync_copy(rows_v, out_hbm.at[pl.ds(base, _BPW)])


def kernel(x, W):
    b, d, h, w = x.shape
    nt = h * w
    idx, loss = pl.pallas_call(
        _vq_body,
        grid=(b,),
        in_specs=[
            pl.BlockSpec((1, d, h, w), lambda i: (i, 0, 0, 0)),
            pl.BlockSpec((_K, _D), lambda i: (0, 0)),
        ],
        out_specs=[
            pl.BlockSpec((1, nt), lambda i: (0, i)),
            pl.BlockSpec((1, 1), lambda i: (0, 0)),
        ],
        out_shape=[
            jax.ShapeDtypeStruct((1, b * nt), jnp.int32),
            jax.ShapeDtypeStruct((1, 1), jnp.float32),
        ],
    )(x, W)
    latent_indices = idx.reshape(b * nt)
    W_pad = jnp.zeros((_K, _DP), W.dtype).at[:, :d].set(W)
    xq_rows = _sc_gather(W_pad, latent_indices)
    x_q_st = jnp.transpose(
        xq_rows.reshape(b, h, w, _DP)[..., :d], (0, 3, 1, 2))
    return (x_q_st, loss[0, 0], latent_indices)

# --- scband reference (transcript-rebuilt; emitter-appended) ---
"""Pipeline reference for scband-vector-quantizer-62629213110906 (READ-ONLY COPY).

The authoritative reference and input builder live on the scoring server;
editing this copy changes nothing except your own understanding.
"""

import jax, jax.numpy as jnp
import numpy as np

K = 512
D = 32
BETA = 0.5

def setup_inputs(seed: int = 0) -> dict:
    key = jax.random.key(seed)
    k1, k2 = jax.random.split(key)
    x = jax.random.normal(k1, (4, D, 32, 32), dtype=jnp.float32)
    W = jax.random.uniform(k2, (K, D), dtype=jnp.float32, minval=-1.0 / K, maxval=1.0 / K)
    return {"x": x, "W": W}

def reference(x, W):
    b, d, h, w = x.shape
    # einops 'b d h w -> (b h w) d'
    x_e = jnp.transpose(x, (0, 2, 3, 1)).reshape(-1, d)
    # pairwise squared distances [K, N]
    distances = ((W[:, None, :] - x_e[None, :, :]) ** 2).sum(axis=-1)
    latent_indices = jnp.argmin(distances, axis=0)
    x_q = jnp.take(W, latent_indices, axis=0)
    # '(b h w) d -> b d h w'
    x_q = jnp.transpose(x_q.reshape(b, h, w, d), (0, 3, 1, 2))
    loss = jnp.mean((x_q - jax.lax.stop_gradient(x)) ** 2) + BETA * jnp.mean((jax.lax.stop_gradient(x_q) - x) ** 2)
    x_q_st = x + jax.lax.stop_gradient(x_q - x)
    return (x_q_st, loss, latent_indices)

if __name__ == "__main__":
    import jax
    _d = setup_inputs()
    print(jax.jit(kernel)(*tuple(_d.values())))

</pallas_src>

<mosaic_0001>
#map = affine_map<(d0, d1) -> (0, 0)>
#map1 = affine_map<(d0, d1) -> (0)>
module attributes {stable_mosaic.version = 14 : i64} {
  func.func @_sc_gather(%arg0: i32, %arg1: i32, %arg2: memref<512x128xf32, #tpu.memory_space<hbm>>, %arg3: memref<4096xi32, #tpu.memory_space<hbm>>, %arg4: memref<4096x128xf32, #tpu.memory_space<hbm>>, %arg5: memref<128xi32, #tpu.memory_space<vmem>>, %arg6: memref<128x128xf32, #tpu.memory_space<vmem>>, %arg7: memref<!tpu.dma_semaphore, #tpu.memory_space<semaphore_mem>>) attributes {dimension_semantics = [#tpu.dimension_semantics<core_parallel>, #tpu.dimension_semantics<subcore_parallel>], iteration_bounds = array<i64: 2, 16>, scalar_prefetch = 0 : i64, scratch_operands = 3 : i64, tpu.core_type = #tpu.core_type<sc_vector_subcore>, window_params = [{transform_indices = #map}, {transform_indices = #map1}, {transform_indices = #map}]} {
    %mul3A = arith.constant 2 : i32
    %mul3A_0 = arith.muli %arg1, %mul3A : i32
    %add3A = arith.addi %mul3A_0, %arg0 : i32
    %mul3A_1 = arith.constant 128 : i32
    %mul3A_2 = arith.muli %add3A, %mul3A_1 : i32
    "tpu.region"() ({
      %run_scoped3A = tpu.sem_alloc : memref<!tpu.dma_semaphore, #tpu.memory_space<semaphore_mem>>
      %dma_start3A_7 = tpu.memref_slice %arg3[%mul3A_2] : memref<4096xi32, #tpu.memory_space<hbm>> -> memref<128xi32, #tpu.memory_space<hbm>>
      %dma_start3A_8 = tpu.memref_slice %arg3[%mul3A_2] : memref<4096xi32, #tpu.memory_space<hbm>> -> memref<128xi32, #tpu.memory_space<hbm>>
      tpu.enqueue_dma source(%dma_start3A_8 : memref<128xi32, #tpu.memory_space<hbm>>) target(%arg5 : memref<128xi32, #tpu.memory_space<vmem>>) target_semaphore(%run_scoped3A : memref<!tpu.dma_semaphore, #tpu.memory_space<semaphore_mem>>)
      %dma_wait3A_9 = tpu.memref_slice %arg3[%mul3A_2] : memref<4096xi32, #tpu.memory_space<hbm>> -> memref<128xi32, #tpu.memory_space<hbm>>
      %dma_wait3A_10 = tpu.memref_slice %arg3[%mul3A_2] : memref<4096xi32, #tpu.memory_space<hbm>> -> memref<128xi32, #tpu.memory_space<hbm>>
      tpu.wait_dma2 semaphore(%run_scoped3A : memref<!tpu.dma_semaphore, #tpu.memory_space<semaphore_mem>>) src(%dma_wait3A_10 : memref<128xi32, #tpu.memory_space<hbm>>) dst(%arg5 : memref<128xi32, #tpu.memory_space<vmem>>)
      tpu.yield
    }) : () -> ()
    %dma_start3A = arith.constant 0 : i32
    %dma_start3A_3 = arith.constant 0 : i32
    %dma_start3A_4 = tpu.memref_slice %arg2[%dma_start3A, %dma_start3A_3] : memref<512x128xf32, #tpu.memory_space<hbm>> -> memref<512x128xf32, #tpu.memory_space<hbm>>
    tpu.enqueue_indirect_dma source(%dma_start3A_4 : memref<512x128xf32, #tpu.memory_space<hbm>>) target(%arg6 : memref<128x128xf32, #tpu.memory_space<vmem>>) offsets(%arg5 : memref<128xi32, #tpu.memory_space<vmem>>) semaphore(%arg7 : memref<!tpu.dma_semaphore, #tpu.memory_space<semaphore_mem>>)
    %dma_wait3A = arith.constant 0 : i32
    %dma_wait3A_5 = arith.constant 0 : i32
    %dma_wait3A_6 = tpu.memref_slice %arg2[%dma_wait3A, %dma_wait3A_5] : memref<512x128xf32, #tpu.memory_space<hbm>> -> memref<512x128xf32, #tpu.memory_space<hbm>>
    tpu.wait_indirect_dma semaphore(%arg7 : memref<!tpu.dma_semaphore, #tpu.memory_space<semaphore_mem>>) src(%dma_wait3A_6 : memref<512x128xf32, #tpu.memory_space<hbm>>) dst(%arg6 : memref<128x128xf32, #tpu.memory_space<vmem>>)
    "tpu.region"() ({
      %run_scoped3A = tpu.sem_alloc : memref<!tpu.dma_semaphore, #tpu.memory_space<semaphore_mem>>
      %dma_start3A_7 = arith.constant 0 : i32
      %dma_start3A_8 = tpu.memref_slice %arg4[%mul3A_2, %dma_start3A_7] : memref<4096x128xf32, #tpu.memory_space<hbm>> -> memref<128x128xf32, #tpu.memory_space<hbm>>
      %dma_start3A_9 = arith.constant 0 : i32
      %dma_start3A_10 = tpu.memref_slice %arg4[%mul3A_2, %dma_start3A_9] : memref<4096x128xf32, #tpu.memory_space<hbm>> -> memref<128x128xf32, #tpu.memory_space<hbm>>
      tpu.enqueue_dma source(%arg6 : memref<128x128xf32, #tpu.memory_space<vmem>>) target(%dma_start3A_10 : memref<128x128xf32, #tpu.memory_space<hbm>>) target_semaphore(%run_scoped3A : memref<!tpu.dma_semaphore, #tpu.memory_space<semaphore_mem>>)
      %dma_wait3A_11 = arith.constant 0 : i32
      %dma_wait3A_12 = tpu.memref_slice %arg4[%mul3A_2, %dma_wait3A_11] : memref<4096x128xf32, #tpu.memory_space<hbm>> -> memref<128x128xf32, #tpu.memory_space<hbm>>
      %dma_wait3A_13 = arith.constant 0 : i32
      %dma_wait3A_14 = tpu.memref_slice %arg4[%mul3A_2, %dma_wait3A_13] : memref<4096x128xf32, #tpu.memory_space<hbm>> -> memref<128x128xf32, #tpu.memory_space<hbm>>
      tpu.wait_dma2 semaphore(%run_scoped3A : memref<!tpu.dma_semaphore, #tpu.memory_space<semaphore_mem>>) src(%arg6 : memref<128x128xf32, #tpu.memory_space<vmem>>) dst(%dma_wait3A_14 : memref<128x128xf32, #tpu.memory_space<hbm>>)
      tpu.yield
    }) : () -> ()
    return
  }
}

module attributes {stable_mosaic.version = 14 : i64} {
  func.func @_vq_body(%arg0: i32, %arg1: memref<1x32x32x32xf32, #tpu.memory_space<vmem>>, %arg2: memref<512x32xf32, #tpu.memory_space<vmem>>, %arg3: memref<1x1024xi32, #tpu.memory_space<vmem>>, %arg4: memref<1x1xf32, #tpu.memory_space<vmem>>) attributes {dimension_semantics = [#tpu.dimension_semantics<arbitrary>], iteration_bounds = array<i64: 4>, scalar_prefetch = 0 : i64, scratch_operands = 0 : i64, tpu.core_type = #tpu.core_type<tc>, window_params = [{transform_indices = @transform_0, window_bounds = array<i64: 1, 32, 32, 32>}, {pipeline_mode = #tpu.pipeline_mode<synchronous>, transform_indices = @transform_1, window_bounds = array<i64: 512, 32>}, {transform_indices = @transform_2, window_bounds = array<i64: 1, 1024>}, {pipeline_mode = #tpu.pipeline_mode<synchronous>, transform_indices = @transform_3, window_bounds = array<i64: 1, 1>}]} {
    %get3A = arith.constant 0 : index
    %get3A_0 = arith.constant 0 : index
    %get3A_1 = arith.constant 0 : index
    %get3A_2 = arith.constant 0 : index
    %get3A_3 = vector.load %arg1[%get3A, %get3A_0, %get3A_1, %get3A_2] : memref<1x32x32x32xf32, #tpu.memory_space<vmem>>, vector<1x32x32x32xf32>
    %get3A_4 = vector.shape_cast %get3A_3 : vector<1x32x32x32xf32> to vector<32x32x32xf32>
    %reshape3A = vector.shape_cast %get3A_4 : vector<32x32x32xf32> to vector<32x1024xf32>
    %broadcast_in_dim3A = arith.constant 0x7F800000 : f32
    %broadcast_in_dim3A_5 = vector.broadcast %broadcast_in_dim3A : f32 to vector<1x1024xf32>
    %broadcast_in_dim3A_6 = arith.constant 0 : i32
    %broadcast_in_dim3A_7 = vector.broadcast %broadcast_in_dim3A_6 : i32 to vector<1x1024xi32>
    %get3A_8 = arith.constant 0 : index
    %get3A_9 = arith.constant 0 : index
    %get3A_10 = vector.load %arg2[%get3A_8, %get3A_9] : memref<512x32xf32, #tpu.memory_space<vmem>>, vector<64x32xf32>
    %slice3A = vector.extract_strided_slice %get3A_10 {offsets = [0, 0], sizes = [64, 1], strides = [1, 1]} : vector<64x32xf32> to vector<64x1xf32>
    %slice3A_11 = vector.extract_strided_slice %reshape3A {offsets = [0, 0], sizes = [1, 1024], strides = [1, 1]} : vector<32x1024xf32> to vector<1x1024xf32>
    %sub3A = vector.broadcast %slice3A : vector<64x1xf32> to vector<64x1024xf32>
    %sub3A_12 = vector.broadcast %slice3A_11 : vector<1x1024xf32> to vector<64x1024xf32>
    %sub3A_13 = arith.subf %sub3A, %sub3A_12 : vector<64x1024xf32>
    %mul3A = arith.mulf %sub3A_13, %sub3A_13 : vector<64x1024xf32>
    %slice3A_14 = vector.extract_strided_slice %get3A_10 {offsets = [0, 1], sizes = [64, 1], strides = [1, 1]} : vector<64x32xf32> to vector<64x1xf32>
    %slice3A_15 = vector.extract_strided_slice %reshape3A {offsets = [1, 0], sizes = [1, 1024], strides = [1, 1]} : vector<32x1024xf32> to vector<1x1024xf32>
    %sub3A_16 = vector.broadcast %slice3A_14 : vector<64x1xf32> to vector<64x1024xf32>
    %sub3A_17 = vector.broadcast %slice3A_15 : vector<1x1024xf32> to vector<64x1024xf32>
    %sub3A_18 = arith.subf %sub3A_16, %sub3A_17 : vector<64x1024xf32>
    %mul3A_19 = arith.mulf %sub3A_18, %sub3A_18 : vector<64x1024xf32>
    %slice3A_20 = vector.extract_strided_slice %get3A_10 {offsets = [0, 2], sizes = [64, 1], strides = [1, 1]} : vector<64x32xf32> to vector<64x1xf32>
    %slice3A_21 = vector.extract_strided_slice %reshape3A {offsets = [2, 0], sizes = [1, 1024], strides = [1, 1]} : vector<32x1024xf32> to vector<1x1024xf32>
    %sub3A_22 = vector.broadcast %slice3A_20 : vector<64x1xf32> to vector<64x1024xf32>
    %sub3A_23 = vector.broadcast %slice3A_21 : vector<1x1024xf32> to vector<64x1024xf32>
    %sub3A_24 = arith.subf %sub3A_22, %sub3A_23 : vector<64x1024xf32>
    %mul3A_25 = arith.mulf %sub3A_24, %sub3A_24 : vector<64x1024xf32>
    %slice3A_26 = vector.extract_strided_slice %get3A_10 {offsets = [0, 3], sizes = [64, 1], strides = [1, 1]} : vector<64x32xf32> to vector<64x1xf32>
    %slice3A_27 = vector.extract_strided_slice %reshape3A {offsets = [3, 0], sizes = [1, 1024], strides = [1, 1]} : vector<32x1024xf32> to vector<1x1024xf32>
    %sub3A_28 = vector.broadcast %slice3A_26 : vector<64x1xf32> to vector<64x1024xf32>
    %sub3A_29 = vector.broadcast %slice3A_27 : vector<1x1024xf32> to vector<64x1024xf32>
    %sub3A_30 = arith.subf %sub3A_28, %sub3A_29 : vector<64x1024xf32>
    %mul3A_31 = arith.mulf %sub3A_30, %sub3A_30 : vector<64x1024xf32>
    %slice3A_32 = vector.extract_strided_slice %get3A_10 {offsets = [0, 4], sizes = [64, 1], strides = [1, 1]} : vector<64x32xf32> to vector<64x1xf32>
    %slice3A_33 = vector.extract_strided_slice %reshape3A {offsets = [4, 0], sizes = [1, 1024], strides = [1, 1]} : vector<32x1024xf32> to vector<1x1024xf32>
    %sub3A_34 = vector.broadcast %slice3A_32 : vector<64x1xf32> to vector<64x1024xf32>
    %sub3A_35 = vector.broadcast %slice3A_33 : vector<1x1024xf32> to vector<64x1024xf32>
    %sub3A_36 = arith.subf %sub3A_34, %sub3A_35 : vector<64x1024xf32>
    %mul3A_37 = arith.mulf %sub3A_36, %sub3A_36 : vector<64x1024xf32>
    %slice3A_38 = vector.extract_strided_slice %get3A_10 {offsets = [0, 5], sizes = [64, 1], strides = [1, 1]} : vector<64x32xf32> to vector<64x1xf32>
    %slice3A_39 = vector.extract_strided_slice %reshape3A {offsets = [5, 0], sizes = [1, 1024], strides = [1, 1]} : vector<32x1024xf32> to vector<1x1024xf32>
    %sub3A_40 = vector.broadcast %slice3A_38 : vector<64x1xf32> to vector<64x1024xf32>
    %sub3A_41 = vector.broadcast %slice3A_39 : vector<1x1024xf32> to vector<64x1024xf32>
    %sub3A_42 = arith.subf %sub3A_40, %sub3A_41 : vector<64x1024xf32>
    %mul3A_43 = arith.mulf %sub3A_42, %sub3A_42 : vector<64x1024xf32>
    %slice3A_44 = vector.extract_strided_slice %get3A_10 {offsets = [0, 6], sizes = [64, 1], strides = [1, 1]} : vector<64x32xf32> to vector<64x1xf32>
    %slice3A_45 = vector.extract_strided_slice %reshape3A {offsets = [6, 0], sizes = [1, 1024], strides = [1, 1]} : vector<32x1024xf32> to vector<1x1024xf32>
    %sub3A_46 = vector.broadcast %slice3A_44 : vector<64x1xf32> to vector<64x1024xf32>
    %sub3A_47 = vector.broadcast %slice3A_45 : vector<1x1024xf32> to vector<64x1024xf32>
    %sub3A_48 = arith.subf %sub3A_46, %sub3A_47 : vector<64x1024xf32>
    %mul3A_49 = arith.mulf %sub3A_48, %sub3A_48 : vector<64x1024xf32>
    %slice3A_50 = vector.extract_strided_slice %get3A_10 {offsets = [0, 7], sizes = [64, 1], strides = [1, 1]} : vector<64x32xf32> to vector<64x1xf32>
    %slice3A_51 = vector.extract_strided_slice %reshape3A {offsets = [7, 0], sizes = [1, 1024], strides = [1, 1]} : vector<32x1024xf32> to vector<1x1024xf32>
    %sub3A_52 = vector.broadcast %slice3A_50 : vector<64x1xf32> to vector<64x1024xf32>
    %sub3A_53 = vector.broadcast %slice3A_51 : vector<1x1024xf32> to vector<64x1024xf32>
    %sub3A_54 = arith.subf %sub3A_52, %sub3A_53 : vector<64x1024xf32>
    %mul3A_55 = arith.mulf %sub3A_54, %sub3A_54 : vector<64x1024xf32>
    %slice3A_56 = vector.extract_strided_slice %get3A_10 {offsets = [0, 8], sizes = [64, 1], strides = [1, 1]} : vector<64x32xf32> to vector<64x1xf32>
    %slice3A_57 = vector.extract_strided_slice %reshape3A {offsets = [8, 0], sizes = [1, 1024], strides = [1, 1]} : vector<32x1024xf32> to vector<1x1024xf32>
    %sub3A_58 = vector.broadcast %slice3A_56 : vector<64x1xf32> to vector<64x1024xf32>
    %sub3A_59 = vector.broadcast %slice3A_57 : vector<1x1024xf32> to vector<64x1024xf32>
    %sub3A_60 = arith.subf %sub3A_58, %sub3A_59 : vector<64x1024xf32>
    %mul3A_61 = arith.mulf %sub3A_60, %sub3A_60 : vector<64x1024xf32>
    %slice3A_62 = vector.extract_strided_slice %get3A_10 {offsets = [0, 9], sizes = [64, 1], strides = [1, 1]} : vector<64x32xf32> to vector<64x1xf32>
    %slice3A_63 = vector.extract_strided_slice %reshape3A {offsets = [9, 0], sizes = [1, 1024], strides = [1, 1]} : vector<32x1024xf32> to vector<1x1024xf32>
    %sub3A_64 = vector.broadcast %slice3A_62 : vector<64x1xf32> to vector<64x1024xf32>
    %sub3A_65 = vector.broadcast %slice3A_63 : vector<1x1024xf32> to vector<64x1024xf32>
    %sub3A_66 = arith.subf %sub3A_64, %sub3A_65 : vector<64x1024xf32>
    %mul3A_67 = arith.mulf %sub3A_66, %sub3A_66 : vector<64x1024xf32>
    %slice3A_68 = vector.extract_strided_slice %get3A_10 {offsets = [0, 10], sizes = [64, 1], strides = [1, 1]} : vector<64x32xf32> to vector<64x1xf32>
    %slice3A_69 = vector.extract_strided_slice %reshape3A {offsets = [10, 0], sizes = [1, 1024], strides = [1, 1]} : vector<32x1024xf32> to vector<1x1024xf32>
    %sub3A_70 = vector.broadcast %slice3A_68 : vector<64x1xf32> to vector<64x1024xf32>
    %sub3A_71 = vector.broadcast %slice3A_69 : vector<1x1024xf32> to vector<64x1024xf32>
    %sub3A_72 = arith.subf %sub3A_70, %sub3A_71 : vector<64x1024xf32>
    %mul3A_73 = arith.mulf %sub3A_72, %sub3A_72 : vector<64x1024xf32>
    %slice3A_74 = vector.extract_strided_slice %get3A_10 {offsets = [0, 11], sizes = [64, 1], strides = [1, 1]} : vector<64x32xf32> to vector<64x1xf32>
    %slice3A_75 = vector.extract_strided_slice %reshape3A {offsets = [11, 0], sizes = [1, 1024], strides = [1, 1]} : vector<32x1024xf32> to vector<1x1024xf32>
    %sub3A_76 = vector.broadcast %slice3A_74 : vector<64x1xf32> to vector<64x1024xf32>
    %sub3A_77 = vector.broadcast %slice3A_75 : vector<1x1024xf32> to vector<64x1024xf32>
    %sub3A_78 = arith.subf %sub3A_76, %sub3A_77 : vector<64x1024xf32>
    %mul3A_79 = arith.mulf %sub3A_78, %sub3A_78 : vector<64x1024xf32>
    %slice3A_80 = vector.extract_strided_slice %get3A_10 {offsets = [0, 12], sizes = [64, 1], strides = [1, 1]} : vector<64x32xf32> to vector<64x1xf32>
    %slice3A_81 = vector.extract_strided_slice %reshape3A {offsets = [12, 0], sizes = [1, 1024], strides = [1, 1]} : vector<32x1024xf32> to vector<1x1024xf32>
    %sub3A_82 = vector.broadcast %slice3A_80 : vector<64x1xf32> to vector<64x1024xf32>
    %sub3A_83 = vector.broadcast %slice3A_81 : vector<1x1024xf32> to vector<64x1024xf32>
    %sub3A_84 = arith.subf %sub3A_82, %sub3A_83 : vector<64x1024xf32>
    %mul3A_85 = arith.mulf %sub3A_84, %sub3A_84 : vector<64x1024xf32>
    %slice3A_86 = vector.extract_strided_slice %get3A_10 {offsets = [0, 13], sizes = [64, 1], strides = [1, 1]} : vector<64x32xf32> to vector<64x1xf32>
    %slice3A_87 = vector.extract_strided_slice %reshape3A {offsets = [13, 0], sizes = [1, 1024], strides = [1, 1]} : vector<32x1024xf32> to vector<1x1024xf32>
    %sub3A_88 = vector.broadcast %slice3A_86 : vector<64x1xf32> to vector<64x1024xf32>
    %sub3A_89 = vector.broadcast %slice3A_87 : vector<1x1024xf32> to vector<64x1024xf32>
    %sub3A_90 = arith.subf %sub3A_88, %sub3A_89 : vector<64x1024xf32>
    %mul3A_91 = arith.mulf %sub3A_90, %sub3A_90 : vector<64x1024xf32>
    %slice3A_92 = vector.extract_strided_slice %get3A_10 {offsets = [0, 14], sizes = [64, 1], strides = [1, 1]} : vector<64x32xf32> to vector<64x1xf32>
    %slice3A_93 = vector.extract_strided_slice %reshape3A {offsets = [14, 0], sizes = [1, 1024], strides = [1, 1]} : vector<32x1024xf32> to vector<1x1024xf32>
    %sub3A_94 = vector.broadcast %slice3A_92 : vector<64x1xf32> to vector<64x1024xf32>
    %sub3A_95 = vector.broadcast %slice3A_93 : vector<1x1024xf32> to vector<64x1024xf32>
    %sub3A_96 = arith.subf %sub3A_94, %sub3A_95 : vector<64x1024xf32>
    %mul3A_97 = arith.mulf %sub3A_96, %sub3A_96 : vector<64x1024xf32>
    %slice3A_98 = vector.extract_strided_slice %get3A_10 {offsets = [0, 15], sizes = [64, 1], strides = [1, 1]} : vector<64x32xf32> to vector<64x1xf32>
    %slice3A_99 = vector.extract_strided_slice %reshape3A {offsets = [15, 0], sizes = [1, 1024], strides = [1, 1]} : vector<32x1024xf32> to vector<1x1024xf32>
    %sub3A_100 = vector.broadcast %slice3A_98 : vector<64x1xf32> to vector<64x1024xf32>
    %sub3A_101 = vector.broadcast %slice3A_99 : vector<1x1024xf32> to vector<64x1024xf32>
    %sub3A_102 = arith.subf %sub3A_100, %sub3A_101 : vector<64x1024xf32>
    %mul3A_103 = arith.mulf %sub3A_102, %sub3A_102 : vector<64x1024xf32>
    %slice3A_104 = vector.extract_strided_slice %get3A_10 {offsets = [0, 16], sizes = [64, 1], strides = [1, 1]} : vector<64x32xf32> to vector<64x1xf32>
    %slice3A_105 = vector.extract_strided_slice %reshape3A {offsets = [16, 0], sizes = [1, 1024], strides = [1, 1]} : vector<32x1024xf32> to vector<1x1024xf32>
    %sub3A_106 = vector.broadcast %slice3A_104 : vector<64x1xf32> to vector<64x1024xf32>
    %sub3A_107 = vector.broadcast %slice3A_105 : vector<1x1024xf32> to vector<64x1024xf32>
    %sub3A_108 = arith.subf %sub3A_106, %sub3A_107 : vector<64x1024xf32>
    %mul3A_109 = arith.mulf %sub3A_108, %sub3A_108 : vector<64x1024xf32>
    %slice3A_110 = vector.extract_strided_slice %get3A_10 {offsets = [0, 17], sizes = [64, 1], strides = [1, 1]} : vector<64x32xf32> to vector<64x1xf32>
    %slice3A_111 = vector.extract_strided_slice %reshape3A {offsets = [17, 0], sizes = [1, 1024], strides = [1, 1]} : vector<32x1024xf32> to vector<1x1024xf32>
    %sub3A_112 = vector.broadcast %slice3A_110 : vector<64x1xf32> to vector<64x1024xf32>
    %sub3A_113 = vector.broadcast %slice3A_111 : vector<1x1024xf32> to vector<64x1024xf32>
    %sub3A_114 = arith.subf %sub3A_112, %sub3A_113 : vector<64x1024xf32>
    %mul3A_115 = arith.mulf %sub3A_114, %sub3A_114 : vector<64x1024xf32>
    %slice3A_116 = vector.extract_strided_slice %get3A_10 {offsets = [0, 18], sizes = [64, 1], strides = [1, 1]} : vector<64x32xf32> to vector<64x1xf32>
    %slice3A_117 = vector.extract_strided_slice %reshape3A {offsets = [18, 0], sizes = [1, 1024], strides = [1, 1]} : vector<32x1024xf32> to vector<1x1024xf32>
    %sub3A_118 = vector.broadcast %slice3A_116 : vector<64x1xf32> to vector<64x1024xf32>
    %sub3A_119 = vector.broadcast %slice3A_117 : vector<1x1024xf32> to vector<64x1024xf32>
    %sub3A_120 = arith.subf %sub3A_118, %sub3A_119 : vector<64x1024xf32>
    %mul3A_121 = arith.mulf %sub3A_120, %sub3A_120 : vector<64x1024xf32>
    %slice3A_122 = vector.extract_strided_slice %get3A_10 {offsets = [0, 19], sizes = [64, 1], strides = [1, 1]} : vector<64x32xf32> to vector<64x1xf32>
    %slice3A_123 = vector.extract_strided_slice %reshape3A {offsets = [19, 0], sizes = [1, 1024], strides = [1, 1]} : vector<32x1024xf32> to vector<1x1024xf32>
    %sub3A_124 = vector.broadcast %slice3A_122 : vector<64x1xf32> to vector<64x1024xf32>
    %sub3A_125 = vector.broadcast %slice3A_123 : vector<1x1024xf32> to vector<64x1024xf32>
    %sub3A_126 = arith.subf %sub3A_124, %sub3A_125 : vector<64x1024xf32>
    %mul3A_127 = arith.mulf %sub3A_126, %sub3A_126 : vector<64x1024xf32>
    %slice3A_128 = vector.extract_strided_slice %get3A_10 {offsets = [0, 20], sizes = [64, 1], strides = [1, 1]} : vector<64x32xf32> to vector<64x1xf32>
    %slice3A_129 = vector.extract_strided_slice %reshape3A {offsets = [20, 0], sizes = [1, 1024], strides = [1, 1]} : vector<32x1024xf32> to vector<1x1024xf32>
    %sub3A_130 = vector.broadcast %slice3A_128 : vector<64x1xf32> to vector<64x1024xf32>
    %sub3A_131 = vector.broadcast %slice3A_129 : vector<1x1024xf32> to vector<64x1024xf32>
    %sub3A_132 = arith.subf %sub3A_130, %sub3A_131 : vector<64x1024xf32>
    %mul3A_133 = arith.mulf %sub3A_132, %sub3A_132 : vector<64x1024xf32>
    %slice3A_134 = vector.extract_strided_slice %get3A_10 {offsets = [0, 21], sizes = [64, 1], strides = [1, 1]} : vector<64x32xf32> to vector<64x1xf32>
    %slice3A_135 = vector.extract_strided_slice %reshape3A {offsets = [21, 0], sizes = [1, 1024], strides = [1, 1]} : vector<32x1024xf32> to vector<1x1024xf32>
    %sub3A_136 = vector.broadcast %slice3A_134 : vector<64x1xf32> to vector<64x1024xf32>
    %sub3A_137 = vector.broadcast %slice3A_135 : vector<1x1024xf32> to vector<64x1024xf32>
    %sub3A_138 = arith.subf %sub3A_136, %sub3A_137 : vector<64x1024xf32>
    %mul3A_139 = arith.mulf %sub3A_138, %sub3A_138 : vector<64x1024xf32>
    %slice3A_140 = vector.extract_strided_slice %get3A_10 {offsets = [0, 22], sizes = [64, 1], strides = [1, 1]} : vector<64x32xf32> to vector<64x1xf32>
    %slice3A_141 = vector.extract_strided_slice %reshape3A {offsets = [22, 0], sizes = [1, 1024], strides = [1, 1]} : vector<32x1024xf32> to vector<1x1024xf32>
    %sub3A_142 = vector.broadcast %slice3A_140 : vector<64x1xf32> to vector<64x1024xf32>
    %sub3A_143 = vector.broadcast %slice3A_141 : vector<1x1024xf32> to vector<64x1024xf32>
    %sub3A_144 = arith.subf %sub3A_142, %sub3A_143 : vector<64x1024xf32>
    %mul3A_145 = arith.mulf %sub3A_144, %sub3A_144 : vector<64x1024xf32>
    %slice3A_146 = vector.extract_strided_slice %get3A_10 {offsets = [0, 23], sizes = [64, 1], strides = [1, 1]} : vector<64x32xf32> to vector<64x1xf32>
    %slice3A_147 = vector.extract_strided_slice %reshape3A {offsets = [23, 0], sizes = [1, 1024], strides = [1, 1]} : vector<32x1024xf32> to vector<1x1024xf32>
    %sub3A_148 = vector.broadcast %slice3A_146 : vector<64x1xf32> to vector<64x1024xf32>
    %sub3A_149 = vector.broadcast %slice3A_147 : vector<1x1024xf32> to vector<64x1024xf32>
    %sub3A_150 = arith.subf %sub3A_148, %sub3A_149 : vector<64x1024xf32>
    %mul3A_151 = arith.mulf %sub3A_150, %sub3A_150 : vector<64x1024xf32>
    %slice3A_152 = vector.extract_strided_slice %get3A_10 {offsets = [0, 24], sizes = [64, 1], strides = [1, 1]} : vector<64x32xf32> to vector<64x1xf32>
    %slice3A_153 = vector.extract_strided_slice %reshape3A {offsets = [24, 0], sizes = [1, 1024], strides = [1, 1]} : vector<32x1024xf32> to vector<1x1024xf32>
    %sub3A_154 = vector.broadcast %slice3A_152 : vector<64x1xf32> to vector<64x1024xf32>
    %sub3A_155 = vector.broadcast %slice3A_153 : vector<1x1024xf32> to vector<64x1024xf32>
    %sub3A_156 = arith.subf %sub3A_154, %sub3A_155 : vector<64x1024xf32>
    %mul3A_157 = arith.mulf %sub3A_156, %sub3A_156 : vector<64x1024xf32>
    %slice3A_158 = vector.extract_strided_slice %get3A_10 {offsets = [0, 25], sizes = [64, 1], strides = [1, 1]} : vector<64x32xf32> to vector<64x1xf32>
    %slice3A_159 = vector.extract_strided_slice %reshape3A {offsets = [25, 0], sizes = [1, 1024], strides = [1, 1]} : vector<32x1024xf32> to vector<1x1024xf32>
    %sub3A_160 = vector.broadcast %slice3A_158 : vector<64x1xf32> to vector<64x1024xf32>
    %sub3A_161 = vector.broadcast %slice3A_159 : vector<1x1024xf32> to vector<64x1024xf32>
    %sub3A_162 = arith.subf %sub3A_160, %sub3A_161 : vector<64x1024xf32>
    %mul3A_163 = arith.mulf %sub3A_162, %sub3A_162 : vector<64x1024xf32>
    %slice3A_164 = vector.extract_strided_slice %get3A_10 {offsets = [0, 26], sizes = [64, 1], strides = [1, 1]} : vector<64x32xf32> to vector<64x1xf32>
    %slice3A_165 = vector.extract_strided_slice %reshape3A {offsets = [26, 0], sizes = [1, 1024], strides = [1, 1]} : vector<32x1024xf32> to vector<1x1024xf32>
    %sub3A_166 = vector.broadcast %slice3A_164 : vector<64x1xf32> to vector<64x1024xf32>
    %sub3A_167 = vector.broadcast %slice3A_165 : vector<1x1024xf32> to vector<64x1024xf32>
    %sub3A_168 = arith.subf %sub3A_166, %sub3A_167 : vector<64x1024xf32>
    %mul3A_169 = arith.mulf %sub3A_168, %sub3A_168 : vector<64x1024xf32>
    %slice3A_170 = vector.extract_strided_slice %get3A_10 {offsets = [0, 27], sizes = [64, 1], strides = [1, 1]} : vector<64x32xf32> to vector<64x1xf32>
    %slice3A_171 = vector.extract_strided_slice %reshape3A {offsets = [27, 0], sizes = [1, 1024], strides = [1, 1]} : vector<32x1024xf32> to vector<1x1024xf32>
    %sub3A_172 = vector.broadcast %slice3A_170 : vector<64x1xf32> to vector<64x1024xf32>
    %sub3A_173 = vector.broadcast %slice3A_171 : vector<1x1024xf32> to vector<64x1024xf32>
    %sub3A_174 = arith.subf %sub3A_172, %sub3A_173 : vector<64x1024xf32>
    %mul3A_175 = arith.mulf %sub3A_174, %sub3A_174 : vector<64x1024xf32>
    %slice3A_176 = vector.extract_strided_slice %get3A_10 {offsets = [0, 28], sizes = [64, 1], strides = [1, 1]} : vector<64x32xf32> to vector<64x1xf32>
    %slice3A_177 = vector.extract_strided_slice %reshape3A {offsets = [28, 0], sizes = [1, 1024], strides = [1, 1]} : vector<32x1024xf32> to vector<1x1024xf32>
    %sub3A_178 = vector.broadcast %slice3A_176 : vector<64x1xf32> to vector<64x1024xf32>
    %sub3A_179 = vector.broadcast %slice3A_177 : vector<1x1024xf32> to vector<64x1024xf32>
    %sub3A_180 = arith.subf %sub3A_178, %sub3A_179 : vector<64x1024xf32>
    %mul3A_181 = arith.mulf %sub3A_180, %sub3A_180 : vector<64x1024xf32>
    %slice3A_182 = vector.extract_strided_slice %get3A_10 {offsets = [0, 29], sizes = [64, 1], strides = [1, 1]} : vector<64x32xf32> to vector<64x1xf32>
    %slice3A_183 = vector.extract_strided_slice %reshape3A {offsets = [29, 0], sizes = [1, 1024], strides = [1, 1]} : vector<32x1024xf32> to vector<1x1024xf32>
    %sub3A_184 = vector.broadcast %slice3A_182 : vector<64x1xf32> to vector<64x1024xf32>
    %sub3A_185 = vector.broadcast %slice3A_183 : vector<1x1024xf32> to vector<64x1024xf32>
    %sub3A_186 = arith.subf %sub3A_184, %sub3A_185 : vector<64x1024xf32>
    %mul3A_187 = arith.mulf %sub3A_186, %sub3A_186 : vector<64x1024xf32>
    %slice3A_188 = vector.extract_strided_slice %get3A_10 {offsets = [0, 30], sizes = [64, 1], strides = [1, 1]} : vector<64x32xf32> to vector<64x1xf32>
    %slice3A_189 = vector.extract_strided_slice %reshape3A {offsets = [30, 0], sizes = [1, 1024], strides = [1, 1]} : vector<32x1024xf32> to vector<1x1024xf32>
    %sub3A_190 = vector.broadcast %slice3A_188 : vector<64x1xf32> to vector<64x1024xf32>
    %sub3A_191 = vector.broadcast %slice3A_189 : vector<1x1024xf32> to vector<64x1024xf32>
    %sub3A_192 = arith.subf %sub3A_190, %sub3A_191 : vector<64x1024xf32>
    %mul3A_193 = arith.mulf %sub3A_192, %sub3A_192 : vector<64x1024xf32>
    %slice3A_194 = vector.extract_strided_slice %get3A_10 {offsets = [0, 31], sizes = [64, 1], strides = [1, 1]} : vector<64x32xf32> to vector<64x1xf32>
    %slice3A_195 = vector.extract_strided_slice %reshape3A {offsets = [31, 0], sizes = [1, 1024], strides = [1, 1]} : vector<32x1024xf32> to vector<1x1024xf32>
    %sub3A_196 = vector.broadcast %slice3A_194 : vector<64x1xf32> to vector<64x1024xf32>
    %sub3A_197 = vector.broadcast %slice3A_195 : vector<1x1024xf32> to vector<64x1024xf32>
    %sub3A_198 = arith.subf %sub3A_196, %sub3A_197 : vector<64x1024xf32>
    %mul3A_199 = arith.mulf %sub3A_198, %sub3A_198 : vector<64x1024xf32>
    %add3A = arith.addf %mul3A, %mul3A_37 : vector<64x1024xf32>
    %add3A_200 = arith.addf %mul3A_25, %mul3A_49 : vector<64x1024xf32>
    %add3A_201 = arith.addf %add3A, %add3A_200 : vector<64x1024xf32>
    %add3A_202 = arith.addf %mul3A_19, %mul3A_43 : vector<64x1024xf32>
    %add3A_203 = arith.addf %mul3A_31, %mul3A_55 : vector<64x1024xf32>
    %add3A_204 = arith.addf %add3A_202, %add3A_203 : vector<64x1024xf32>
    %add3A_205 = arith.addf %add3A_201, %add3A_204 : vector<64x1024xf32>
    %add3A_206 = arith.addf %mul3A_61, %mul3A_85 : vector<64x1024xf32>
    %add3A_207 = arith.addf %mul3A_73, %mul3A_97 : vector<64x1024xf32>
    %add3A_208 = arith.addf %add3A_206, %add3A_207 : vector<64x1024xf32>
    %add3A_209 = arith.addf %mul3A_67, %mul3A_91 : vector<64x1024xf32>
    %add3A_210 = arith.addf %mul3A_79, %mul3A_103 : vector<64x1024xf32>
    %add3A_211 = arith.addf %add3A_209, %add3A_210 : vector<64x1024xf32>
    %add3A_212 = arith.addf %add3A_208, %add3A_211 : vector<64x1024xf32>
    %add3A_213 = arith.addf %mul3A_109, %mul3A_133 : vector<64x1024xf32>
    %add3A_214 = arith.addf %mul3A_121, %mul3A_145 : vector<64x1024xf32>
    %add3A_215 = arith.addf %add3A_213, %add3A_214 : vector<64x1024xf32>
    %add3A_216 = arith.addf %mul3A_115, %mul3A_139 : vector<64x1024xf32>
    %add3A_217 = arith.addf %mul3A_127, %mul3A_151 : vector<64x1024xf32>
    %add3A_218 = arith.addf %add3A_216, %add3A_217 : vector<64x1024xf32>
    %add3A_219 = arith.addf %add3A_215, %add3A_218 : vector<64x1024xf32>
    %add3A_220 = arith.addf %mul3A_157, %mul3A_181 : vector<64x1024xf32>
    %add3A_221 = arith.addf %mul3A_169, %mul3A_193 : vector<64x1024xf32>
    %add3A_222 = arith.addf %add3A_220, %add3A_221 : vector<64x1024xf32>
    %add3A_223 = arith.addf %mul3A_163, %mul3A_187 : vector<64x1024xf32>
    %add3A_224 = arith.addf %mul3A_175, %mul3A_199 : vector<64x1024xf32>
    %add3A_225 = arith.addf %add3A_223, %add3A_224 : vector<64x1024xf32>
    %add3A_226 = arith.addf %add3A_222, %add3A_225 : vector<64x1024xf32>
    %add3A_227 = arith.addf %add3A_205, %add3A_212 : vector<64x1024xf32>
    %add3A_228 = arith.addf %add3A_227, %add3A_219 : vector<64x1024xf32>
    %add3A_229 = arith.addf %add3A_228, %add3A_226 : vector<64x1024xf32>
    %reduce_min3A = arith.constant dense<0x7F800000> : vector<1024xf32>
    %reduce_min3A_230 = vector.multi_reduction <minimumf>, %add3A_229, %reduce_min3A [0] : vector<64x1024xf32> to vector<1024xf32>
    %broadcast_in_dim3A_231 = vector.shape_cast %reduce_min3A_230 : vector<1024xf32> to vector<1x1024xf32>
    %iota3A = tpu.iota {dimensions = array<i32: 0>} : vector<64x1024xi32>
    %eq3A = vector.broadcast %broadcast_in_dim3A_231 : vector<1x1024xf32> to vector<64x1024xf32>
    %eq3A_232 = arith.cmpf oeq, %add3A_229, %eq3A : vector<64x1024xf32>
    %jit3A = arith.constant 512 : i32
    %broadcast_in_dim3A_233 = vector.broadcast %jit3A : i32 to vector<64x1024xi32>
    %select_n3A = arith.select %eq3A_232, %iota3A, %broadcast_in_dim3A_233 : vector<64x1024xi1>, vector<64x1024xi32>
    %reduce_min3A_234 = arith.constant dense<2147483647> : vector<1024xi32>
    %reduce_min3A_235 = vector.multi_reduction <minsi>, %select_n3A, %reduce_min3A_234 [0] : vector<64x1024xi32> to vector<1024xi32>
    %broadcast_in_dim3A_236 = vector.shape_cast %reduce_min3A_235 : vector<1024xi32> to vector<1x1024xi32>
    %add3A_237 = arith.constant 0 : i32
    %add3A_238 = vector.broadcast %add3A_237 : i32 to vector<1x1024xi32>
    %add3A_239 = arith.addi %broadcast_in_dim3A_236, %add3A_238 : vector<1x1024xi32>
    %lt3A = arith.cmpf olt, %broadcast_in_dim3A_231, %broadcast_in_dim3A_5 : vector<1x1024xf32>
    %select_n3A_240 = arith.select %lt3A, %broadcast_in_dim3A_231, %broadcast_in_dim3A_5 : vector<1x1024xi1>, vector<1x1024xf32>
    %select_n3A_241 = arith.select %lt3A, %add3A_239, %broadcast_in_dim3A_7 : vector<1x1024xi1>, vector<1x1024xi32>
    %get3A_242 = arith.constant 64 : index
    %get3A_243 = arith.constant 0 : index
    %get3A_244 = vector.load %arg2[%get3A_242, %get3A_243] : memref<512x32xf32, #tpu.memory_space<vmem>>, vector<64x32xf32>
    %slice3A_245 = vector.extract_strided_slice %get3A_244 {offsets = [0, 0], sizes = [64, 1], strides = [1, 1]} : vector<64x32xf32> to vector<64x1xf32>
    %slice3A_246 = vector.extract_strided_slice %reshape3A {offsets = [0, 0], sizes = [1, 1024], strides = [1, 1]} : vector<32x1024xf32> to vector<1x1024xf32>
    %sub3A_247 = vector.broadcast %slice3A_245 : vector<64x1xf32> to vector<64x1024xf32>
    %sub3A_248 = vector.broadcast %slice3A_246 : vector<1x1024xf32> to vector<64x1024xf32>
    %sub3A_249 = arith.subf %sub3A_247, %sub3A_248 : vector<64x1024xf32>
    %mul3A_250 = arith.mulf %sub3A_249, %sub3A_249 : vector<64x1024xf32>
    %slice3A_251 = vector.extract_strided_slice %get3A_244 {offsets = [0, 1], sizes = [64, 1], strides = [1, 1]} : vector<64x32xf32> to vector<64x1xf32>
    %slice3A_252 = vector.extract_strided_slice %reshape3A {offsets = [1, 0], sizes = [1, 1024], strides = [1, 1]} : vector<32x1024xf32> to vector<1x1024xf32>
    %sub3A_253 = vector.broadcast %slice3A_251 : vector<64x1xf32> to vector<64x1024xf32>
    %sub3A_254 = vector.broadcast %slice3A_252 : vector<1x1024xf32> to vector<64x1024xf32>
    %sub3A_255 = arith.subf %sub3A_253, %sub3A_254 : vector<64x1024xf32>
    %mul3A_256 = arith.mulf %sub3A_255, %sub3A_255 : vector<64x1024xf32>
    %slice3A_257 = vector.extract_strided_slice %get3A_244 {offsets = [0, 2], sizes = [64, 1], strides = [1, 1]} : vector<64x32xf32> to vector<64x1xf32>
    %slice3A_258 = vector.extract_strided_slice %reshape3A {offsets = [2, 0], sizes = [1, 1024], strides = [1, 1]} : vector<32x1024xf32> to vector<1x1024xf32>
    %sub3A_259 = vector.broadcast %slice3A_257 : vector<64x1xf32> to vector<64x1024xf32>
    %sub3A_260 = vector.broadcast %slice3A_258 : vector<1x1024xf32> to vector<64x1024xf32>
    %sub3A_261 = arith.subf %sub3A_259, %sub3A_260 : vector<64x1024xf32>
    %mul3A_262 = arith.mulf %sub3A_261, %sub3A_261 : vector<64x1024xf32>
    %slice3A_263 = vector.extract_strided_slice %get3A_244 {offsets = [0, 3], sizes = [64, 1], strides = [1, 1]} : vector<64x32xf32> to vector<64x1xf32>
    %slice3A_264 = vector.extract_strided_slice %reshape3A {offsets = [3, 0], sizes = [1, 1024], strides = [1, 1]} : vector<32x1024xf32> to vector<1x1024xf32>
    %sub3A_265 = vector.broadcast %slice3A_263 : vector<64x1xf32> to vector<64x1024xf32>
    %sub3A_266 = vector.broadcast %slice3A_264 : vector<1x1024xf32> to vector<64x1024xf32>
    %sub3A_267 = arith.subf %sub3A_265, %sub3A_266 : vector<64x1024xf32>
    %mul3A_268 = arith.mulf %sub3A_267, %sub3A_267 : vector<64x1024xf32>
    %slice3A_269 = vector.extract_strided_slice %get3A_244 {offsets = [0, 4], sizes = [64, 1], strides = [1, 1]} : vector<64x32xf32> to vector<64x1xf32>
    %slice3A_270 = vector.extract_strided_slice %reshape3A {offsets = [4, 0], sizes = [1, 1024], strides = [1, 1]} : vector<32x1024xf32> to vector<1x1024xf32>
    %sub3A_271 = vector.broadcast %slice3A_269 : vector<64x1xf32> to vector<64x1024xf32>
    %sub3A_272 = vector.broadcast %slice3A_270 : vector<1x1024xf32> to vector<64x1024xf32>
    %sub3A_273 = arith.subf %sub3A_271, %sub3A_272 : vector<64x1024xf32>
    %mul3A_274 = arith.mulf %sub3A_273, %sub3A_273 : vector<64x1024xf32>
    %slice3A_275 = vector.extract_strided_slice %get3A_244 {offsets = [0, 5], sizes = [64, 1], strides = [1, 1]} : vector<64x32xf32> to vector<64x1xf32>
    %slice3A_276 = vector.extract_strided_slice %reshape3A {offsets = [5, 0], sizes = [1, 1024], strides = [1, 1]} : vector<32x1024xf32> to vector<1x1024xf32>
    %sub3A_277 = vector.broadcast %slice3A_275 : vector<64x1xf32> to vector<64x1024xf32>
    %sub3A_278 = vector.broadcast %slice3A_276 : vector<1x1024xf32> to vector<64x1024xf32>
    %sub3A_279 = arith.subf %sub3A_277, %sub3A_278 : vector<64x1024xf32>
    %mul3A_280 = arith.mulf %sub3A_279, %sub3A_279 : vector<64x1024xf32>
    %slice3A_281 = vector.extract_strided_slice %get3A_244 {offsets = [0, 6], sizes = [64, 1], strides = [1, 1]} : vector<64x32xf32> to vector<64x1xf32>
    %slice3A_282 = vector.extract_strided_slice %reshape3A {offsets = [6, 0], sizes = [1, 1024], strides = [1, 1]} : vector<32x1024xf32> to vector<1x1024xf32>
    %sub3A_283 = vector.broadcast %slice3A_281 : vector<64x1xf32> to vector<64x1024xf32>
    %sub3A_284 = vector.broadcast %slice3A_282 : vector<1x1024xf32> to vector<64x1024xf32>
    %sub3A_285 = arith.subf %sub3A_283, %sub3A_284 : vector<64x1024xf32>
    %mul3A_286 = arith.mulf %sub3A_285, %sub3A_285 : vector<64x1024xf32>
    %slice3A_287 = vector.extract_strided_slice %get3A_244 {offsets = [0, 7], sizes = [64, 1], strides = [1, 1]} : vector<64x32xf32> to vector<64x1xf32>
    %slice3A_288 = vector.extract_strided_slice %reshape3A {offsets = [7, 0], sizes = [1, 1024], strides = [1, 1]} : vector<32x1024xf32> to vector<1x1024xf32>
    %sub3A_289 = vector.broadcast %slice3A_287 : vector<64x1xf32> to vector<64x1024xf32>
    %sub3A_290 = vector.broadcast %slice3A_288 : vector<1x1024xf32> to vector<64x1024xf32>
    %sub3A_291 = arith.subf %sub3A_289, %sub3A_290 : vector<64x1024xf32>
    %mul3A_292 = arith.mulf %sub3A_291, %sub3A_291 : vector<64x1024xf32>
    %slice3A_293 = vector.extract_strided_slice %get3A_244 {offsets = [0, 8], sizes = [64, 1], strides = [1, 1]} : vector<64x32xf32> to vector<64x1xf32>
    %slice3A_294 = vector.extract_strided_slice %reshape3A {offsets = [8, 0], sizes = [1, 1024], strides = [1, 1]} : vector<32x1024xf32> to vector<1x1024xf32>
    %sub3A_295 = vector.broadcast %slice3A_293 : vector<64x1xf32> to vector<64x1024xf32>
    %sub3A_296 = vector.broadcast %slice3A_294 : vector<1x1024xf32> to vector<64x1024xf32>
    %sub3A_297 = arith.subf %sub3A_295, %sub3A_296 : vector<64x1024xf32>
    %mul3A_298 = arith.mulf %sub3A_297, %sub3A_297 : vector<64x1024xf32>
    %slice3A_299 = vector.extract_strided_slice %get3A_244 {offsets = [0, 9], sizes = [64, 1], strides = [1, 1]} : vector<64x32xf32> to vector<64x1xf32>
    %slice3A_300 = vector.extract_strided_slice %reshape3A {offsets = [9, 0], sizes = [1, 1024], strides = [1, 1]} : vector<32x1024xf32> to vector<1x1024xf32>
    %sub3A_301 = vector.broadcast %slice3A_299 : vector<64x1xf32> to vector<64x1024xf32>
    %sub3A_302 = vector.broadcast %slice3A_300 : vector<1x1024xf32> to vector<64x1024xf32>
    %sub3A_303 = arith.subf %sub3A_301, %sub3A_302 : vector<64x1024xf32>
    %mul3A_304 = arith.mulf %sub3A_303, %sub3A_303 : vector<64x1024xf32>
    %slice3A_305 = vector.extract_strided_slice %get3A_244 {offsets = [0, 10], sizes = [64, 1], strides = [1, 1]} : vector<64x32xf32> to vector<64x1xf32>
    %slice3A_306 = vector.extract_strided_slice %reshape3A {offsets = [10, 0], sizes = [1, 1024], strides = [1, 1]} : vector<32x1024xf32> to vector<1x1024xf32>
    %sub3A_307 = vector.broadcast %slice3A_305 : vector<64x1xf32> to vector<64x1024xf32>
    %sub3A_308 = vector.broadcast %slice3A_306 : vector<1x1024xf32> to vector<64x1024xf32>
    %sub3A_309 = arith.subf %sub3A_307, %sub3A_308 : vector<64x1024xf32>
    %mul3A_310 = arith.mulf %sub3A_309, %sub3A_309 : vector<64x1024xf32>
    %slice3A_311 = vector.extract_strided_slice %get3A_244 {offsets = [0, 11], sizes = [64, 1], strides = [1, 1]} : vector<64x32xf32> to vector<64x1xf32>
    %slice3A_312 = vector.extract_strided_slice %reshape3A {offsets = [11, 0], sizes = [1, 1024], strides = [1, 1]} : vector<32x1024xf32> to vector<1x1024xf32>
    %sub3A_313 = vector.broadcast %slice3A_311 : vector<64x1xf32> to vector<64x1024xf32>
    %sub3A_314 = vector.broadcast %slice3A_312 : vector<1x1024xf32> to vector<64x1024xf32>
    %sub3A_315 = arith.subf %sub3A_313, %sub3A_314 : vector<64x1024xf32>
    %mul3A_316 = arith.mulf %sub3A_315, %sub3A_315 : vector<64x1024xf32>
    %slice3A_317 = vector.extract_strided_slice %get3A_244 {offsets = [0, 12], sizes = [64, 1], strides = [1, 1]} : vector<64x32xf32> to vector<64x1xf32>
    %slice3A_318 = vector.extract_strided_slice %reshape3A {offsets = [12, 0], sizes = [1, 1024], strides = [1, 1]} : vector<32x1024xf32> to vector<1x1024xf32>
    %sub3A_319 = vector.broadcast %slice3A_317 : vector<64x1xf32> to vector<64x1024xf32>
    %sub3A_320 = vector.broadcast %slice3A_318 : vector<1x1024xf32> to vector<64x1024xf32>
    %sub3A_321 = arith.subf %sub3A_319, %sub3A_320 : vector<64x1024xf32>
    %mul3A_322 = arith.mulf %sub3A_321, %sub3A_321 : vector<64x1024xf32>
    %slice3A_323 = vector.extract_strided_slice %get3A_244 {offsets = [0, 13], sizes = [64, 1], strides = [1, 1]} : vector<64x32xf32> to vector<64x1xf32>
    %slice3A_324 = vector.extract_strided_slice %reshape3A {offsets = [13, 0], sizes = [1, 1024], strides = [1, 1]} : vector<32x1024xf32> to vector<1x1024xf32>
    %sub3A_325 = vector.broadcast %slice3A_323 : vector<64x1xf32> to vector<64x1024xf32>
    %sub3A_326 = vector.broadcast %slice3A_324 : vector<1x1024xf32> to vector<64x1024xf32>
    %sub3A_327 = arith.subf %sub3A_325, %sub3A_326 : vector<64x1024xf32>
    %mul3A_328 = arith.mulf %sub3A_327, %sub3A_327 : vector<64x1024xf32>
    %slice3A_329 = vector.extract_strided_slice %get3A_244 {offsets = [0, 14], sizes = [64, 1], strides = [1, 1]} : vector<64x32xf32> to vector<64x1xf32>
    %slice3A_330 = vector.extract_strided_slice %reshape3A {offsets = [14, 0], sizes = [1, 1024], strides = [1, 1]} : vector<32x1024xf32> to vector<1x1024xf32>
    %sub3A_331 = vector.broadcast %slice3A_329 : vector<64x1xf32> to vector<64x1024xf32>
    %sub3A_332 = vector.broadcast %slice3A_330 : vector<1x1024xf32> to vector<64x1024xf32>
    %sub3A_333 = arith.subf %sub3A_331, %sub3A_332 : vector<64x1024xf32>
    %mul3A_334 = arith.mulf %sub3A_333, %sub3A_333 : vector<64x1024xf32>
    %slice3A_335 = vector.extract_strided_slice %get3A_244 {offsets = [0, 15], sizes = [64, 1], strides = [1, 1]} : vector<64x32xf32> to vector<64x1xf32>
    %slice3A_336 = vector.extract_strided_slice %reshape3A {offsets = [15, 0], sizes = [1, 1024], strides = [1, 1]} : vector<32x1024xf32> to vector<1x1024xf32>
    %sub3A_337 = vector.broadcast %slice3A_335 : vector<64x1xf32> to vector<64x1024xf32>
    %sub3A_338 = vector.broadcast %slice3A_336 : vector<1x1024xf32> to vector<64x1024xf32>
    %sub3A_339 = arith.subf %sub3A_337, %sub3A_338 : vector<64x1024xf32>
    %mul3A_340 = arith.mulf %sub3A_339, %sub3A_339 : vector<64x1024xf32>
    %slice3A_341 = vector.extract_strided_slice %get3A_244 {offsets = [0, 16], sizes = [64, 1], strides = [1, 1]} : vector<64x32xf32> to vector<64x1xf32>
    %slice3A_342 = vector.extract_strided_slice %reshape3A {offsets = [16, 0], sizes = [1, 1024], strides = [1, 1]} : vector<32x1024xf32> to vector<1x1024xf32>
    %sub3A_343 = vector.broadcast %slice3A_341 : vector<64x1xf32> to vector<64x1024xf32>
    %sub3A_344 = vector.broadcast %slice3A_342 : vector<1x1024xf32> to vector<64x1024xf32>
    %sub3A_345 = arith.subf %sub3A_343, %sub3A_344 : vector<64x1024xf32>
    %mul3A_346 = arith.mulf %sub3A_345, %sub3A_345 : vector<64x1024xf32>
    %slice3A_347 = vector.extract_strided_slice %get3A_244 {offsets = [0, 17], sizes = [64, 1], strides = [1, 1]} : vector<64x32xf32> to vector<64x1xf32>
    %slice3A_348 = vector.extract_strided_slice %reshape3A {offsets = [17, 0], sizes = [1, 1024], strides = [1, 1]} : vector<32x1024xf32> to vector<1x1024xf32>
    %sub3A_349 = vector.broadcast %slice3A_347 : vector<64x1xf32> to vector<64x1024xf32>
    %sub3A_350 = vector.broadcast %slice3A_348 : vector<1x1024xf32> to vector<64x1024xf32>
    %sub3A_351 = arith.subf %sub3A_349, %sub3A_350 : vector<64x1024xf32>
    %mul3A_352 = arith.mulf %sub3A_351, %sub3A_351 : vector<64x1024xf32>
    %slice3A_353 = vector.extract_strided_slice %get3A_244 {offsets = [0, 18], sizes = [64, 1], strides = [1, 1]} : vector<64x32xf32> to vector<64x1xf32>
    %slice3A_354 = vector.extract_strided_slice %reshape3A {offsets = [18, 0], sizes = [1, 1024], strides = [1, 1]} : vector<32x1024xf32> to vector<1x1024xf32>
    %sub3A_355 = vector.broadcast %slice3A_353 : vector<64x1xf32> to vector<64x1024xf32>
    %sub3A_356 = vector.broadcast %slice3A_354 : vector<1x1024xf32> to vector<64x1024xf32>
    %sub3A_357 = arith.subf %sub3A_355, %sub3A_356 : vector<64x1024xf32>
    %mul3A_358 = arith.mulf %sub3A_357, %sub3A_357 : vector<64x1024xf32>
    %slice3A_359 = vector.extract_strided_slice %get3A_244 {offsets = [0, 19], sizes = [64, 1], strides = [1, 1]} : vector<64x32xf32> to vector<64x1xf32>
    %slice3A_360 = vector.extract_strided_slice %reshape3A {offsets = [19, 0], sizes = [1, 1024], strides = [1, 1]} : vector<32x1024xf32> to vector<1x1024xf32>
    %sub3A_361 = vector.broadcast %slice3A_359 : vector<64x1xf32> to vector<64x1024xf32>
    %sub3A_362 = vector.broadcast %slice3A_360 : vector<1x1024xf32> to vector<64x1024xf32>
    %sub3A_363 = arith.subf %sub3A_361, %sub3A_362 : vector<64x1024xf32>
    %mul3A_364 = arith.mulf %sub3A_363, %sub3A_363 : vector<64x1024xf32>
    %slice3A_365 = vector.extract_strided_slice %get3A_244 {offsets = [0, 20], sizes = [64, 1], strides = [1, 1]} : vector<64x32xf32> to vector<64x1xf32>
    %slice3A_366 = vector.extract_strided_slice %reshape3A {offsets = [20, 0], sizes = [1, 1024], strides = [1, 1]} : vector<32x1024xf32> to vector<1x1024xf32>
    %sub3A_367 = vector.broadcast %slice3A_365 : vector<64x1xf32> to vector<64x1024xf32>
    %sub3A_368 = vector.broadcast %slice3A_366 : vector<1x1024xf32> to vector<64x1024xf32>
    %sub3A_369 = arith.subf %sub3A_367, %sub3A_368 : vector<64x1024xf32>
    %mul3A_370 = arith.mulf %sub3A_369, %sub3A_369 : vector<64x1024xf32>
    %slice3A_371 = vector.extract_strided_slice %get3A_244 {offsets = [0, 21], sizes = [64, 1], strides = [1, 1]} : vector<64x32xf32> to vector<64x1xf32>
    %slice3A_372 = vector.extract_strided_slice %reshape3A {offsets = [21, 0], sizes = [1, 1024], strides = [1, 1]} : vector<32x1024xf32> to vector<1x1024xf32>
    %sub3A_373 = vector.broadcast %slice3A_371 : vector<64x1xf32> to vector<64x1024xf32>
    %sub3A_374 = vector.broadcast %slice3A_372 : vector<1x1024xf32> to vector<64x1024xf32>
    %sub3A_375 = arith.subf %sub3A_373, %sub3A_374 : vector<64x1024xf32>
    %mul3A_376 = arith.mulf %sub3A_375, %sub3A_375 : vector<64x1024xf32>
    %slice3A_377 = vector.extract_strided_slice %get3A_244 {offsets = [0, 22], sizes = [64, 1], strides = [1, 1]} : vector<64x32xf32> to vector<64x1xf32>
    %slice3A_378 = vector.extract_strided_slice %reshape3A {offsets = [22, 0], sizes = [1, 1024], strides = [1, 1]} : vector<32x1024xf32> to vector<1x1024xf32>
    %sub3A_379 = vector.broadcast %slice3A_377 : vector<64x1xf32> to vector<64x1024xf32>
    %sub3A_380 = vector.broadcast %slice3A_378 : vector<1x1024xf32> to vector<64x1024xf32>
    %sub3A_381 = arith.subf %sub3A_379, %sub3A_380 : vector<64x1024xf32>
    %mul3A_382 = arith.mulf %sub3A_381, %sub3A_381 : vector<64x1024xf32>
    %slice3A_383 = vector.extract_strided_slice %get3A_244 {offsets = [0, 23], sizes = [64, 1], strides = [1, 1]} : vector<64x32xf32> to vector<64x1xf32>
    %slice3A_384 = vector.extract_strided_slice %reshape3A {offsets = [23, 0], sizes = [1, 1024], strides = [1, 1]} : vector<32x1024xf32> to vector<1x1024xf32>
    %sub3A_385 = vector.broadcast %slice3A_383 : vector<64x1xf32> to vector<64x1024xf32>
    %sub3A_386 = vector.broadcast %slice3A_384 : vector<1x1024xf32> to vector<64x1024xf32>
    %sub3A_387 = arith.subf %sub3A_385, %sub3A_386 : vector<64x1024xf32>
    %mul3A_388 = arith.mulf %sub3A_387, %sub3A_387 : vector<64x1024xf32>
    %slice3A_389 = vector.extract_strided_slice %get3A_244 {offsets = [0, 24], sizes = [64, 1], strides = [1, 1]} : vector<64x32xf32> to vector<64x1xf32>
    %slice3A_390 = vector.extract_strided_slice %reshape3A {offsets = [24, 0], sizes = [1, 1024], strides = [1, 1]} : vector<32x1024xf32> to vector<1x1024xf32>
    %sub3A_391 = vector.broadcast %slice3A_389 : vector<64x1xf32> to vector<64x1024xf32>
    %sub3A_392 = vector.broadcast %slice3A_390 : vector<1x1024xf32> to vector<64x1024xf32>
    %sub3A_393 = arith.subf %sub3A_391, %sub3A_392 : vector<64x1024xf32>
    %mul3A_394 = arith.mulf %sub3A_393, %sub3A_393 : vector<64x1024xf32>
    %slice3A_395 = vector.extract_strided_slice %get3A_244 {offsets = [0, 25], sizes = [64, 1], strides = [1, 1]} : vector<64x32xf32> to vector<64x1xf32>
    %slice3A_396 = vector.extract_strided_slice %reshape3A {offsets = [25, 0], sizes = [1, 1024], strides = [1, 1]} : vector<32x1024xf32> to vector<1x1024xf32>
    %sub3A_397 = vector.broadcast %slice3A_395 : vector<64x1xf32> to vector<64x1024xf32>
    %sub3A_398 = vector.broadcast %slice3A_396 : vector<1x1024xf32> to vector<64x1024xf32>
    %sub3A_399 = arith.subf %sub3A_397, %sub3A_398 : vector<64x1024xf32>
    %mul3A_400 = arith.mulf %sub3A_399, %sub3A_399 : vector<64x1024xf32>
    %slice3A_401 = vector.extract_strided_slice %get3A_244 {offsets = [0, 26], sizes = [64, 1], strides = [1, 1]} : vector<64x32xf32> to vector<64x1xf32>
    %slice3A_402 = vector.extract_strided_slice %reshape3A {offsets = [26, 0], sizes = [1, 1024], strides = [1, 1]} : vector<32x1024xf32> to vector<1x1024xf32>
    %sub3A_403 = vector.broadcast %slice3A_401 : vector<64x1xf32> to vector<64x1024xf32>
    %sub3A_404 = vector.broadcast %slice3A_402 : vector<1x1024xf32> to vector<64x1024xf32>
    %sub3A_405 = arith.subf %sub3A_403, %sub3A_404 : vector<64x1024xf32>
    %mul3A_406 = arith.mulf %sub3A_405, %sub3A_405 : vector<64x1024xf32>
    %slice3A_407 = vector.extract_strided_slice %get3A_244 {offsets = [0, 27], sizes = [64, 1], strides = [1, 1]} : vector<64x32xf32> to vector<64x1xf32>
    %slice3A_408 = vector.extract_strided_slice %reshape3A {offsets = [27, 0], sizes = [1, 1024], strides = [1, 1]} : vector<32x1024xf32> to vector<1x1024xf32>
    %sub3A_409 = vector.broadcast %slice3A_407 : vector<64x1xf32> to vector<64x1024xf32>
    %sub3A_410 = vector.broadcast %slice3A_408 : vector<1x1024xf32> to vector<64x1024xf32>
    %sub3A_411 = arith.subf %sub3A_409, %sub3A_410 : vector<64x1024xf32>
    %mul3A_412 = arith.mulf %sub3A_411, %sub3A_411 : vector<64x1024xf32>
    %slice3A_413 = vector.extract_strided_slice %get3A_244 {offsets = [0, 28], sizes = [64, 1], strides = [1, 1]} : vector<64x32xf32> to vector<64x1xf32>
    %slice3A_414 = vector.extract_strided_slice %reshape3A {offsets = [28, 0], sizes = [1, 1024], strides = [1, 1]} : vector<32x1024xf32> to vector<1x1024xf32>
    %sub3A_415 = vector.broadcast %slice3A_413 : vector<64x1xf32> to vector<64x1024xf32>
    %sub3A_416 = vector.broadcast %slice3A_414 : vector<1x1024xf32> to vector<64x1024xf32>
    %sub3A_417 = arith.subf %sub3A_415, %sub3A_416 : vector<64x1024xf32>
    %mul3A_418 = arith.mulf %sub3A_417, %sub3A_417 : vector<64x1024xf32>
    %slice3A_419 = vector.extract_strided_slice %get3A_244 {offsets = [0, 29], sizes = [64, 1], strides = [1, 1]} : vector<64x32xf32> to vector<64x1xf32>
    %slice3A_420 = vector.extract_strided_slice %reshape3A {offsets = [29, 0], sizes = [1, 1024], strides = [1, 1]} : vector<32x1024xf32> to vector<1x1024xf32>
    %sub3A_421 = vector.broadcast %slice3A_419 : vector<64x1xf32> to vector<64x1024xf32>
    %sub3A_422 = vector.broadcast %slice3A_420 : vector<1x1024xf32> to vector<64x1024xf32>
    %sub3A_423 = arith.subf %sub3A_421, %sub3A_422 : vector<64x1024xf32>
    %mul3A_424 = arith.mulf %sub3A_423, %sub3A_423 : vector<64x1024xf32>
    %slice3A_425 = vector.extract_strided_slice %get3A_244 {offsets = [0, 30], sizes = [64, 1], strides = [1, 1]} : vector<64x32xf32> to vector<64x1xf32>
    %slice3A_426 = vector.extract_strided_slice %reshape3A {offsets = [30, 0], sizes = [1, 1024], strides = [1, 1]} : vector<32x1024xf32> to vector<1x1024xf32>
    %sub3A_427 = vector.broadcast %slice3A_425 : vector<64x1xf32> to vector<64x1024xf32>
    %sub3A_428 = vector.broadcast %slice3A_426 : vector<1x1024xf32> to vector<64x1024xf32>
    %sub3A_429 = arith.subf %sub3A_427, %sub3A_428 : vector<64x1024xf32>
    %mul3A_430 = arith.mulf %sub3A_429, %sub3A_429 : vector<64x1024xf32>
    %slice3A_431 = vector.extract_strided_slice %get3A_244 {offsets = [0, 31], sizes = [64, 1], strides = [1, 1]} : vector<64x32xf32> to vector<64x1xf32>
    %slice3A_432 = vector.extract_strided_slice %reshape3A {offsets = [31, 0], sizes = [1, 1024], strides = [1, 1]} : vector<32x1024xf32> to vector<1x1024xf32>
    %sub3A_433 = vector.broadcast %slice3A_431 : vector<64x1xf32> to vector<64x1024xf32>
    %sub3A_434 = vector.broadcast %slice3A_432 : vector<1x1024xf32> to vector<64x1024xf32>
    %sub3A_435 = arith.subf %sub3A_433, %sub3A_434 : vector<64x1024xf32>
    %mul3A_436 = arith.mulf %sub3A_435, %sub3A_435 : vector<64x1024xf32>
    %add3A_437 = arith.addf %mul3A_250, %mul3A_274 : vector<64x1024xf32>
    %add3A_438 = arith.addf %mul3A_262, %mul3A_286 : vector<64x1024xf32>
    %add3A_439 = arith.addf %add3A_437, %add3A_438 : vector<64x1024xf32>
    %add3A_440 = arith.addf %mul3A_256, %mul3A_280 : vector<64x1024xf32>
    %add3A_441 = arith.addf %mul3A_268, %mul3A_292 : vector<64x1024xf32>
    %add3A_442 = arith.addf %add3A_440, %add3A_441 : vector<64x1024xf32>
    %add3A_443 = arith.addf %add3A_439, %add3A_442 : vector<64x1024xf32>
    %add3A_444 = arith.addf %mul3A_298, %mul3A_322 : vector<64x1024xf32>
    %add3A_445 = arith.addf %mul3A_310, %mul3A_334 : vector<64x1024xf32>
    %add3A_446 = arith.addf %add3A_444, %add3A_445 : vector<64x1024xf32>
    %add3A_447 = arith.addf %mul3A_304, %mul3A_328 : vector<64x1024xf32>
    %add3A_448 = arith.addf %mul3A_316, %mul3A_340 : vector<64x1024xf32>
    %add3A_449 = arith.addf %add3A_447, %add3A_448 : vector<64x1024xf32>
    %add3A_450 = arith.addf %add3A_446, %add3A_449 : vector<64x1024xf32>
    %add3A_451 = arith.addf %mul3A_346, %mul3A_370 : vector<64x1024xf32>
    %add3A_452 = arith.addf %mul3A_358, %mul3A_382 : vector<64x1024xf32>
    %add3A_453 = arith.addf %add3A_451, %add3A_452 : vector<64x1024xf32>
    %add3A_454 = arith.addf %mul3A_352, %mul3A_376 : vector<64x1024xf32>
    %add3A_455 = arith.addf %mul3A_364, %mul3A_388 : vector<64x1024xf32>
    %add3A_456 = arith.addf %add3A_454, %add3A_455 : vector<64x1024xf32>
    %add3A_457 = arith.addf %add3A_453, %add3A_456 : vector<64x1024xf32>
    %add3A_458 = arith.addf %mul3A_394, %mul3A_418 : vector<64x1024xf32>
    %add3A_459 = arith.addf %mul3A_406, %mul3A_430 : vector<64x1024xf32>
    %add3A_460 = arith.addf %add3A_458, %add3A_459 : vector<64x1024xf32>
    %add3A_461 = arith.addf %mul3A_400, %mul3A_424 : vector<64x1024xf32>
    %add3A_462 = arith.addf %mul3A_412, %mul3A_436 : vector<64x1024xf32>
    %add3A_463 = arith.addf %add3A_461, %add3A_462 : vector<64x1024xf32>
    %add3A_464 = arith.addf %add3A_460, %add3A_463 : vector<64x1024xf32>
    %add3A_465 = arith.addf %add3A_443, %add3A_450 : vector<64x1024xf32>
    %add3A_466 = arith.addf %add3A_465, %add3A_457 : vector<64x1024xf32>
    %add3A_467 = arith.addf %add3A_466, %add3A_464 : vector<64x1024xf32>
    %reduce_min3A_468 = arith.constant dense<0x7F800000> : vector<1024xf32>
    %reduce_min3A_469 = vector.multi_reduction <minimumf>, %add3A_467, %reduce_min3A_468 [0] : vector<64x1024xf32> to vector<1024xf32>
    %broadcast_in_dim3A_470 = vector.shape_cast %reduce_min3A_469 : vector<1024xf32> to vector<1x1024xf32>
    %iota3A_471 = tpu.iota {dimensions = array<i32: 0>} : vector<64x1024xi32>
    %eq3A_472 = vector.broadcast %broadcast_in_dim3A_470 : vector<1x1024xf32> to vector<64x1024xf32>
    %eq3A_473 = arith.cmpf oeq, %add3A_467, %eq3A_472 : vector<64x1024xf32>
    %jit3A_474 = arith.constant 512 : i32
    %broadcast_in_dim3A_475 = vector.broadcast %jit3A_474 : i32 to vector<64x1024xi32>
    %select_n3A_476 = arith.select %eq3A_473, %iota3A_471, %broadcast_in_dim3A_475 : vector<64x1024xi1>, vector<64x1024xi32>
    %reduce_min3A_477 = arith.constant dense<2147483647> : vector<1024xi32>
    %reduce_min3A_478 = vector.multi_reduction <minsi>, %select_n3A_476, %reduce_min3A_477 [0] : vector<64x1024xi32> to vector<1024xi32>
    %broadcast_in_dim3A_479 = vector.shape_cast %reduce_min3A_478 : vector<1024xi32> to vector<1x1024xi32>
    %add3A_480 = arith.constant 64 : i32
    %add3A_481 = vector.broadcast %add3A_480 : i32 to vector<1x1024xi32>
    %add3A_482 = arith.addi %broadcast_in_dim3A_479, %add3A_481 : vector<1x1024xi32>
    %lt3A_483 = arith.cmpf olt, %broadcast_in_dim3A_470, %select_n3A_240 : vector<1x1024xf32>
    %select_n3A_484 = arith.select %lt3A_483, %broadcast_in_dim3A_470, %select_n3A_240 : vector<1x1024xi1>, vector<1x1024xf32>
    %select_n3A_485 = arith.select %lt3A_483, %add3A_482, %select_n3A_241 : vector<1x1024xi1>, vector<1x1024xi32>
    %get3A_486 = arith.constant 128 : index
    %get3A_487 = arith.constant 0 : index
    %get3A_488 = vector.load %arg2[%get3A_486, %get3A_487] : memref<512x32xf32, #tpu.memory_space<vmem>>, vector<64x32xf32>
    %slice3A_489 = vector.extract_strided_slice %get3A_488 {offsets = [0, 0], sizes = [64, 1], strides = [1, 1]} : vector<64x32xf32> to vector<64x1xf32>
    %slice3A_490 = vector.extract_strided_slice %reshape3A {offsets = [0, 0], sizes = [1, 1024], strides = [1, 1]} : vector<32x1024xf32> to vector<1x1024xf32>
    %sub3A_491 = vector.broadcast %slice3A_489 : vector<64x1xf32> to vector<64x1024xf32>
    %sub3A_492 = vector.broadcast %slice3A_490 : vector<1x1024xf32> to vector<64x1024xf32>
    %sub3A_493 = arith.subf %sub3A_491, %sub3A_492 : vector<64x1024xf32>
    %mul3A_494 = arith.mulf %sub3A_493, %sub3A_493 : vector<64x1024xf32>
    %slice3A_495 = vector.extract_strided_slice %get3A_488 {offsets = [0, 1], sizes = [64, 1], strides = [1, 1]} : vector<64x32xf32> to vector<64x1xf32>
    %slice3A_496 = vector.extract_strided_slice %reshape3A {offsets = [1, 0], sizes = [1, 1024], strides = [1, 1]} : vector<32x1024xf32> to vector<1x1024xf32>
    %sub3A_497 = vector.broadcast %slice3A_495 : vector<64x1xf32> to vector<64x1024xf32>
    %sub3A_498 = vector.broadcast %slice3A_496 : vector<1x1024xf32> to vector<64x1024xf32>
    %sub3A_499 = arith.subf %sub3A_497, %sub3A_498 : vector<64x1024xf32>
    %mul3A_500 = arith.mulf %sub3A_499, %sub3A_499 : vector<64x1024xf32>
    %slice3A_501 = vector.extract_strided_slice %get3A_488 {offsets = [0, 2], sizes = [64, 1], strides = [1, 1]} : vector<64x32xf32> to vector<64x1xf32>
    %slice3A_502 = vector.extract_strided_slice %reshape3A {offsets = [2, 0], sizes = [1, 1024], strides = [1, 1]} : vector<32x1024xf32> to vector<1x1024xf32>
    %sub3A_503 = vector.broadcast %slice3A_501 : vector<64x1xf32> to vector<64x1024xf32>
    %sub3A_504 = vector.broadcast %slice3A_502 : vector<1x1024xf32> to vector<64x1024xf32>
    %sub3A_505 = arith.subf %sub3A_503, %sub3A_504 : vector<64x1024xf32>
    %mul3A_506 = arith.mulf %sub3A_505, %sub3A_505 : vector<64x1024xf32>
    %slice3A_507 = vector.extract_strided_slice %get3A_488 {offsets = [0, 3], sizes = [64, 1], strides = [1, 1]} : vector<64x32xf32> to vector<64x1xf32>
    %slice3A_508 = vector.extract_strided_slice %reshape3A {offsets = [3, 0], sizes = [1, 1024], strides = [1, 1]} : vector<32x1024xf32> to vector<1x1024xf32>
    %sub3A_509 = vector.broadcast %slice3A_507 : vector<64x1xf32> to vector<64x1024xf32>
    %sub3A_510 = vector.broadcast %slice3A_508 : vector<1x1024xf32> to vector<64x1024xf32>
    %sub3A_511 = arith.subf %sub3A_509, %sub3A_510 : vector<64x1024xf32>
    %mul3A_512 = arith.mulf %sub3A_511, %sub3A_511 : vector<64x1024xf32>
    %slice3A_513 = vector.extract_strided_slice %get3A_488 {offsets = [0, 4], sizes = [64, 1], strides = [1, 1]} : vector<64x32xf32> to vector<64x1xf32>
    %slice3A_514 = vector.extract_strided_slice %reshape3A {offsets = [4, 0], sizes = [1, 1024], strides = [1, 1]} : vector<32x1024xf32> to vector<1x1024xf32>
    %sub3A_515 = vector.broadcast %slice3A_513 : vector<64x1xf32> to vector<64x1024xf32>
    %sub3A_516 = vector.broadcast %slice3A_514 : vector<1x1024xf32> to vector<64x1024xf32>
    %sub3A_517 = arith.subf %sub3A_515, %sub3A_516 : vector<64x1024xf32>
    %mul3A_518 = arith.mulf %sub3A_517, %sub3A_517 : vector<64x1024xf32>
    %slice3A_519 = vector.extract_strided_slice %get3A_488 {offsets = [0, 5], sizes = [64, 1], strides = [1, 1]} : vector<64x32xf32> to vector<64x1xf32>
    %slice3A_520 = vector.extract_strided_slice %reshape3A {offsets = [5, 0], sizes = [1, 1024], strides = [1, 1]} : vector<32x1024xf32> to vector<1x1024xf32>
    %sub3A_521 = vector.broadcast %slice3A_519 : vector<64x1xf32> to vector<64x1024xf32>
    %sub3A_522 = vector.broadcast %slice3A_520 : vector<1x1024xf32> to vector<64x1024xf32>
    %sub3A_523 = arith.subf %sub3A_521, %sub3A_522 : vector<64x1024xf32>
    %mul3A_524 = arith.mulf %sub3A_523, %sub3A_523 : vector<64x1024xf32>
    %slice3A_525 = vector.extract_strided_slice %get3A_488 {offsets = [0, 6], sizes = [64, 1], strides = [1, 1]} : vector<64x32xf32> to vector<64x1xf32>
    %slice3A_526 = vector.extract_strided_slice %reshape3A {offsets = [6, 0], sizes = [1, 1024], strides = [1, 1]} : vector<32x1024xf32> to vector<1x1024xf32>
    %sub3A_527 = vector.broadcast %slice3A_525 : vector<64x1xf32> to vector<64x1024xf32>
    %sub3A_528 = vector.broadcast %slice3A_526 : vector<1x1024xf32> to vector<64x1024xf32>
    %sub3A_529 = arith.subf %sub3A_527, %sub3A_528 : vector<64x1024xf32>
    %mul3A_530 = arith.mulf %sub3A_529, %sub3A_529 : vector<64x1024xf32>
    %slice3A_531 = vector.extract_strided_slice %get3A_488 {offsets = [0, 7], sizes = [64, 1], strides = [1, 1]} : vector<64x32xf32> to vector<64x1xf32>
    %slice3A_532 = vector.extract_strided_slice %reshape3A {offsets = [7, 0], sizes = [1, 1024], strides = [1, 1]} : vector<32x1024xf32> to vector<1x1024xf32>
    %sub3A_533 = vector.broadcast %slice3A_531 : vector<64x1xf32> to vector<64x1024xf32>
    %sub3A_534 = vector.broadcast %slice3A_532 : vector<1x1024xf32> to vector<64x1024xf32>
    %sub3A_535 = arith.subf %sub3A_533, %sub3A_534 : vector<64x1024xf32>
    %mul3A_536 = arith.mulf %sub3A_535, %sub3A_535 : vector<64x1024xf32>
    %slice3A_537 = vector.extract_strided_slice %get3A_488 {offsets = [0, 8], sizes = [64, 1], strides = [1, 1]} : vector<64x32xf32> to vector<64x1xf32>
    %slice3A_538 = vector.extract_strided_slice %reshape3A {offsets = [8, 0], sizes = [1, 1024], strides = [1, 1]} : vector<32x1024xf32> to vector<1x1024xf32>
    %sub3A_539 = vector.broadcast %slice3A_537 : vector<64x1xf32> to vector<64x1024xf32>
    %sub3A_540 = vector.broadcast %slice3A_538 : vector<1x1024xf32> to vector<64x1024xf32>
    %sub3A_541 = arith.subf %sub3A_539, %sub3A_540 : vector<64x1024xf32>
    %mul3A_542 = arith.mulf %sub3A_541, %sub3A_541 : vector<64x1024xf32>
    %slice3A_543 = vector.extract_strided_slice %get3A_488 {offsets = [0, 9], sizes = [64, 1], strides = [1, 1]} : vector<64x32xf32> to vector<64x1xf32>
    %slice3A_544 = vector.extract_strided_slice %reshape3A {offsets = [9, 0], sizes = [1, 1024], strides = [1, 1]} : vector<32x1024xf32> to vector<1x1024xf32>
    %sub3A_545 = vector.broadcast %slice3A_543 : vector<64x1xf32> to vector<64x1024xf32>
    %sub3A_546 = vector.broadcast %slice3A_544 : vector<1x1024xf32> to vector<64x1024xf32>
    %sub3A_547 = arith.subf %sub3A_545, %sub3A_546 : vector<64x1024xf32>
    %mul3A_548 = arith.mulf %sub3A_547, %sub3A_547 : vector<64x1024xf32>
    %slice3A_549 = vector.extract_strided_slice %get3A_488 {offsets = [0, 10], sizes = [64, 1], strides = [1, 1]} : vector<64x32xf32> to vector<64x1xf32>
    %slice3A_550 = vector.extract_strided_slice %reshape3A {offsets = [10, 0], sizes = [1, 1024], strides = [1, 1]} : vector<32x1024xf32> to vector<1x1024xf32>
    %sub3A_551 = vector.broadcast %slice3A_549 : vector<64x1xf32> to vector<64x1024xf32>
    %sub3A_552 = vector.broadcast %slice3A_550 : vector<1x1024xf32> to vector<64x1024xf32>
    %sub3A_553 = arith.subf %sub3A_551, %sub3A_552 : vector<64x1024xf32>
    %mul3A_554 = arith.mulf %sub3A_553, %sub3A_553 : vector<64x1024xf32>
    %slice3A_555 = vector.extract_strided_slice %get3A_488 {offsets = [0, 11], sizes = [64, 1], strides = [1, 1]} : vector<64x32xf32> to vector<64x1xf32>
    %slice3A_556 = vector.extract_strided_slice %reshape3A {offsets = [11, 0], sizes = [1, 1024], strides = [1, 1]} : vector<32x1024xf32> to vector<1x1024xf32>
    %sub3A_557 = vector.broadcast %slice3A_555 : vector<64x1xf32> to vector<64x1024xf32>
    %sub3A_558 = vector.broadcast %slice3A_556 : vector<1x1024xf32> to vector<64x1024xf32>
    %sub3A_559 = arith.subf %sub3A_557, %sub3A_558 : vector<64x1024xf32>
    %mul3A_560 = arith.mulf %sub3A_559, %sub3A_559 : vector<64x1024xf32>
    %slice3A_561 = vector.extract_strided_slice %get3A_488 {offsets = [0, 12], sizes = [64, 1], strides = [1, 1]} : vector<64x32xf32> to vector<64x1xf32>
    %slice3A_562 = vector.extract_strided_slice %reshape3A {offsets = [12, 0], sizes = [1, 1024], strides = [1, 1]} : vector<32x1024xf32> to vector<1x1024xf32>
    %sub3A_563 = vector.broadcast %slice3A_561 : vector<64x1xf32> to vector<64x1024xf32>
    %sub3A_564 = vector.broadcast %slice3A_562 : vector<1x1024xf32> to vector<64x1024xf32>
    %sub3A_565 = arith.subf %sub3A_563, %sub3A_564 : vector<64x1024xf32>
    %mul3A_566 = arith.mulf %sub3A_565, %sub3A_565 : vector<64x1024xf32>
    %slice3A_567 = vector.extract_strided_slice %get3A_488 {offsets = [0, 13], sizes = [64, 1], strides = [1, 1]} : vector<64x32xf32> to vector<64x1xf32>
    %slice3A_568 = vector.extract_strided_slice %reshape3A {offsets = [13, 0], sizes = [1, 1024], strides = [1, 1]} : vector<32x1024xf32> to vector<1x1024xf32>
    %sub3A_569 = vector.broadcast %slice3A_567 : vector<64x1xf32> to vector<64x1024xf32>
    %sub3A_570 = vector.broadcast %slice3A_568 : vector<1x1024xf32> to vector<64x1024xf32>
    %sub3A_571 = arith.subf %sub3A_569, %sub3A_570 : vector<64x1024xf32>
    %mul3A_572 = arith.mulf %sub3A_571, %sub3A_571 : vector<64x1024xf32>
    %slice3A_573 = vector.extract_strided_slice %get3A_488 {offsets = [0, 14], sizes = [64, 1], strides = [1, 1]} : vector<64x32xf32> to vector<64x1xf32>
    %slice3A_574 = vector.extract_strided_slice %reshape3A {offsets = [14, 0], sizes = [1, 1024], strides = [1, 1]} : vector<32x1024xf32> to vector<1x1024xf32>
    %sub3A_575 = vector.broadcast %slice3A_573 : vector<64x1xf32> to vector<64x1024xf32>
    %sub3A_576 = vector.broadcast %slice3A_574 : vector<1x1024xf32> to vector<64x1024xf32>
    %sub3A_577 = arith.subf %sub3A_575, %sub3A_576 : vector<64x1024xf32>
    %mul3A_578 = arith.mulf %sub3A_577, %sub3A_577 : vector<64x1024xf32>
    %slice3A_579 = vector.extract_strided_slice %get3A_488 {offsets = [0, 15], sizes = [64, 1], strides = [1, 1]} : vector<64x32xf32> to vector<64x1xf32>
    %slice3A_580 = vector.extract_strided_slice %reshape3A {offsets = [15, 0], sizes = [1, 1024], strides = [1, 1]} : vector<32x1024xf32> to vector<1x1024xf32>
    %sub3A_581 = vector.broadcast %slice3A_579 : vector<64x1xf32> to vector<64x1024xf32>
    %sub3A_582 = vector.broadcast %slice3A_580 : vector<1x1024xf32> to vector<64x1024xf32>
    %sub3A_583 = arith.subf %sub3A_581, %sub3A_582 : vector<64x1024xf32>
    %mul3A_584 = arith.mulf %sub3A_583, %sub3A_583 : vector<64x1024xf32>
    %slice3A_585 = vector.extract_strided_slice %get3A_488 {offsets = [0, 16], sizes = [64, 1], strides = [1, 1]} : vector<64x32xf32> to vector<64x1xf32>
    %slice3A_586 = vector.extract_strided_slice %reshape3A {offsets = [16, 0], sizes = [1, 1024], strides = [1, 1]} : vector<32x1024xf32> to vector<1x1024xf32>
    %sub3A_587 = vector.broadcast %slice3A_585 : vector<64x1xf32> to vector<64x1024xf32>
    %sub3A_588 = vector.broadcast %slice3A_586 : vector<1x1024xf32> to vector<64x1024xf32>
    %sub3A_589 = arith.subf %sub3A_587, %sub3A_588 : vector<64x1024xf32>
    %mul3A_590 = arith.mulf %sub3A_589, %sub3A_589 : vector<64x1024xf32>
    %slice3A_591 = vector.extract_strided_slice %get3A_488 {offsets = [0, 17], sizes = [64, 1], strides = [1, 1]} : vector<64x32xf32> to vector<64x1xf32>
    %slice3A_592 = vector.extract_strided_slice %reshape3A {offsets = [17, 0], sizes = [1, 1024], strides = [1, 1]} : vector<32x1024xf32> to vector<1x1024xf32>
    %sub3A_593 = vector.broadcast %slice3A_591 : vector<64x1xf32> to vector<64x1024xf32>
    %sub3A_594 = vector.broadcast %slice3A_592 : vector<1x1024xf32> to vector<64x1024xf32>
    %sub3A_595 = arith.subf %sub3A_593, %sub3A_594 : vector<64x1024xf32>
    %mul3A_596 = arith.mulf %sub3A_595, %sub3A_595 : vector<64x1024xf32>
    %slice3A_597 = vector.extract_strided_slice %get3A_488 {offsets = [0, 18], sizes = [64, 1], strides = [1, 1]} : vector<64x32xf32> to vector<64x1xf32>
    %slice3A_598 = vector.extract_strided_slice %reshape3A {offsets = [18, 0], sizes = [1, 1024], strides = [1, 1]} : vector<32x1024xf32> to vector<1x1024xf32>
    %sub3A_599 = vector.broadcast %slice3A_597 : vector<64x1xf32> to vector<64x1024xf32>
    %sub3A_600 = vector.broadcast %slice3A_598 : vector<1x1024xf32> to vector<64x1024xf32>
    %sub3A_601 = arith.subf %sub3A_599, %sub3A_600 : vector<64x1024xf32>
    %mul3A_602 = arith.mulf %sub3A_601, %sub3A_601 : vector<64x1024xf32>
    %slice3A_603 = vector.extract_strided_slice %get3A_488 {offsets = [0, 19], sizes = [64, 1], strides = [1, 1]} : vector<64x32xf32> to vector<64x1xf32>
    %slice3A_604 = vector.extract_strided_slice %reshape3A {offsets = [19, 0], sizes = [1, 1024], strides = [1, 1]} : vector<32x1024xf32> to vector<1x1024xf32>
    %sub3A_605 = vector.broadcast %slice3A_603 : vector<64x1xf32> to vector<64x1024xf32>
    %sub3A_606 = vector.broadcast %slice3A_604 : vector<1x1024xf32> to vector<64x1024xf32>
    %sub3A_607 = arith.subf %sub3A_605, %sub3A_606 : vector<64x1024xf32>
    %mul3A_608 = arith.mulf %sub3A_607, %sub3A_607 : vector<64x1024xf32>
    %slice3A_609 = vector.extract_strided_slice %get3A_488 {offsets = [0, 20], sizes = [64, 1], strides = [1, 1]} : vector<64x32xf32> to vector<64x1xf32>
    %slice3A_610 = vector.extract_strided_slice %reshape3A {offsets = [20, 0], sizes = [1, 1024], strides = [1, 1]} : vector<32x1024xf32> to vector<1x1024xf32>
    %sub3A_611 = vector.broadcast %slice3A_609 : vector<64x1xf32> to vector<64x1024xf32>
    %sub3A_612 = vector.broadcast %slice3A_610 : vector<1x1024xf32> to vector<64x1024xf32>
    %sub3A_613 = arith.subf %sub3A_611, %sub3A_612 : vector<64x1024xf32>
    %mul3A_614 = arith.mulf %sub3A_613, %sub3A_613 : vector<64x1024xf32>
    %slice3A_615 = vector.extract_strided_slice %get3A_488 {offsets = [0, 21], sizes = [64, 1], strides = [1, 1]} : vector<64x32xf32> to vector<64x1xf32>
    %slice3A_616 = vector.extract_strided_slice %reshape3A {offsets = [21, 0], sizes = [1, 1024], strides = [1, 1]} : vector<32x1024xf32> to vector<1x1024xf32>
    %sub3A_617 = vector.broadcast %slice3A_615 : vector<64x1xf32> to vector<64x1024xf32>
    %sub3A_618 = vector.broadcast %slice3A_616 : vector<1x1024xf32> to vector<64x1024xf32>
    %sub3A_619 = arith.subf %sub3A_617, %sub3A_618 : vector<64x1024xf32>
    %mul3A_620 = arith.mulf %sub3A_619, %sub3A_619 : vector<64x1024xf32>
    %slice3A_621 = vector.extract_strided_slice %get3A_488 {offsets = [0, 22], sizes = [64, 1], strides = [1, 1]} : vector<64x32xf32> to vector<64x1xf32>
    %slice3A_622 = vector.extract_strided_slice %reshape3A {offsets = [22, 0], sizes = [1, 1024], strides = [1, 1]} : vector<32x1024xf32> to vector<1x1024xf32>
    %sub3A_623 = vector.broadcast %slice3A_621 : vector<64x1xf32> to vector<64x1024xf32>
    %sub3A_624 = vector.broadcast %slice3A_622 : vector<1x1024xf32> to vector<64x1024xf32>
    %sub3A_625 = arith.subf %sub3A_623, %sub3A_624 : vector<64x1024xf32>
    %mul3A_626 = arith.mulf %sub3A_625, %sub3A_625 : vector<64x1024xf32>
    %slice3A_627 = vector.extract_strided_slice %get3A_488 {offsets = [0, 23], sizes = [64, 1], strides = [1, 1]} : vector<64x32xf32> to vector<64x1xf32>
    %slice3A_628 = vector.extract_strided_slice %reshape3A {offsets = [23, 0], sizes = [1, 1024], strides = [1, 1]} : vector<32x1024xf32> to vector<1x1024xf32>
    %sub3A_629 = vector.broadcast %slice3A_627 : vector<64x1xf32> to vector<64x1024xf32>
    %sub3A_630 = vector.broadcast %slice3A_628 : vector<1x1024xf32> to vector<64x1024xf32>
    %sub3A_631 = arith.subf %sub3A_629, %sub3A_630 : vector<64x1024xf32>
    %mul3A_632 = arith.mulf %sub3A_631, %sub3A_631 : vector<64x1024xf32>
    %slice3A_633 = vector.extract_strided_slice %get3A_488 {offsets = [0, 24], sizes = [64, 1], strides = [1, 1]} : vector<64x32xf32> to vector<64x1xf32>
    %slice3A_634 = vector.extract_strided_slice %reshape3A {offsets = [24, 0], sizes = [1, 1024], strides = [1, 1]} : vector<32x1024xf32> to vector<1x1024xf32>
    %sub3A_635 = vector.broadcast %slice3A_633 : vector<64x1xf32> to vector<64x1024xf32>
    %sub3A_636 = vector.broadcast %slice3A_634 : vector<1x1024xf32> to vector<64x1024xf32>
    %sub3A_637 = arith.subf %sub3A_635, %sub3A_636 : vector<64x1024xf32>
    %mul3A_638 = arith.mulf %sub3A_637, %sub3A_637 : vector<64x1024xf32>
    %slice3A_639 = vector.extract_strided_slice %get3A_488 {offsets = [0, 25], sizes = [64, 1], strides = [1, 1]} : vector<64x32xf32> to vector<64x1xf32>
    %slice3A_640 = vector.extract_strided_slice %reshape3A {offsets = [25, 0], sizes = [1, 1024], strides = [1, 1]} : vector<32x1024xf32> to vector<1x1024xf32>
    %sub3A_641 = vector.broadcast %slice3A_639 : vector<64x1xf32> to vector<64x1024xf32>
    %sub3A_642 = vector.broadcast %slice3A_640 : vector<1x1024xf32> to vector<64x1024xf32>
    %sub3A_643 = arith.subf %sub3A_641, %sub3A_642 : vector<64x1024xf32>
    %mul3A_644 = arith.mulf %sub3A_643, %sub3A_643 : vector<64x1024xf32>
    %slice3A_645 = vector.extract_strided_slice %get3A_488 {offsets = [0, 26], sizes = [64, 1], strides = [1, 1]} : vector<64x32xf32> to vector<64x1xf32>
    %slice3A_646 = vector.extract_strided_slice %reshape3A {offsets = [26, 0], sizes = [1, 1024], strides = [1, 1]} : vector<32x1024xf32> to vector<1x1024xf32>
    %sub3A_647 = vector.broadcast %slice3A_645 : vector<64x1xf32> to vector<64x1024xf32>
    %sub3A_648 = vector.broadcast %slice3A_646 : vector<1x1024xf32> to vector<64x1024xf32>
    %sub3A_649 = arith.subf %sub3A_647, %sub3A_648 : vector<64x1024xf32>
    %mul3A_650 = arith.mulf %sub3A_649, %sub3A_649 : vector<64x1024xf32>
    %slice3A_651 = vector.extract_strided_slice %get3A_488 {offsets = [0, 27], sizes = [64, 1], strides = [1, 1]} : vector<64x32xf32> to vector<64x1xf32>
    %slice3A_652 = vector.extract_strided_slice %reshape3A {offsets = [27, 0], sizes = [1, 1024], strides = [1, 1]} : vector<32x1024xf32> to vector<1x1024xf32>
    %sub3A_653 = vector.broadcast %slice3A_651 : vector<64x1xf32> to vector<64x1024xf32>
    %sub3A_654 = vector.broadcast %slice3A_652 : vector<1x1024xf32> to vector<64x1024xf32>
    %sub3A_655 = arith.subf %sub3A_653, %sub3A_654 : vector<64x1024xf32>
    %mul3A_656 = arith.mulf %sub3A_655, %sub3A_655 : vector<64x1024xf32>
    %slice3A_657 = vector.extract_strided_slice %get3A_488 {offsets = [0, 28], sizes = [64, 1], strides = [1, 1]} : vector<64x32xf32> to vector<64x1xf32>
    %slice3A_658 = vector.extract_strided_slice %reshape3A {offsets = [28, 0], sizes = [1, 1024], strides = [1, 1]} : vector<32x1024xf32> to vector<1x1024xf32>
    %sub3A_659 = vector.broadcast %slice3A_657 : vector<64x1xf32> to vector<64x1024xf32>
    %sub3A_660 = vector.broadcast %slice3A_658 : vector<1x1024xf32> to vector<64x1024xf32>
    %sub3A_661 = arith.subf %sub3A_659, %sub3A_660 : vector<64x1024xf32>
    %mul3A_662 = arith.mulf %sub3A_661, %sub3A_661 : vector<64x1024xf32>
    %slice3A_663 = vector.extract_strided_slice %get3A_488 {offsets = [0, 29], sizes = [64, 1], strides = [1, 1]} : vector<64x32xf32> to vector<64x1xf32>
    %slice3A_664 = vector.extract_strided_slice %reshape3A {offsets = [29, 0], sizes = [1, 1024], strides = [1, 1]} : vector<32x1024xf32> to vector<1x1024xf32>
    %sub3A_665 = vector.broadcast %slice3A_663 : vector<64x1xf32> to vector<64x1024xf32>
    %sub3A_666 = vector.broadcast %slice3A_664 : vector<1x1024xf32> to vector<64x1024xf32>
    %sub3A_667 = arith.subf %sub3A_665, %sub3A_666 : vector<64x1024xf32>
    %mul3A_668 = arith.mulf %sub3A_667, %sub3A_667 : vector<64x1024xf32>
    %slice3A_669 = vector.extract_strided_slice %get3A_488 {offsets = [0, 30], sizes = [64, 1], strides = [1, 1]} : vector<64x32xf32> to vector<64x1xf32>
    %slice3A_670 = vector.extract_strided_slice %reshape3A {offsets = [30, 0], sizes = [1, 1024], strides = [1, 1]} : vector<32x1024xf32> to vector<1x1024xf32>
    %sub3A_671 = vector.broadcast %slice3A_669 : vector<64x1xf32> to vector<64x1024xf32>
    %sub3A_672 = vector.broadcast %slice3A_670 : vector<1x1024xf32> to vector<64x1024xf32>
    %sub3A_673 = arith.subf %sub3A_671, %sub3A_672 : vector<64x1024xf32>
    %mul3A_674 = arith.mulf %sub3A_673, %sub3A_673 : vector<64x1024xf32>
    %slice3A_675 = vector.extract_strided_slice %get3A_488 {offsets = [0, 31], sizes = [64, 1], strides = [1, 1]} : vector<64x32xf32> to vector<64x1xf32>
    %slice3A_676 = vector.extract_strided_slice %reshape3A {offsets = [31, 0], sizes = [1, 1024], strides = [1, 1]} : vector<32x1024xf32> to vector<1x1024xf32>
    %sub3A_677 = vector.broadcast %slice3A_675 : vector<64x1xf32> to vector<64x1024xf32>
    %sub3A_678 = vector.broadcast %slice3A_676 : vector<1x1024xf32> to vector<64x1024xf32>
    %sub3A_679 = arith.subf %sub3A_677, %sub3A_678 : vector<64x1024xf32>
    %mul3A_680 = arith.mulf %sub3A_679, %sub3A_679 : vector<64x1024xf32>
    %add3A_681 = arith.addf %mul3A_494, %mul3A_518 : vector<64x1024xf32>
    %add3A_682 = arith.addf %mul3A_506, %mul3A_530 : vector<64x1024xf32>
    %add3A_683 = arith.addf %add3A_681, %add3A_682 : vector<64x1024xf32>
    %add3A_684 = arith.addf %mul3A_500, %mul3A_524 : vector<64x1024xf32>
    %add3A_685 = arith.addf %mul3A_512, %mul3A_536 : vector<64x1024xf32>
    %add3A_686 = arith.addf %add3A_684, %add3A_685 : vector<64x1024xf32>
    %add3A_687 = arith.addf %add3A_683, %add3A_686 : vector<64x1024xf32>
    %add3A_688 = arith.addf %mul3A_542, %mul3A_566 : vector<64x1024xf32>
    %add3A_689 = arith.addf %mul3A_554, %mul3A_578 : vector<64x1024xf32>
    %add3A_690 = arith.addf %add3A_688, %add3A_689 : vector<64x1024xf32>
    %add3A_691 = arith.addf %mul3A_548, %mul3A_572 : vector<64x1024xf32>
    %add3A_692 = arith.addf %mul3A_560, %mul3A_584 : vector<64x1024xf32>
    %add3A_693 = arith.addf %add3A_691, %add3A_692 : vector<64x1024xf32>
    %add3A_694 = arith.addf %add3A_690, %add3A_693 : vector<64x1024xf32>
    %add3A_695 = arith.addf %mul3A_590, %mul3A_614 : vector<64x1024xf32>
    %add3A_696 = arith.addf %mul3A_602, %mul3A_626 : vector<64x1024xf32>
    %add3A_697 = arith.addf %add3A_695, %add3A_696 : vector<64x1024xf32>
    %add3A_698 = arith.addf %mul3A_596, %mul3A_620 : vector<64x1024xf32>
    %add3A_699 = arith.addf %mul3A_608, %mul3A_632 : vector<64x1024xf32>
    %add3A_700 = arith.addf %add3A_698, %add3A_699 : vector<64x1024xf32>
    %add3A_701 = arith.addf %add3A_697, %add3A_700 : vector<64x1024xf32>
    %add3A_702 = arith.addf %mul3A_638, %mul3A_662 : vector<64x1024xf32>
    %add3A_703 = arith.addf %mul3A_650, %mul3A_674 : vector<64x1024xf32>
    %add3A_704 = arith.addf %add3A_702, %add3A_703 : vector<64x1024xf32>
    %add3A_705 = arith.addf %mul3A_644, %mul3A_668 : vector<64x1024xf32>
    %add3A_706 = arith.addf %mul3A_656, %mul3A_680 : vector<64x1024xf32>
    %add3A_707 = arith.addf %add3A_705, %add3A_706 : vector<64x1024xf32>
    %add3A_708 = arith.addf %add3A_704, %add3A_707 : vector<64x1024xf32>
    %add3A_709 = arith.addf %add3A_687, %add3A_694 : vector<64x1024xf32>
    %add3A_710 = arith.addf %add3A_709, %add3A_701 : vector<64x1024xf32>
    %add3A_711 = arith.addf %add3A_710, %add3A_708 : vector<64x1024xf32>
    %reduce_min3A_712 = arith.constant dense<0x7F800000> : vector<1024xf32>
    %reduce_min3A_713 = vector.multi_reduction <minimumf>, %add3A_711, %reduce_min3A_712 [0] : vector<64x1024xf32> to vector<1024xf32>
    %broadcast_in_dim3A_714 = vector.shape_cast %reduce_min3A_713 : vector<1024xf32> to vector<1x1024xf32>
    %iota3A_715 = tpu.iota {dimensions = array<i32: 0>} : vector<64x1024xi32>
    %eq3A_716 = vector.broadcast %broadcast_in_dim3A_714 : vector<1x1024xf32> to vector<64x1024xf32>
    %eq3A_717 = arith.cmpf oeq, %add3A_711, %eq3A_716 : vector<64x1024xf32>
    %jit3A_718 = arith.constant 512 : i32
    %broadcast_in_dim3A_719 = vector.broadcast %jit3A_718 : i32 to vector<64x1024xi32>
    %select_n3A_720 = arith.select %eq3A_717, %iota3A_715, %broadcast_in_dim3A_719 : vector<64x1024xi1>, vector<64x1024xi32>
    %reduce_min3A_721 = arith.constant dense<2147483647> : vector<1024xi32>
    %reduce_min3A_722 = vector.multi_reduction <minsi>, %select_n3A_720, %reduce_min3A_721 [0] : vector<64x1024xi32> to vector<1024xi32>
    %broadcast_in_dim3A_723 = vector.shape_cast %reduce_min3A_722 : vector<1024xi32> to vector<1x1024xi32>
    %add3A_724 = arith.constant 128 : i32
    %add3A_725 = vector.broadcast %add3A_724 : i32 to vector<1x1024xi32>
    %add3A_726 = arith.addi %broadcast_in_dim3A_723, %add3A_725 : vector<1x1024xi32>
    %lt3A_727 = arith.cmpf olt, %broadcast_in_dim3A_714, %select_n3A_484 : vector<1x1024xf32>
    %select_n3A_728 = arith.select %lt3A_727, %broadcast_in_dim3A_714, %select_n3A_484 : vector<1x1024xi1>, vector<1x1024xf32>
    %select_n3A_729 = arith.select %lt3A_727, %add3A_726, %select_n3A_485 : vector<1x1024xi1>, vector<1x1024xi32>
    %get3A_730 = arith.constant 192 : index
    %get3A_731 = arith.constant 0 : index
    %get3A_732 = vector.load %arg2[%get3A_730, %get3A_731] : memref<512x32xf32, #tpu.memory_space<vmem>>, vector<64x32xf32>
    %slice3A_733 = vector.extract_strided_slice %get3A_732 {offsets = [0, 0], sizes = [64, 1], strides = [1, 1]} : vector<64x32xf32> to vector<64x1xf32>
    %slice3A_734 = vector.extract_strided_slice %reshape3A {offsets = [0, 0], sizes = [1, 1024], strides = [1, 1]} : vector<32x1024xf32> to vector<1x1024xf32>
    %sub3A_735 = vector.broadcast %slice3A_733 : vector<64x1xf32> to vector<64x1024xf32>
    %sub3A_736 = vector.broadcast %slice3A_734 : vector<1x1024xf32> to vector<64x1024xf32>
    %sub3A_737 = arith.subf %sub3A_735, %sub3A_736 : vector<64x1024xf32>
    %mul3A_738 = arith.mulf %sub3A_737, %sub3A_737 : vector<64x1024xf32>
    %slice3A_739 = vector.extract_strided_slice %get3A_732 {offsets = [0, 1], sizes = [64, 1], strides = [1, 1]} : vector<64x32xf32> to vector<64x1xf32>
    %slice3A_740 = vector.extract_strided_slice %reshape3A {offsets = [1, 0], sizes = [1, 1024], strides = [1, 1]} : vector<32x1024xf32> to vector<1x1024xf32>
    %sub3A_741 = vector.broadcast %slice3A_739 : vector<64x1xf32> to vector<64x1024xf32>
    %sub3A_742 = vector.broadcast %slice3A_740 : vector<1x1024xf32> to vector<64x1024xf32>
    %sub3A_743 = arith.subf %sub3A_741, %sub3A_742 : vector<64x1024xf32>
    %mul3A_744 = arith.mulf %sub3A_743, %sub3A_743 : vector<64x1024xf32>
    %slice3A_745 = vector.extract_strided_slice %get3A_732 {offsets = [0, 2], sizes = [64, 1], strides = [1, 1]} : vector<64x32xf32> to vector<64x1xf32>
    %slice3A_746 = vector.extract_strided_slice %reshape3A {offsets = [2, 0], sizes = [1, 1024], strides = [1, 1]} : vector<32x1024xf32> to vector<1x1024xf32>
    %sub3A_747 = vector.broadcast %slice3A_745 : vector<64x1xf32> to vector<64x1024xf32>
    %sub3A_748 = vector.broadcast %slice3A_746 : vector<1x1024xf32> to vector<64x1024xf32>
    %sub3A_749 = arith.subf %sub3A_747, %sub3A_748 : vector<64x1024xf32>
    %mul3A_750 = arith.mulf %sub3A_749, %sub3A_749 : vector<64x1024xf32>
    %slice3A_751 = vector.extract_strided_slice %get3A_732 {offsets = [0, 3], sizes = [64, 1], strides = [1, 1]} : vector<64x32xf32> to vector<64x1xf32>
    %slice3A_752 = vector.extract_strided_slice %reshape3A {offsets = [3, 0], sizes = [1, 1024], strides = [1, 1]} : vector<32x1024xf32> to vector<1x1024xf32>
    %sub3A_753 = vector.broadcast %slice3A_751 : vector<64x1xf32> to vector<64x1024xf32>
    %sub3A_754 = vector.broadcast %slice3A_752 : vector<1x1024xf32> to vector<64x1024xf32>
    %sub3A_755 = arith.subf %sub3A_753, %sub3A_754 : vector<64x1024xf32>
    %mul3A_756 = arith.mulf %sub3A_755, %sub3A_755 : vector<64x1024xf32>
    %slice3A_757 = vector.extract_strided_slice %get3A_732 {offsets = [0, 4], sizes = [64, 1], strides = [1, 1]} : vector<64x32xf32> to vector<64x1xf32>
    %slice3A_758 = vector.extract_strided_slice %reshape3A {offsets = [4, 0], sizes = [1, 1024], strides = [1, 1]} : vector<32x1024xf32> to vector<1x1024xf32>
    %sub3A_759 = vector.broadcast %slice3A_757 : vector<64x1xf32> to vector<64x1024xf32>
    %sub3A_760 = vector.broadcast %slice3A_758 : vector<1x1024xf32> to vector<64x1024xf32>
    %sub3A_761 = arith.subf %sub3A_759, %sub3A_760 : vector<64x1024xf32>
    %mul3A_762 = arith.mulf %sub3A_761, %sub3A_761 : vector<64x1024xf32>
    %slice3A_763 = vector.extract_strided_slice %get3A_732 {offsets = [0, 5], sizes = [64, 1], strides = [1, 1]} : vector<64x32xf32> to vector<64x1xf32>
    %slice3A_764 = vector.extract_strided_slice %reshape3A {offsets = [5, 0], sizes = [1, 1024], strides = [1, 1]} : vector<32x1024xf32> to vector<1x1024xf32>
    %sub3A_765 = vector.broadcast %slice3A_763 : vector<64x1xf32> to vector<64x1024xf32>
    %sub3A_766 = vector.broadcast %slice3A_764 : vector<1x1024xf32> to vector<64x1024xf32>
    %sub3A_767 = arith.subf %sub3A_765, %sub3A_766 : vector<64x1024xf32>
    %mul3A_768 = arith.mulf %sub3A_767, %sub3A_767 : vector<64x1024xf32>
    %slice3A_769 = vector.extract_strided_slice %get3A_732 {offsets = [0, 6], sizes = [64, 1], strides = [1, 1]} : vector<64x32xf32> to vector<64x1xf32>
    %slice3A_770 = vector.extract_strided_slice %reshape3A {offsets = [6, 0], sizes = [1, 1024], strides = [1, 1]} : vector<32x1024xf32> to vector<1x1024xf32>
    %sub3A_771 = vector.broadcast %slice3A_769 : vector<64x1xf32> to vector<64x1024xf32>
    %sub3A_772 = vector.broadcast %slice3A_770 : vector<1x1024xf32> to vector<64x1024xf32>
    %sub3A_773 = arith.subf %sub3A_771, %sub3A_772 : vector<64x1024xf32>
    %mul3A_774 = arith.mulf %sub3A_773, %sub3A_773 : vector<64x1024xf32>
    %slice3A_775 = vector.extract_strided_slice %get3A_732 {offsets = [0, 7], sizes = [64, 1], strides = [1, 1]} : vector<64x32xf32> to vector<64x1xf32>
    %slice3A_776 = vector.extract_strided_slice %reshape3A {offsets = [7, 0], sizes = [1, 1024], strides = [1, 1]} : vector<32x1024xf32> to vector<1x1024xf32>
    %sub3A_777 = vector.broadcast %slice3A_775 : vector<64x1xf32> to vector<64x1024xf32>
    %sub3A_778 = vector.broadcast %slice3A_776 : vector<1x1024xf32> to vector<64x1024xf32>
    %sub3A_779 = arith.subf %sub3A_777, %sub3A_778 : vector<64x1024xf32>
    %mul3A_780 = arith.mulf %sub3A_779, %sub3A_779 : vector<64x1024xf32>
    %slice3A_781 = vector.extract_strided_slice %get3A_732 {offsets = [0, 8], sizes = [64, 1], strides = [1, 1]} : vector<64x32xf32> to vector<64x1xf32>
    %slice3A_782 = vector.extract_strided_slice %reshape3A {offsets = [8, 0], sizes = [1, 1024], strides = [1, 1]} : vector<32x1024xf32> to vector<1x1024xf32>
    %sub3A_783 = vector.broadcast %slice3A_781 : vector<64x1xf32> to vector<64x1024xf32>
    %sub3A_784 = vector.broadcast %slice3A_782 : vector<1x1024xf32> to vector<64x1024xf32>
    %sub3A_785 = arith.subf %sub3A_783, %sub3A_784 : vector<64x1024xf32>
    %mul3A_786 = arith.mulf %sub3A_785, %sub3A_785 : vector<64x1024xf32>
    %slice3A_787 = vector.extract_strided_slice %get3A_732 {offsets = [0, 9], sizes = [64, 1], strides = [1, 1]} : vector<64x32xf32> to vector<64x1xf32>
    %slice3A_788 = vector.extract_strided_slice %reshape3A {offsets = [9, 0], sizes = [1, 1024], strides = [1, 1]} : vector<32x1024xf32> to vector<1x1024xf32>
    %sub3A_789 = vector.broadcast %slice3A_787 : vector<64x1xf32> to vector<64x1024xf32>
    %sub3A_790 = vector.broadcast %slice3A_788 : vector<1x1024xf32> to vector<64x1024xf32>
    %sub3A_791 = arith.subf %sub3A_789, %sub3A_790 : vector<64x1024xf32>
    %mul3A_792 = arith.mulf %sub3A_791, %sub3A_791 : vector<64x1024xf32>
    %slice3A_793 = vector.extract_strided_slice %get3A_732 {offsets = [0, 10], sizes = [64, 1], strides = [1, 1]} : vector<64x32xf32> to vector<64x1xf32>
    %slice3A_794 = vector.extract_strided_slice %reshape3A {offsets = [10, 0], sizes = [1, 1024], strides = [1, 1]} : vector<32x1024xf32> to vector<1x1024xf32>
    %sub3A_795 = vector.broadcast %slice3A_793 : vector<64x1xf32> to vector<64x1024xf32>
    %sub3A_796 = vector.broadcast %slice3A_794 : vector<1x1024xf32> to vector<64x1024xf32>
    %sub3A_797 = arith.subf %sub3A_795, %sub3A_796 : vector<64x1024xf32>
    %mul3A_798 = arith.mulf %sub3A_797, %sub3A_797 : vector<64x1024xf32>
    %slice3A_799 = vector.extract_strided_slice %get3A_732 {offsets = [0, 11], sizes = [64, 1], strides = [1, 1]} : vector<64x32xf32> to vector<64x1xf32>
    %slice3A_800 = vector.extract_strided_slice %reshape3A {offsets = [11, 0], sizes = [1, 1024], strides = [1, 1]} : vector<32x1024xf32> to vector<1x1024xf32>
    %sub3A_801 = vector.broadcast %slice3A_799 : vector<64x1xf32> to vector<64x1024xf32>
    %sub3A_802 = vector.broadcast %slice3A_800 : vector<1x1024xf32> to vector<64x1024xf32>
    %sub3A_803 = arith.subf %sub3A_801, %sub3A_802 : vector<64x1024xf32>
    %mul3A_804 = arith.mulf %sub3A_803, %sub3A_803 : vector<64x1024xf32>
    %slice3A_805 = vector.extract_strided_slice %get3A_732 {offsets = [0, 12], sizes = [64, 1], strides = [1, 1]} : vector<64x32xf32> to vector<64x1xf32>
    %slice3A_806 = vector.extract_strided_slice %reshape3A {offsets = [12, 0], sizes = [1, 1024], strides = [1, 1]} : vector<32x1024xf32> to vector<1x1024xf32>
    %sub3A_807 = vector.broadcast %slice3A_805 : vector<64x1xf32> to vector<64x1024xf32>
    %sub3A_808 = vector.broadcast %slice3A_806 : vector<1x1024xf32> to vector<64x1024xf32>
    %sub3A_809 = arith.subf %sub3A_807, %sub3A_808 : vector<64x1024xf32>
    %mul3A_810 = arith.mulf %sub3A_809, %sub3A_809 : vector<64x1024xf32>
    %slice3A_811 = vector.extract_strided_slice %get3A_732 {offsets = [0, 13], sizes = [64, 1], strides = [1, 1]} : vector<64x32xf32> to vector<64x1xf32>
    %slice3A_812 = vector.extract_strided_slice %reshape3A {offsets = [13, 0], sizes = [1, 1024], strides = [1, 1]} : vector<32x1024xf32> to vector<1x1024xf32>
    %sub3A_813 = vector.broadcast %slice3A_811 : vector<64x1xf32> to vector<64x1024xf32>
    %sub3A_814 = vector.broadcast %slice3A_812 : vector<1x1024xf32> to vector<64x1024xf32>
    %sub3A_815 = arith.subf %sub3A_813, %sub3A_814 : vector<64x1024xf32>
    %mul3A_816 = arith.mulf %sub3A_815, %sub3A_815 : vector<64x1024xf32>
    %slice3A_817 = vector.extract_strided_slice %get3A_732 {offsets = [0, 14], sizes = [64, 1], strides = [1, 1]} : vector<64x32xf32> to vector<64x1xf32>
    %slice3A_818 = vector.extract_strided_slice %reshape3A {offsets = [14, 0], sizes = [1, 1024], strides = [1, 1]} : vector<32x1024xf32> to vector<1x1024xf32>
    %sub3A_819 = vector.broadcast %slice3A_817 : vector<64x1xf32> to vector<64x1024xf32>
    %sub3A_820 = vector.broadcast %slice3A_818 : vector<1x1024xf32> to vector<64x1024xf32>
    %sub3A_821 = arith.subf %sub3A_819, %sub3A_820 : vector<64x1024xf32>
    %mul3A_822 = arith.mulf %sub3A_821, %sub3A_821 : vector<64x1024xf32>
    %slice3A_823 = vector.extract_strided_slice %get3A_732 {offsets = [0, 15], sizes = [64, 1], strides = [1, 1]} : vector<64x32xf32> to vector<64x1xf32>
    %slice3A_824 = vector.extract_strided_slice %reshape3A {offsets = [15, 0], sizes = [1, 1024], strides = [1, 1]} : vector<32x1024xf32> to vector<1x1024xf32>
    %sub3A_825 = vector.broadcast %slice3A_823 : vector<64x1xf32> to vector<64x1024xf32>
    %sub3A_826 = vector.broadcast %slice3A_824 : vector<1x1024xf32> to vector<64x1024xf32>
    %sub3A_827 = arith.subf %sub3A_825, %sub3A_826 : vector<64x1024xf32>
    %mul3A_828 = arith.mulf %sub3A_827, %sub3A_827 : vector<64x1024xf32>
    %slice3A_829 = vector.extract_strided_slice %get3A_732 {offsets = [0, 16], sizes = [64, 1], strides = [1, 1]} : vector<64x32xf32> to vector<64x1xf32>
    %slice3A_830 = vector.extract_strided_slice %reshape3A {offsets = [16, 0], sizes = [1, 1024], strides = [1, 1]} : vector<32x1024xf32> to vector<1x1024xf32>
    %sub3A_831 = vector.broadcast %slice3A_829 : vector<64x1xf32> to vector<64x1024xf32>
    %sub3A_832 = vector.broadcast %slice3A_830 : vector<1x1024xf32> to vector<64x1024xf32>
    %sub3A_833 = arith.subf %sub3A_831, %sub3A_832 : vector<64x1024xf32>
    %mul3A_834 = arith.mulf %sub3A_833, %sub3A_833 : vector<64x1024xf32>
    %slice3A_835 = vector.extract_strided_slice %get3A_732 {offsets = [0, 17], sizes = [64, 1], strides = [1, 1]} : vector<64x32xf32> to vector<64x1xf32>
    %slice3A_836 = vector.extract_strided_slice %reshape3A {offsets = [17, 0], sizes = [1, 1024], strides = [1, 1]} : vector<32x1024xf32> to vector<1x1024xf32>
    %sub3A_837 = vector.broadcast %slice3A_835 : vector<64x1xf32> to vector<64x1024xf32>
    %sub3A_838 = vector.broadcast %slice3A_836 : vector<1x1024xf32> to vector<64x1024xf32>
    %sub3A_839 = arith.subf %sub3A_837, %sub3A_838 : vector<64x1024xf32>
    %mul3A_840 = arith.mulf %sub3A_839, %sub3A_839 : vector<64x1024xf32>
    %slice3A_841 = vector.extract_strided_slice %get3A_732 {offsets = [0, 18], sizes = [64, 1], strides = [1, 1]} : vector<64x32xf32> to vector<64x1xf32>
    %slice3A_842 = vector.extract_strided_slice %reshape3A {offsets = [18, 0], sizes = [1, 1024], strides = [1, 1]} : vector<32x1024xf32> to vector<1x1024xf32>
    %sub3A_843 = vector.broadcast %slice3A_841 : vector<64x1xf32> to vector<64x1024xf32>
    %sub3A_844 = vector.broadcast %slice3A_842 : vector<1x1024xf32> to vector<64x1024xf32>
    %sub3A_845 = arith.subf %sub3A_843, %sub3A_844 : vector<64x1024xf32>
    %mul3A_846 = arith.mulf %sub3A_845, %sub3A_845 : vector<64x1024xf32>
    %slice3A_847 = vector.extract_strided_slice %get3A_732 {offsets = [0, 19], sizes = [64, 1], strides = [1, 1]} : vector<64x32xf32> to vector<64x1xf32>
    %slice3A_848 = vector.extract_strided_slice %reshape3A {offsets = [19, 0], sizes = [1, 1024], strides = [1, 1]} : vector<32x1024xf32> to vector<1x1024xf32>
    %sub3A_849 = vector.broadcast %slice3A_847 : vector<64x1xf32> to vector<64x1024xf32>
    %sub3A_850 = vector.broadcast %slice3A_848 : vector<1x1024xf32> to vector<64x1024xf32>
    %sub3A_851 = arith.subf %sub3A_849, %sub3A_850 : vector<64x1024xf32>
    %mul3A_852 = arith.mulf %sub3A_851, %sub3A_851 : vector<64x1024xf32>
    %slice3A_853 = vector.extract_strided_slice %get3A_732 {offsets = [0, 20], sizes = [64, 1], strides = [1, 1]} : vector<64x32xf32> to vector<64x1xf32>
    %slice3A_854 = vector.extract_strided_slice %reshape3A {offsets = [20, 0], sizes = [1, 1024], strides = [1, 1]} : vector<32x1024xf32> to vector<1x1024xf32>
    %sub3A_855 = vector.broadcast %slice3A_853 : vector<64x1xf32> to vector<64x1024xf32>
    %sub3A_856 = vector.broadcast %slice3A_854 : vector<1x1024xf32> to vector<64x1024xf32>
    %sub3A_857 = arith.subf %sub3A_855, %sub3A_856 : vector<64x1024xf32>
    %mul3A_858 = arith.mulf %sub3A_857, %sub3A_857 : vector<64x1024xf32>
    %slice3A_859 = vector.extract_strided_slice %get3A_732 {offsets = [0, 21], sizes = [64, 1], strides = [1, 1]} : vector<64x32xf32> to vector<64x1xf32>
    %slice3A_860 = vector.extract_strided_slice %reshape3A {offsets = [21, 0], sizes = [1, 1024], strides = [1, 1]} : vector<32x1024xf32> to vector<1x1024xf32>
    %sub3A_861 = vector.broadcast %slice3A_859 : vector<64x1xf32> to vector<64x1024xf32>
    %sub3A_862 = vector.broadcast %slice3A_860 : vector<1x1024xf32> to vector<64x1024xf32>
    %sub3A_863 = arith.subf %sub3A_861, %sub3A_862 : vector<64x1024xf32>
    %mul3A_864 = arith.mulf %sub3A_863, %sub3A_863 : vector<64x1024xf32>
    %slice3A_865 = vector.extract_strided_slice %get3A_732 {offsets = [0, 22], sizes = [64, 1], strides = [1, 1]} : vector<64x32xf32> to vector<64x1xf32>
    %slice3A_866 = vector.extract_strided_slice %reshape3A {offsets = [22, 0], sizes = [1, 1024], strides = [1, 1]} : vector<32x1024xf32> to vector<1x1024xf32>
    %sub3A_867 = vector.broadcast %slice3A_865 : vector<64x1xf32> to vector<64x1024xf32>
    %sub3A_868 = vector.broadcast %slice3A_866 : vector<1x1024xf32> to vector<64x1024xf32>
    %sub3A_869 = arith.subf %sub3A_867, %sub3A_868 : vector<64x1024xf32>
    %mul3A_870 = arith.mulf %sub3A_869, %sub3A_869 : vector<64x1024xf32>
    %slice3A_871 = vector.extract_strided_slice %get3A_732 {offsets = [0, 23], sizes = [64, 1], strides = [1, 1]} : vector<64x32xf32> to vector<64x1xf32>
    %slice3A_872 = vector.extract_strided_slice %reshape3A {offsets = [23, 0], sizes = [1, 1024], strides = [1, 1]} : vector<32x1024xf32> to vector<1x1024xf32>
    %sub3A_873 = vector.broadcast %slice3A_871 : vector<64x1xf32> to vector<64x1024xf32>
    %sub3A_874 = vector.broadcast %slice3A_872 : vector<1x1024xf32> to vector<64x1024xf32>
    %sub3A_875 = arith.subf %sub3A_873, %sub3A_874 : vector<64x1024xf32>
    %mul3A_876 = arith.mulf %sub3A_875, %sub3A_875 : vector<64x1024xf32>
    %slice3A_877 = vector.extract_strided_slice %get3A_732 {offsets = [0, 24], sizes = [64, 1], strides = [1, 1]} : vector<64x32xf32> to vector<64x1xf32>
    %slice3A_878 = vector.extract_strided_slice %reshape3A {offsets = [24, 0], sizes = [1, 1024], strides = [1, 1]} : vector<32x1024xf32> to vector<1x1024xf32>
    %sub3A_879 = vector.broadcast %slice3A_877 : vector<64x1xf32> to vector<64x1024xf32>
    %sub3A_880 = vector.broadcast %slice3A_878 : vector<1x1024xf32> to vector<64x1024xf32>
    %sub3A_881 = arith.subf %sub3A_879, %sub3A_880 : vector<64x1024xf32>
    %mul3A_882 = arith.mulf %sub3A_881, %sub3A_881 : vector<64x1024xf32>
    %slice3A_883 = vector.extract_strided_slice %get3A_732 {offsets = [0, 25], sizes = [64, 1], strides = [1, 1]} : vector<64x32xf32> to vector<64x1xf32>
    %slice3A_884 = vector.extract_strided_slice %reshape3A {offsets = [25, 0], sizes = [1, 1024], strides = [1, 1]} : vector<32x1024xf32> to vector<1x1024xf32>
    %sub3A_885 = vector.broadcast %slice3A_883 : vector<64x1xf32> to vector<64x1024xf32>
    %sub3A_886 = vector.broadcast %slice3A_884 : vector<1x1024xf32> to vector<64x1024xf32>
    %sub3A_887 = arith.subf %sub3A_885, %sub3A_886 : vector<64x1024xf32>
    %mul3A_888 = arith.mulf %sub3A_887, %sub3A_887 : vector<64x1024xf32>
    %slice3A_889 = vector.extract_strided_slice %get3A_732 {offsets = [0, 26], sizes = [64, 1], strides = [1, 1]} : vector<64x32xf32> to vector<64x1xf32>
    %slice3A_890 = vector.extract_strided_slice %reshape3A {offsets = [26, 0], sizes = [1, 1024], strides = [1, 1]} : vector<32x1024xf32> to vector<1x1024xf32>
    %sub3A_891 = vector.broadcast %slice3A_889 : vector<64x1xf32> to vector<64x1024xf32>
    %sub3A_892 = vector.broadcast %slice3A_890 : vector<1x1024xf32> to vector<64x1024xf32>
    %sub3A_893 = arith.subf %sub3A_891, %sub3A_892 : vector<64x1024xf32>
    %mul3A_894 = arith.mulf %sub3A_893, %sub3A_893 : vector<64x1024xf32>
    %slice3A_895 = vector.extract_strided_slice %get3A_732 {offsets = [0, 27], sizes = [64, 1], strides = [1, 1]} : vector<64x32xf32> to vector<64x1xf32>
    %slice3A_896 = vector.extract_strided_slice %reshape3A {offsets = [27, 0], sizes = [1, 1024], strides = [1, 1]} : vector<32x1024xf32> to vector<1x1024xf32>
    %sub3A_897 = vector.broadcast %slice3A_895 : vector<64x1xf32> to vector<64x1024xf32>
    %sub3A_898 = vector.broadcast %slice3A_896 : vector<1x1024xf32> to vector<64x1024xf32>
    %sub3A_899 = arith.subf %sub3A_897, %sub3A_898 : vector<64x1024xf32>
    %mul3A_900 = arith.mulf %sub3A_899, %sub3A_899 : vector<64x1024xf32>
    %slice3A_901 = vector.extract_strided_slice %get3A_732 {offsets = [0, 28], sizes = [64, 1], strides = [1, 1]} : vector<64x32xf32> to vector<64x1xf32>
    %slice3A_902 = vector.extract_strided_slice %reshape3A {offsets = [28, 0], sizes = [1, 1024], strides = [1, 1]} : vector<32x1024xf32> to vector<1x1024xf32>
    %sub3A_903 = vector.broadcast %slice3A_901 : vector<64x1xf32> to vector<64x1024xf32>
    %sub3A_904 = vector.broadcast %slice3A_902 : vector<1x1024xf32> to vector<64x1024xf32>
    %sub3A_905 = arith.subf %sub3A_903, %sub3A_904 : vector<64x1024xf32>
    %mul3A_906 = arith.mulf %sub3A_905, %sub3A_905 : vector<64x1024xf32>
    %slice3A_907 = vector.extract_strided_slice %get3A_732 {offsets = [0, 29], sizes = [64, 1], strides = [1, 1]} : vector<64x32xf32> to vector<64x1xf32>
    %slice3A_908 = vector.extract_strided_slice %reshape3A {offsets = [29, 0], sizes = [1, 1024], strides = [1, 1]} : vector<32x1024xf32> to vector<1x1024xf32>
    %sub3A_909 = vector.broadcast %slice3A_907 : vector<64x1xf32> to vector<64x1024xf32>
    %sub3A_910 = vector.broadcast %slice3A_908 : vector<1x1024xf32> to vector<64x1024xf32>
    %sub3A_911 = arith.subf %sub3A_909, %sub3A_910 : vector<64x1024xf32>
    %mul3A_912 = arith.mulf %sub3A_911, %sub3A_911 : vector<64x1024xf32>
    %slice3A_913 = vector.extract_strided_slice %get3A_732 {offsets = [0, 30], sizes = [64, 1], strides = [1, 1]} : vector<64x32xf32> to vector<64x1xf32>
    %slice3A_914 = vector.extract_strided_slice %reshape3A {offsets = [30, 0], sizes = [1, 1024], strides = [1, 1]} : vector<32x1024xf32> to vector<1x1024xf32>
    %sub3A_915 = vector.broadcast %slice3A_913 : vector<64x1xf32> to vector<64x1024xf32>
    %sub3A_916 = vector.broadcast %slice3A_914 : vector<1x1024xf32> to vector<64x1024xf32>
    %sub3A_917 = arith.subf %sub3A_915, %sub3A_916 : vector<64x1024xf32>
    %mul3A_918 = arith.mulf %sub3A_917, %sub3A_917 : vector<64x1024xf32>
    %slice3A_919 = vector.extract_strided_slice %get3A_732 {offsets = [0, 31], sizes = [64, 1], strides = [1, 1]} : vector<64x32xf32> to vector<64x1xf32>
    %slice3A_920 = vector.extract_strided_slice %reshape3A {offsets = [31, 0], sizes = [1, 1024], strides = [1, 1]} : vector<32x1024xf32> to vector<1x1024xf32>
    %sub3A_921 = vector.broadcast %slice3A_919 : vector<64x1xf32> to vector<64x1024xf32>
    %sub3A_922 = vector.broadcast %slice3A_920 : vector<1x1024xf32> to vector<64x1024xf32>
    %sub3A_923 = arith.subf %sub3A_921, %sub3A_922 : vector<64x1024xf32>
    %mul3A_924 = arith.mulf %sub3A_923, %sub3A_923 : vector<64x1024xf32>
    %add3A_925 = arith.addf %mul3A_738, %mul3A_762 : vector<64x1024xf32>
    %add3A_926 = arith.addf %mul3A_750, %mul3A_774 : vector<64x1024xf32>
    %add3A_927 = arith.addf %add3A_925, %add3A_926 : vector<64x1024xf32>
    %add3A_928 = arith.addf %mul3A_744, %mul3A_768 : vector<64x1024xf32>
    %add3A_929 = arith.addf %mul3A_756, %mul3A_780 : vector<64x1024xf32>
    %add3A_930 = arith.addf %add3A_928, %add3A_929 : vector<64x1024xf32>
    %add3A_931 = arith.addf %add3A_927, %add3A_930 : vector<64x1024xf32>
    %add3A_932 = arith.addf %mul3A_786, %mul3A_810 : vector<64x1024xf32>
    %add3A_933 = arith.addf %mul3A_798, %mul3A_822 : vector<64x1024xf32>
    %add3A_934 = arith.addf %add3A_932, %add3A_933 : vector<64x1024xf32>
    %add3A_935 = arith.addf %mul3A_792, %mul3A_816 : vector<64x1024xf32>
    %add3A_936 = arith.addf %mul3A_804, %mul3A_828 : vector<64x1024xf32>
    %add3A_937 = arith.addf %add3A_935, %add3A_936 : vector<64x1024xf32>
    %add3A_938 = arith.addf %add3A_934, %add3A_937 : vector<64x1024xf32>
    %add3A_939 = arith.addf %mul3A_834, %mul3A_858 : vector<64x1024xf32>
    %add3A_940 = arith.addf %mul3A_846, %mul3A_870 : vector<64x1024xf32>
    %add3A_941 = arith.addf %add3A_939, %add3A_940 : vector<64x1024xf32>
    %add3A_942 = arith.addf %mul3A_840, %mul3A_864 : vector<64x1024xf32>
    %add3A_943 = arith.addf %mul3A_852, %mul3A_876 : vector<64x1024xf32>
    %add3A_944 = arith.addf %add3A_942, %add3A_943 : vector<64x1024xf32>
    %add3A_945 = arith.addf %add3A_941, %add3A_944 : vector<64x1024xf32>
    %add3A_946 = arith.addf %mul3A_882, %mul3A_906 : vector<64x1024xf32>
    %add3A_947 = arith.addf %mul3A_894, %mul3A_918 : vector<64x1024xf32>
    %add3A_948 = arith.addf %add3A_946, %add3A_947 : vector<64x1024xf32>
    %add3A_949 = arith.addf %mul3A_888, %mul3A_912 : vector<64x1024xf32>
    %add3A_950 = arith.addf %mul3A_900, %mul3A_924 : vector<64x1024xf32>
    %add3A_951 = arith.addf %add3A_949, %add3A_950 : vector<64x1024xf32>
    %add3A_952 = arith.addf %add3A_948, %add3A_951 : vector<64x1024xf32>
    %add3A_953 = arith.addf %add3A_931, %add3A_938 : vector<64x1024xf32>
    %add3A_954 = arith.addf %add3A_953, %add3A_945 : vector<64x1024xf32>
    %add3A_955 = arith.addf %add3A_954, %add3A_952 : vector<64x1024xf32>
    %reduce_min3A_956 = arith.constant dense<0x7F800000> : vector<1024xf32>
    %reduce_min3A_957 = vector.multi_reduction <minimumf>, %add3A_955, %reduce_min3A_956 [0] : vector<64x1024xf32> to vector<1024xf32>
    %broadcast_in_dim3A_958 = vector.shape_cast %reduce_min3A_957 : vector<1024xf32> to vector<1x1024xf32>
    %iota3A_959 = tpu.iota {dimensions = array<i32: 0>} : vector<64x1024xi32>
    %eq3A_960 = vector.broadcast %broadcast_in_dim3A_958 : vector<1x1024xf32> to vector<64x1024xf32>
    %eq3A_961 = arith.cmpf oeq, %add3A_955, %eq3A_960 : vector<64x1024xf32>
    %jit3A_962 = arith.constant 512 : i32
    %broadcast_in_dim3A_963 = vector.broadcast %jit3A_962 : i32 to vector<64x1024xi32>
    %select_n3A_964 = arith.select %eq3A_961, %iota3A_959, %broadcast_in_dim3A_963 : vector<64x1024xi1>, vector<64x1024xi32>
    %reduce_min3A_965 = arith.constant dense<2147483647> : vector<1024xi32>
    %reduce_min3A_966 = vector.multi_reduction <minsi>, %select_n3A_964, %reduce_min3A_965 [0] : vector<64x1024xi32> to vector<1024xi32>
    %broadcast_in_dim3A_967 = vector.shape_cast %reduce_min3A_966 : vector<1024xi32> to vector<1x1024xi32>
    %add3A_968 = arith.constant 192 : i32
    %add3A_969 = vector.broadcast %add3A_968 : i32 to vector<1x1024xi32>
    %add3A_970 = arith.addi %broadcast_in_dim3A_967, %add3A_969 : vector<1x1024xi32>
    %lt3A_971 = arith.cmpf olt, %broadcast_in_dim3A_958, %select_n3A_728 : vector<1x1024xf32>
    %select_n3A_972 = arith.select %lt3A_971, %broadcast_in_dim3A_958, %select_n3A_728 : vector<1x1024xi1>, vector<1x1024xf32>
    %select_n3A_973 = arith.select %lt3A_971, %add3A_970, %select_n3A_729 : vector<1x1024xi1>, vector<1x1024xi32>
    %get3A_974 = arith.constant 256 : index
    %get3A_975 = arith.constant 0 : index
    %get3A_976 = vector.load %arg2[%get3A_974, %get3A_975] : memref<512x32xf32, #tpu.memory_space<vmem>>, vector<64x32xf32>
    %slice3A_977 = vector.extract_strided_slice %get3A_976 {offsets = [0, 0], sizes = [64, 1], strides = [1, 1]} : vector<64x32xf32> to vector<64x1xf32>
    %slice3A_978 = vector.extract_strided_slice %reshape3A {offsets = [0, 0], sizes = [1, 1024], strides = [1, 1]} : vector<32x1024xf32> to vector<1x1024xf32>
    %sub3A_979 = vector.broadcast %slice3A_977 : vector<64x1xf32> to vector<64x1024xf32>
    %sub3A_980 = vector.broadcast %slice3A_978 : vector<1x1024xf32> to vector<64x1024xf32>
    %sub3A_981 = arith.subf %sub3A_979, %sub3A_980 : vector<64x1024xf32>
    %mul3A_982 = arith.mulf %sub3A_981, %sub3A_981 : vector<64x1024xf32>
    %slice3A_983 = vector.extract_strided_slice %get3A_976 {offsets = [0, 1], sizes = [64, 1], strides = [1, 1]} : vector<64x32xf32> to vector<64x1xf32>
    %slice3A_984 = vector.extract_strided_slice %reshape3A {offsets = [1, 0], sizes = [1, 1024], strides = [1, 1]} : vector<32x1024xf32> to vector<1x1024xf32>
    %sub3A_985 = vector.broadcast %slice3A_983 : vector<64x1xf32> to vector<64x1024xf32>
    %sub3A_986 = vector.broadcast %slice3A_984 : vector<1x1024xf32> to vector<64x1024xf32>
    %sub3A_987 = arith.subf %sub3A_985, %sub3A_986 : vector<64x1024xf32>
    %mul3A_988 = arith.mulf %sub3A_987, %sub3A_987 : vector<64x1024xf32>
    %slice3A_989 = vector.extract_strided_slice %get3A_976 {offsets = [0, 2], sizes = [64, 1], strides = [1, 1]} : vector<64x32xf32> to vector<64x1xf32>
    %slice3A_990 = vector.extract_strided_slice %reshape3A {offsets = [2, 0], sizes = [1, 1024], strides = [1, 1]} : vector<32x1024xf32> to vector<1x1024xf32>
    %sub3A_991 = vector.broadcast %slice3A_989 : vector<64x1xf32> to vector<64x1024xf32>
    %sub3A_992 = vector.broadcast %slice3A_990 : vector<1x1024xf32> to vector<64x1024xf32>
    %sub3A_993 = arith.subf %sub3A_991, %sub3A_992 : vector<64x1024xf32>
    %mul3A_994 = arith.mulf %sub3A_993, %sub3A_993 : vector<64x1024xf32>
    %slice3A_995 = vector.extract_strided_slice %get3A_976 {offsets = [0, 3], sizes = [64, 1], strides = [1, 1]} : vector<64x32xf32> to vector<64x1xf32>
    %slice3A_996 = vector.extract_strided_slice %reshape3A {offsets = [3, 0], sizes = [1, 1024], strides = [1, 1]} : vector<32x1024xf32> to vector<1x1024xf32>
    %sub3A_997 = vector.broadcast %slice3A_995 : vector<64x1xf32> to vector<64x1024xf32>
    %sub3A_998 = vector.broadcast %slice3A_996 : vector<1x1024xf32> to vector<64x1024xf32>
    %sub3A_999 = arith.subf %sub3A_997, %sub3A_998 : vector<64x1024xf32>
    %mul3A_1000 = arith.mulf %sub3A_999, %sub3A_999 : vector<64x1024xf32>
    %slice3A_1001 = vector.extract_strided_slice %get3A_976 {offsets = [0, 4], sizes = [64, 1], strides = [1, 1]} : vector<64x32xf32> to vector<64x1xf32>
    %slice3A_1002 = vector.extract_strided_slice %reshape3A {offsets = [4, 0], sizes = [1, 1024], strides = [1, 1]} : vector<32x1024xf32> to vector<1x1024xf32>
    %sub3A_1003 = vector.broadcast %slice3A_1001 : vector<64x1xf32> to vector<64x1024xf32>
    %sub3A_1004 = vector.broadcast %slice3A_1002 : vector<1x1024xf32> to vector<64x1024xf32>
    %sub3A_1005 = arith.subf %sub3A_1003, %sub3A_1004 : vector<64x1024xf32>
    %mul3A_1006 = arith.mulf %sub3A_1005, %sub3A_1005 : vector<64x1024xf32>
    %slice3A_1007 = vector.extract_strided_slice %get3A_976 {offsets = [0, 5], sizes = [64, 1], strides = [1, 1]} : vector<64x32xf32> to vector<64x1xf32>
    %slice3A_1008 = vector.extract_strided_slice %reshape3A {offsets = [5, 0], sizes = [1, 1024], strides = [1, 1]} : vector<32x1024xf32> to vector<1x1024xf32>
    %sub3A_1009 = vector.broadcast %slice3A_1007 : vector<64x1xf32> to vector<64x1024xf32>
    %sub3A_1010 = vector.broadcast %slice3A_1008 : vector<1x1024xf32> to vector<64x1024xf32>
    %sub3A_1011 = arith.subf %sub3A_1009, %sub3A_1010 : vector<64x1024xf32>
    %mul3A_1012 = arith.mulf %sub3A_1011, %sub3A_1011 : vector<64x1024xf32>
    %slice3A_1013 = vector.extract_strided_slice %get3A_976 {offsets = [0, 6], sizes = [64, 1], strides = [1, 1]} : vector<64x32xf32> to vector<64x1xf32>
    %slice3A_1014 = vector.extract_strided_slice %reshape3A {offsets = [6, 0], sizes = [1, 1024], strides = [1, 1]} : vector<32x1024xf32> to vector<1x1024xf32>
    %sub3A_1015 = vector.broadcast %slice3A_1013 : vector<64x1xf32> to vector<64x1024xf32>
    %sub3A_1016 = vector.broadcast %slice3A_1014 : vector<1x1024xf32> to vector<64x1024xf32>
    %sub3A_1017 = arith.subf %sub3A_1015, %sub3A_1016 : vector<64x1024xf32>
    %mul3A_1018 = arith.mulf %sub3A_1017, %sub3A_1017 : vector<64x1024xf32>
    %slice3A_1019 = vector.extract_strided_slice %get3A_976 {offsets = [0, 7], sizes = [64, 1], strides = [1, 1]} : vector<64x32xf32> to vector<64x1xf32>
    %slice3A_1020 = vector.extract_strided_slice %reshape3A {offsets = [7, 0], sizes = [1, 1024], strides = [1, 1]} : vector<32x1024xf32> to vector<1x1024xf32>
    %sub3A_1021 = vector.broadcast %slice3A_1019 : vector<64x1xf32> to vector<64x1024xf32>
    %sub3A_1022 = vector.broadcast %slice3A_1020 : vector<1x1024xf32> to vector<64x1024xf32>
    %sub3A_1023 = arith.subf %sub3A_1021, %sub3A_1022 : vector<64x1024xf32>
    %mul3A_1024 = arith.mulf %sub3A_1023, %sub3A_1023 : vector<64x1024xf32>
    %slice3A_1025 = vector.extract_strided_slice %get3A_976 {offsets = [0, 8], sizes = [64, 1], strides = [1, 1]} : vector<64x32xf32> to vector<64x1xf32>
    %slice3A_1026 = vector.extract_strided_slice %reshape3A {offsets = [8, 0], sizes = [1, 1024], strides = [1, 1]} : vector<32x1024xf32> to vector<1x1024xf32>
    %sub3A_1027 = vector.broadcast %slice3A_1025 : vector<64x1xf32> to vector<64x1024xf32>
    %sub3A_1028 = vector.broadcast %slice3A_1026 : vector<1x1024xf32> to vector<64x1024xf32>
    %sub3A_1029 = arith.subf %sub3A_1027, %sub3A_1028 : vector<64x1024xf32>
    %mul3A_1030 = arith.mulf %sub3A_1029, %sub3A_1029 : vector<64x1024xf32>
    %slice3A_1031 = vector.extract_strided_slice %get3A_976 {offsets = [0, 9], sizes = [64, 1], strides = [1, 1]} : vector<64x32xf32> to vector<64x1xf32>
    %slice3A_1032 = vector.extract_strided_slice %reshape3A {offsets = [9, 0], sizes = [1, 1024], strides = [1, 1]} : vector<32x1024xf32> to vector<1x1024xf32>
    %sub3A_1033 = vector.broadcast %slice3A_1031 : vector<64x1xf32> to vector<64x1024xf32>
    %sub3A_1034 = vector.broadcast %slice3A_1032 : vector<1x1024xf32> to vector<64x1024xf32>
    %sub3A_1035 = arith.subf %sub3A_1033, %sub3A_1034 : vector<64x1024xf32>
    %mul3A_1036 = arith.mulf %sub3A_1035, %sub3A_1035 : vector<64x1024xf32>
    %slice3A_1037 = vector.extract_strided_slice %get3A_976 {offsets = [0, 10], sizes = [64, 1], strides = [1, 1]} : vector<64x32xf32> to vector<64x1xf32>
    %slice3A_1038 = vector.extract_strided_slice %reshape3A {offsets = [10, 0], sizes = [1, 1024], strides = [1, 1]} : vector<32x1024xf32> to vector<1x1024xf32>
    %sub3A_1039 = vector.broadcast %slice3A_1037 : vector<64x1xf32> to vector<64x1024xf32>
    %sub3A_1040 = vector.broadcast %slice3A_1038 : vector<1x1024xf32> to vector<64x1024xf32>
    %sub3A_1041 = arith.subf %sub3A_1039, %sub3A_1040 : vector<64x1024xf32>
    %mul3A_1042 = arith.mulf %sub3A_1041, %sub3A_1041 : vector<64x1024xf32>
    %slice3A_1043 = vector.extract_strided_slice %get3A_976 {offsets = [0, 11], sizes = [64, 1], strides = [1, 1]} : vector<64x32xf32> to vector<64x1xf32>
    %slice3A_1044 = vector.extract_strided_slice %reshape3A {offsets = [11, 0], sizes = [1, 1024], strides = [1, 1]} : vector<32x1024xf32> to vector<1x1024xf32>
    %sub3A_1045 = vector.broadcast %slice3A_1043 : vector<64x1xf32> to vector<64x1024xf32>
    %sub3A_1046 = vector.broadcast %slice3A_1044 : vector<1x1024xf32> to vector<64x1024xf32>
    %sub3A_1047 = arith.subf %sub3A_1045, %sub3A_1046 : vector<64x1024xf32>
    %mul3A_1048 = arith.mulf %sub3A_1047, %sub3A_1047 : vector<64x1024xf32>
    %slice3A_1049 = vector.extract_strided_slice %get3A_976 {offsets = [0, 12], sizes = [64, 1], strides = [1, 1]} : vector<64x32xf32> to vector<64x1xf32>
    %slice3A_1050 = vector.extract_strided_slice %reshape3A {offsets = [12, 0], sizes = [1, 1024], strides = [1, 1]} : vector<32x1024xf32> to vector<1x1024xf32>
    %sub3A_1051 = vector.broadcast %slice3A_1049 : vector<64x1xf32> to vector<64x1024xf32>
    %sub3A_1052 = vector.broadcast %slice3A_1050 : vector<1x1024xf32> to vector<64x1024xf32>
    %sub3A_1053 = arith.subf %sub3A_1051, %sub3A_1052 : vector<64x1024xf32>
    %mul3A_1054 = arith.mulf %sub3A_1053, %sub3A_1053 : vector<64x1024xf32>
    %slice3A_1055 = vector.extract_strided_slice %get3A_976 {offsets = [0, 13], sizes = [64, 1], strides = [1, 1]} : vector<64x32xf32> to vector<64x1xf32>
    %slice3A_1056 = vector.extract_strided_slice %reshape3A {offsets = [13, 0], sizes = [1, 1024], strides = [1, 1]} : vector<32x1024xf32> to vector<1x1024xf32>
    %sub3A_1057 = vector.broadcast %slice3A_1055 : vector<64x1xf32> to vector<64x1024xf32>
    %sub3A_1058 = vector.broadcast %slice3A_1056 : vector<1x1024xf32> to vector<64x1024xf32>
    %sub3A_1059 = arith.subf %sub3A_1057, %sub3A_1058 : vector<64x1024xf32>
    %mul3A_1060 = arith.mulf %sub3A_1059, %sub3A_1059 : vector<64x1024xf32>
    %slice3A_1061 = vector.extract_strided_slice %get3A_976 {offsets = [0, 14], sizes = [64, 1], strides = [1, 1]} : vector<64x32xf32> to vector<64x1xf32>
    %slice3A_1062 = vector.extract_strided_slice %reshape3A {offsets = [14, 0], sizes = [1, 1024], strides = [1, 1]} : vector<32x1024xf32> to vector<1x1024xf32>
    %sub3A_1063 = vector.broadcast %slice3A_1061 : vector<64x1xf32> to vector<64x1024xf32>
    %sub3A_1064 = vector.broadcast %slice3A_1062 : vector<1x1024xf32> to vector<64x1024xf32>
    %sub3A_1065 = arith.subf %sub3A_1063, %sub3A_1064 : vector<64x1024xf32>
    %mul3A_1066 = arith.mulf %sub3A_1065, %sub3A_1065 : vector<64x1024xf32>
    %slice3A_1067 = vector.extract_strided_slice %get3A_976 {offsets = [0, 15], sizes = [64, 1], strides = [1, 1]} : vector<64x32xf32> to vector<64x1xf32>
    %slice3A_1068 = vector.extract_strided_slice %reshape3A {offsets = [15, 0], sizes = [1, 1024], strides = [1, 1]} : vector<32x1024xf32> to vector<1x1024xf32>
    %sub3A_1069 = vector.broadcast %slice3A_1067 : vector<64x1xf32> to vector<64x1024xf32>
    %sub3A_1070 = vector.broadcast %slice3A_1068 : vector<1x1024xf32> to vector<64x1024xf32>
    %sub3A_1071 = arith.subf %sub3A_1069, %sub3A_1070 : vector<64x1024xf32>
    %mul3A_1072 = arith.mulf %sub3A_1071, %sub3A_1071 : vector<64x1024xf32>
    %slice3A_1073 = vector.extract_strided_slice %get3A_976 {offsets = [0, 16], sizes = [64, 1], strides = [1, 1]} : vector<64x32xf32> to vector<64x1xf32>
    %slice3A_1074 = vector.extract_strided_slice %reshape3A {offsets = [16, 0], sizes = [1, 1024], strides = [1, 1]} : vector<32x1024xf32> to vector<1x1024xf32>
    %sub3A_1075 = vector.broadcast %slice3A_1073 : vector<64x1xf32> to vector<64x1024xf32>
    %sub3A_1076 = vector.broadcast %slice3A_1074 : vector<1x1024xf32> to vector<64x1024xf32>
    %sub3A_1077 = arith.subf %sub3A_1075, %sub3A_1076 : vector<64x1024xf32>
    %mul3A_1078 = arith.mulf %sub3A_1077, %sub3A_1077 : vector<64x1024xf32>
    %slice3A_1079 = vector.extract_strided_slice %get3A_976 {offsets = [0, 17], sizes = [64, 1], strides = [1, 1]} : vector<64x32xf32> to vector<64x1xf32>
    %slice3A_1080 = vector.extract_strided_slice %reshape3A {offsets = [17, 0], sizes = [1, 1024], strides = [1, 1]} : vector<32x1024xf32> to vector<1x1024xf32>
    %sub3A_1081 = vector.broadcast %slice3A_1079 : vector<64x1xf32> to vector<64x1024xf32>
    %sub3A_1082 = vector.broadcast %slice3A_1080 : vector<1x1024xf32> to vector<64x1024xf32>
    %sub3A_1083 = arith.subf %sub3A_1081, %sub3A_1082 : vector<64x1024xf32>
    %mul3A_1084 = arith.mulf %sub3A_1083, %sub3A_1083 : vector<64x1024xf32>
    %slice3A_1085 = vector.extract_strided_slice %get3A_976 {offsets = [0, 18], sizes = [64, 1], strides = [1, 1]} : vector<64x32xf32> to vector<64x1xf32>
    %slice3A_1086 = vector.extract_strided_slice %reshape3A {offsets = [18, 0], sizes = [1, 1024], strides = [1, 1]} : vector<32x1024xf32> to vector<1x1024xf32>
    %sub3A_1087 = vector.broadcast %slice3A_1085 : vector<64x1xf32> to vector<64x1024xf32>
    %sub3A_1088 = vector.broadcast %slice3A_1086 : vector<1x1024xf32> to vector<64x1024xf32>
    %sub3A_1089 = arith.subf %sub3A_1087, %sub3A_1088 : vector<64x1024xf32>
    %mul3A_1090 = arith.mulf %sub3A_1089, %sub3A_1089 : vector<64x1024xf32>
    %slice3A_1091 = vector.extract_strided_slice %get3A_976 {offsets = [0, 19], sizes = [64, 1], strides = [1, 1]} : vector<64x32xf32> to vector<64x1xf32>
    %slice3A_1092 = vector.extract_strided_slice %reshape3A {offsets = [19, 0], sizes = [1, 1024], strides = [1, 1]} : vector<32x1024xf32> to vector<1x1024xf32>
    %sub3A_1093 = vector.broadcast %slice3A_1091 : vector<64x1xf32> to vector<64x1024xf32>
    %sub3A_1094 = vector.broadcast %slice3A_1092 : vector<1x1024xf32> to vector<64x1024xf32>
    %sub3A_1095 = arith.subf %sub3A_1093, %sub3A_1094 : vector<64x1024xf32>
    %mul3A_1096 = arith.mulf %sub3A_1095, %sub3A_1095 : vector<64x1024xf32>
    %slice3A_1097 = vector.extract_strided_slice %get3A_976 {offsets = [0, 20], sizes = [64, 1], strides = [1, 1]} : vector<64x32xf32> to vector<64x1xf32>
    %slice3A_1098 = vector.extract_strided_slice %reshape3A {offsets = [20, 0], sizes = [1, 1024], strides = [1, 1]} : vector<32x1024xf32> to vector<1x1024xf32>
    %sub3A_1099 = vector.broadcast %slice3A_1097 : vector<64x1xf32> to vector<64x1024xf32>
    %sub3A_1100 = vector.broadcast %slice3A_1098 : vector<1x1024xf32> to vector<64x1024xf32>
    %sub3A_1101 = arith.subf %sub3A_1099, %sub3A_1100 : vector<64x1024xf32>
    %mul3A_1102 = arith.mulf %sub3A_1101, %sub3A_1101 : vector<64x1024xf32>
    %slice3A_1103 = vector.extract_strided_slice %get3A_976 {offsets = [0, 21], sizes = [64, 1], strides = [1, 1]} : vector<64x32xf32> to vector<64x1xf32>
    %slice3A_1104 = vector.extract_strided_slice %reshape3A {offsets = [21, 0], sizes = [1, 1024], strides = [1, 1]} : vector<32x1024xf32> to vector<1x1024xf32>
    %sub3A_1105 = vector.broadcast %slice3A_1103 : vector<64x1xf32> to vector<64x1024xf32>
    %sub3A_1106 = vector.broadcast %slice3A_1104 : vector<1x1024xf32> to vector<64x1024xf32>
    %sub3A_1107 = arith.subf %sub3A_1105, %sub3A_1106 : vector<64x1024xf32>
    %mul3A_1108 = arith.mulf %sub3A_1107, %sub3A_1107 : vector<64x1024xf32>
    %slice3A_1109 = vector.extract_strided_slice %get3A_976 {offsets = [0, 22], sizes = [64, 1], strides = [1, 1]} : vector<64x32xf32> to vector<64x1xf32>
    %slice3A_1110 = vector.extract_strided_slice %reshape3A {offsets = [22, 0], sizes = [1, 1024], strides = [1, 1]} : vector<32x1024xf32> to vector<1x1024xf32>
    %sub3A_1111 = vector.broadcast %slice3A_1109 : vector<64x1xf32> to vector<64x1024xf32>
    %sub3A_1112 = vector.broadcast %slice3A_1110 : vector<1x1024xf32> to vector<64x1024xf32>
    %sub3A_1113 = arith.subf %sub3A_1111, %sub3A_1112 : vector<64x1024xf32>
    %mul3A_1114 = arith.mulf %sub3A_1113, %sub3A_1113 : vector<64x1024xf32>
    %slice3A_1115 = vector.extract_strided_slice %get3A_976 {offsets = [0, 23], sizes = [64, 1], strides = [1, 1]} : vector<64x32xf32> to vector<64x1xf32>
    %slice3A_1116 = vector.extract_strided_slice %reshape3A {offsets = [23, 0], sizes = [1, 1024], strides = [1, 1]} : vector<32x1024xf32> to vector<1x1024xf32>
    %sub3A_1117 = vector.broadcast %slice3A_1115 : vector<64x1xf32> to vector<64x1024xf32>
    %sub3A_1118 = vector.broadcast %slice3A_1116 : vector<1x1024xf32> to vector<64x1024xf32>
    %sub3A_1119 = arith.subf %sub3A_1117, %sub3A_1118 : vector<64x1024xf32>
    %mul3A_1120 = arith.mulf %sub3A_1119, %sub3A_1119 : vector<64x1024xf32>
    %slice3A_1121 = vector.extract_strided_slice %get3A_976 {offsets = [0, 24], sizes = [64, 1], strides = [1, 1]} : vector<64x32xf32> to vector<64x1xf32>
    %slice3A_1122 = vector.extract_strided_slice %reshape3A {offsets = [24, 0], sizes = [1, 1024], strides = [1, 1]} : vector<32x1024xf32> to vector<1x1024xf32>
    %sub3A_1123 = vector.broadcast %slice3A_1121 : vector<64x1xf32> to vector<64x1024xf32>
    %sub3A_1124 = vector.broadcast %slice3A_1122 : vector<1x1024xf32> to vector<64x1024xf32>
    %sub3A_1125 = arith.subf %sub3A_1123, %sub3A_1124 : vector<64x1024xf32>
    %mul3A_1126 = arith.mulf %sub3A_1125, %sub3A_1125 : vector<64x1024xf32>
    %slice3A_1127 = vector.extract_strided_slice %get3A_976 {offsets = [0, 25], sizes = [64, 1], strides = [1, 1]} : vector<64x32xf32> to vector<64x1xf32>
    %slice3A_1128 = vector.extract_strided_slice %reshape3A {offsets = [25, 0], sizes = [1, 1024], strides = [1, 1]} : vector<32x1024xf32> to vector<1x1024xf32>
    %sub3A_1129 = vector.broadcast %slice3A_1127 : vector<64x1xf32> to vector<64x1024xf32>
    %sub3A_1130 = vector.broadcast %slice3A_1128 : vector<1x1024xf32> to vector<64x1024xf32>
    %sub3A_1131 = arith.subf %sub3A_1129, %sub3A_1130 : vector<64x1024xf32>
    %mul3A_1132 = arith.mulf %sub3A_1131, %sub3A_1131 : vector<64x1024xf32>
    %slice3A_1133 = vector.extract_strided_slice %get3A_976 {offsets = [0, 26], sizes = [64, 1], strides = [1, 1]} : vector<64x32xf32> to vector<64x1xf32>
    %slice3A_1134 = vector.extract_strided_slice %reshape3A {offsets = [26, 0], sizes = [1, 1024], strides = [1, 1]} : vector<32x1024xf32> to vector<1x1024xf32>
    %sub3A_1135 = vector.broadcast %slice3A_1133 : vector<64x1xf32> to vector<64x1024xf32>
    %sub3A_1136 = vector.broadcast %slice3A_1134 : vector<1x1024xf32> to vector<64x1024xf32>
    %sub3A_1137 = arith.subf %sub3A_1135, %sub3A_1136 : vector<64x1024xf32>
    %mul3A_1138 = arith.mulf %sub3A_1137, %sub3A_1137 : vector<64x1024xf32>
    %slice3A_1139 = vector.extract_strided_slice %get3A_976 {offsets = [0, 27], sizes = [64, 1], strides = [1, 1]} : vector<64x32xf32> to vector<64x1xf32>
    %slice3A_1140 = vector.extract_strided_slice %reshape3A {offsets = [27, 0], sizes = [1, 1024], strides = [1, 1]} : vector<32x1024xf32> to vector<1x1024xf32>
    %sub3A_1141 = vector.broadcast %slice3A_1139 : vector<64x1xf32> to vector<64x1024xf32>
    %sub3A_1142 = vector.broadcast %slice3A_1140 : vector<1x1024xf32> to vector<64x1024xf32>
    %sub3A_1143 = arith.subf %sub3A_1141, %sub3A_1142 : vector<64x1024xf32>
    %mul3A_1144 = arith.mulf %sub3A_1143, %sub3A_1143 : vector<64x1024xf32>
    %slice3A_1145 = vector.extract_strided_slice %get3A_976 {offsets = [0, 28], sizes = [64, 1], strides = [1, 1]} : vector<64x32xf32> to vector<64x1xf32>
    %slice3A_1146 = vector.extract_strided_slice %reshape3A {offsets = [28, 0], sizes = [1, 1024], strides = [1, 1]} : vector<32x1024xf32> to vector<1x1024xf32>
    %sub3A_1147 = vector.broadcast %slice3A_1145 : vector<64x1xf32> to vector<64x1024xf32>
    %sub3A_1148 = vector.broadcast %slice3A_1146 : vector<1x1024xf32> to vector<64x1024xf32>
    %sub3A_1149 = arith.subf %sub3A_1147, %sub3A_1148 : vector<64x1024xf32>
    %mul3A_1150 = arith.mulf %sub3A_1149, %sub3A_1149 : vector<64x1024xf32>
    %slice3A_1151 = vector.extract_strided_slice %get3A_976 {offsets = [0, 29], sizes = [64, 1], strides = [1, 1]} : vector<64x32xf32> to vector<64x1xf32>
    %slice3A_1152 = vector.extract_strided_slice %reshape3A {offsets = [29, 0], sizes = [1, 1024], strides = [1, 1]} : vector<32x1024xf32> to vector<1x1024xf32>
    %sub3A_1153 = vector.broadcast %slice3A_1151 : vector<64x1xf32> to vector<64x1024xf32>
    %sub3A_1154 = vector.broadcast %slice3A_1152 : vector<1x1024xf32> to vector<64x1024xf32>
    %sub3A_1155 = arith.subf %sub3A_1153, %sub3A_1154 : vector<64x1024xf32>
    %mul3A_1156 = arith.mulf %sub3A_1155, %sub3A_1155 : vector<64x1024xf32>
    %slice3A_1157 = vector.extract_strided_slice %get3A_976 {offsets = [0, 30], sizes = [64, 1], strides = [1, 1]} : vector<64x32xf32> to vector<64x1xf32>
    %slice3A_1158 = vector.extract_strided_slice %reshape3A {offsets = [30, 0], sizes = [1, 1024], strides = [1, 1]} : vector<32x1024xf32> to vector<1x1024xf32>
    %sub3A_1159 = vector.broadcast %slice3A_1157 : vector<64x1xf32> to vector<64x1024xf32>
    %sub3A_1160 = vector.broadcast %slice3A_1158 : vector<1x1024xf32> to vector<64x1024xf32>
    %sub3A_1161 = arith.subf %sub3A_1159, %sub3A_1160 : vector<64x1024xf32>
    %mul3A_1162 = arith.mulf %sub3A_1161, %sub3A_1161 : vector<64x1024xf32>
    %slice3A_1163 = vector.extract_strided_slice %get3A_976 {offsets = [0, 31], sizes = [64, 1], strides = [1, 1]} : vector<64x32xf32> to vector<64x1xf32>
    %slice3A_1164 = vector.extract_strided_slice %reshape3A {offsets = [31, 0], sizes = [1, 1024], strides = [1, 1]} : vector<32x1024xf32> to vector<1x1024xf32>
    %sub3A_1165 = vector.broadcast %slice3A_1163 : vector<64x1xf32> to vector<64x1024xf32>
    %sub3A_1166 = vector.broadcast %slice3A_1164 : vector<1x1024xf32> to vector<64x1024xf32>
    %sub3A_1167 = arith.subf %sub3A_1165, %sub3A_1166 : vector<64x1024xf32>
    %mul3A_1168 = arith.mulf %sub3A_1167, %sub3A_1167 : vector<64x1024xf32>
    %add3A_1169 = arith.addf %mul3A_982, %mul3A_1006 : vector<64x1024xf32>
    %add3A_1170 = arith.addf %mul3A_994, %mul3A_1018 : vector<64x1024xf32>
    %add3A_1171 = arith.addf %add3A_1169, %add3A_1170 : vector<64x1024xf32>
    %add3A_1172 = arith.addf %mul3A_988, %mul3A_1012 : vector<64x1024xf32>
    %add3A_1173 = arith.addf %mul3A_1000, %mul3A_1024 : vector<64x1024xf32>
    %add3A_1174 = arith.addf %add3A_1172, %add3A_1173 : vector<64x1024xf32>
    %add3A_1175 = arith.addf %add3A_1171, %add3A_1174 : vector<64x1024xf32>
    %add3A_1176 = arith.addf %mul3A_1030, %mul3A_1054 : vector<64x1024xf32>
    %add3A_1177 = arith.addf %mul3A_1042, %mul3A_1066 : vector<64x1024xf32>
    %add3A_1178 = arith.addf %add3A_1176, %add3A_1177 : vector<64x1024xf32>
    %add3A_1179 = arith.addf %mul3A_1036, %mul3A_1060 : vector<64x1024xf32>
    %add3A_1180 = arith.addf %mul3A_1048, %mul3A_1072 : vector<64x1024xf32>
    %add3A_1181 = arith.addf %add3A_1179, %add3A_1180 : vector<64x1024xf32>
    %add3A_1182 = arith.addf %add3A_1178, %add3A_1181 : vector<64x1024xf32>
    %add3A_1183 = arith.addf %mul3A_1078, %mul3A_1102 : vector<64x1024xf32>
    %add3A_1184 = arith.addf %mul3A_1090, %mul3A_1114 : vector<64x1024xf32>
    %add3A_1185 = arith.addf %add3A_1183, %add3A_1184 : vector<64x1024xf32>
    %add3A_1186 = arith.addf %mul3A_1084, %mul3A_1108 : vector<64x1024xf32>
    %add3A_1187 = arith.addf %mul3A_1096, %mul3A_1120 : vector<64x1024xf32>
    %add3A_1188 = arith.addf %add3A_1186, %add3A_1187 : vector<64x1024xf32>
    %add3A_1189 = arith.addf %add3A_1185, %add3A_1188 : vector<64x1024xf32>
    %add3A_1190 = arith.addf %mul3A_1126, %mul3A_1150 : vector<64x1024xf32>
    %add3A_1191 = arith.addf %mul3A_1138, %mul3A_1162 : vector<64x1024xf32>
    %add3A_1192 = arith.addf %add3A_1190, %add3A_1191 : vector<64x1024xf32>
    %add3A_1193 = arith.addf %mul3A_1132, %mul3A_1156 : vector<64x1024xf32>
    %add3A_1194 = arith.addf %mul3A_1144, %mul3A_1168 : vector<64x1024xf32>
    %add3A_1195 = arith.addf %add3A_1193, %add3A_1194 : vector<64x1024xf32>
    %add3A_1196 = arith.addf %add3A_1192, %add3A_1195 : vector<64x1024xf32>
    %add3A_1197 = arith.addf %add3A_1175, %add3A_1182 : vector<64x1024xf32>
    %add3A_1198 = arith.addf %add3A_1197, %add3A_1189 : vector<64x1024xf32>
    %add3A_1199 = arith.addf %add3A_1198, %add3A_1196 : vector<64x1024xf32>
    %reduce_min3A_1200 = arith.constant dense<0x7F800000> : vector<1024xf32>
    %reduce_min3A_1201 = vector.multi_reduction <minimumf>, %add3A_1199, %reduce_min3A_1200 [0] : vector<64x1024xf32> to vector<1024xf32>
    %broadcast_in_dim3A_1202 = vector.shape_cast %reduce_min3A_1201 : vector<1024xf32> to vector<1x1024xf32>
    %iota3A_1203 = tpu.iota {dimensions = array<i32: 0>} : vector<64x1024xi32>
    %eq3A_1204 = vector.broadcast %broadcast_in_dim3A_1202 : vector<1x1024xf32> to vector<64x1024xf32>
    %eq3A_1205 = arith.cmpf oeq, %add3A_1199, %eq3A_1204 : vector<64x1024xf32>
    %jit3A_1206 = arith.constant 512 : i32
    %broadcast_in_dim3A_1207 = vector.broadcast %jit3A_1206 : i32 to vector<64x1024xi32>
    %select_n3A_1208 = arith.select %eq3A_1205, %iota3A_1203, %broadcast_in_dim3A_1207 : vector<64x1024xi1>, vector<64x1024xi32>
    %reduce_min3A_1209 = arith.constant dense<2147483647> : vector<1024xi32>
    %reduce_min3A_1210 = vector.multi_reduction <minsi>, %select_n3A_1208, %reduce_min3A_1209 [0] : vector<64x1024xi32> to vector<1024xi32>
    %broadcast_in_dim3A_1211 = vector.shape_cast %reduce_min3A_1210 : vector<1024xi32> to vector<1x1024xi32>
    %add3A_1212 = arith.constant 256 : i32
    %add3A_1213 = vector.broadcast %add3A_1212 : i32 to vector<1x1024xi32>
    %add3A_1214 = arith.addi %broadcast_in_dim3A_1211, %add3A_1213 : vector<1x1024xi32>
    %lt3A_1215 = arith.cmpf olt, %broadcast_in_dim3A_1202, %select_n3A_972 : vector<1x1024xf32>
    %select_n3A_1216 = arith.select %lt3A_1215, %broadcast_in_dim3A_1202, %select_n3A_972 : vector<1x1024xi1>, vector<1x1024xf32>
    %select_n3A_1217 = arith.select %lt3A_1215, %add3A_1214, %select_n3A_973 : vector<1x1024xi1>, vector<1x1024xi32>
    %get3A_1218 = arith.constant 320 : index
    %get3A_1219 = arith.constant 0 : index
    %get3A_1220 = vector.load %arg2[%get3A_1218, %get3A_1219] : memref<512x32xf32, #tpu.memory_space<vmem>>, vector<64x32xf32>
    %slice3A_1221 = vector.extract_strided_slice %get3A_1220 {offsets = [0, 0], sizes = [64, 1], strides = [1, 1]} : vector<64x32xf32> to vector<64x1xf32>
    %slice3A_1222 = vector.extract_strided_slice %reshape3A {offsets = [0, 0], sizes = [1, 1024], strides = [1, 1]} : vector<32x1024xf32> to vector<1x1024xf32>
    %sub3A_1223 = vector.broadcast %slice3A_1221 : vector<64x1xf32> to vector<64x1024xf32>
    %sub3A_1224 = vector.broadcast %slice3A_1222 : vector<1x1024xf32> to vector<64x1024xf32>
    %sub3A_1225 = arith.subf %sub3A_1223, %sub3A_1224 : vector<64x1024xf32>
    %mul3A_1226 = arith.mulf %sub3A_1225, %sub3A_1225 : vector<64x1024xf32>
    %slice3A_1227 = vector.extract_strided_slice %get3A_1220 {offsets = [0, 1], sizes = [64, 1], strides = [1, 1]} : vector<64x32xf32> to vector<64x1xf32>
    %slice3A_1228 = vector.extract_strided_slice %reshape3A {offsets = [1, 0], sizes = [1, 1024], strides = [1, 1]} : vector<32x1024xf32> to vector<1x1024xf32>
    %sub3A_1229 = vector.broadcast %slice3A_1227 : vector<64x1xf32> to vector<64x1024xf32>
    %sub3A_1230 = vector.broadcast %slice3A_1228 : vector<1x1024xf32> to vector<64x1024xf32>
    %sub3A_1231 = arith.subf %sub3A_1229, %sub3A_1230 : vector<64x1024xf32>
    %mul3A_1232 = arith.mulf %sub3A_1231, %sub3A_1231 : vector<64x1024xf32>
    %slice3A_1233 = vector.extract_strided_slice %get3A_1220 {offsets = [0, 2], sizes = [64, 1], strides = [1, 1]} : vector<64x32xf32> to vector<64x1xf32>
    %slice3A_1234 = vector.extract_strided_slice %reshape3A {offsets = [2, 0], sizes = [1, 1024], strides = [1, 1]} : vector<32x1024xf32> to vector<1x1024xf32>
    %sub3A_1235 = vector.broadcast %slice3A_1233 : vector<64x1xf32> to vector<64x1024xf32>
    %sub3A_1236 = vector.broadcast %slice3A_1234 : vector<1x1024xf32> to vector<64x1024xf32>
    %sub3A_1237 = arith.subf %sub3A_1235, %sub3A_1236 : vector<64x1024xf32>
    %mul3A_1238 = arith.mulf %sub3A_1237, %sub3A_1237 : vector<64x1024xf32>
    %slice3A_1239 = vector.extract_strided_slice %get3A_1220 {offsets = [0, 3], sizes = [64, 1], strides = [1, 1]} : vector<64x32xf32> to vector<64x1xf32>
    %slice3A_1240 = vector.extract_strided_slice %reshape3A {offsets = [3, 0], sizes = [1, 1024], strides = [1, 1]} : vector<32x1024xf32> to vector<1x1024xf32>
    %sub3A_1241 = vector.broadcast %slice3A_1239 : vector<64x1xf32> to vector<64x1024xf32>
    %sub3A_1242 = vector.broadcast %slice3A_1240 : vector<1x1024xf32> to vector<64x1024xf32>
    %sub3A_1243 = arith.subf %sub3A_1241, %sub3A_1242 : vector<64x1024xf32>
    %mul3A_1244 = arith.mulf %sub3A_1243, %sub3A_1243 : vector<64x1024xf32>
    %slice3A_1245 = vector.extract_strided_slice %get3A_1220 {offsets = [0, 4], sizes = [64, 1], strides = [1, 1]} : vector<64x32xf32> to vector<64x1xf32>
    %slice3A_1246 = vector.extract_strided_slice %reshape3A {offsets = [4, 0], sizes = [1, 1024], strides = [1, 1]} : vector<32x1024xf32> to vector<1x1024xf32>
    %sub3A_1247 = vector.broadcast %slice3A_1245 : vector<64x1xf32> to vector<64x1024xf32>
    %sub3A_1248 = vector.broadcast %slice3A_1246 : vector<1x1024xf32> to vector<64x1024xf32>
    %sub3A_1249 = arith.subf %sub3A_1247, %sub3A_1248 : vector<64x1024xf32>
    %mul3A_1250 = arith.mulf %sub3A_1249, %sub3A_1249 : vector<64x1024xf32>
    %slice3A_1251 = vector.extract_strided_slice %get3A_1220 {offsets = [0, 5], sizes = [64, 1], strides = [1, 1]} : vector<64x32xf32> to vector<64x1xf32>
    %slice3A_1252 = vector.extract_strided_slice %reshape3A {offsets = [5, 0], sizes = [1, 1024], strides = [1, 1]} : vector<32x1024xf32> to vector<1x1024xf32>
    %sub3A_1253 = vector.broadcast %slice3A_1251 : vector<64x1xf32> to vector<64x1024xf32>
    %sub3A_1254 = vector.broadcast %slice3A_1252 : vector<1x1024xf32> to vector<64x1024xf32>
    %sub3A_1255 = arith.subf %sub3A_1253, %sub3A_1254 : vector<64x1024xf32>
    %mul3A_1256 = arith.mulf %sub3A_1255, %sub3A_1255 : vector<64x1024xf32>
    %slice3A_1257 = vector.extract_strided_slice %get3A_1220 {offsets = [0, 6], sizes = [64, 1], strides = [1, 1]} : vector<64x32xf32> to vector<64x1xf32>
    %slice3A_1258 = vector.extract_strided_slice %reshape3A {offsets = [6, 0], sizes = [1, 1024], strides = [1, 1]} : vector<32x1024xf32> to vector<1x1024xf32>
    %sub3A_1259 = vector.broadcast %slice3A_1257 : vector<64x1xf32> to vector<64x1024xf32>
    %sub3A_1260 = vector.broadcast %slice3A_1258 : vector<1x1024xf32> to vector<64x1024xf32>
    %sub3A_1261 = arith.subf %sub3A_1259, %sub3A_1260 : vector<64x1024xf32>
    %mul3A_1262 = arith.mulf %sub3A_1261, %sub3A_1261 : vector<64x1024xf32>
    %slice3A_1263 = vector.extract_strided_slice %get3A_1220 {offsets = [0, 7], sizes = [64, 1], strides = [1, 1]} : vector<64x32xf32> to vector<64x1xf32>
    %slice3A_1264 = vector.extract_strided_slice %reshape3A {offsets = [7, 0], sizes = [1, 1024], strides = [1, 1]} : vector<32x1024xf32> to vector<1x1024xf32>
    %sub3A_1265 = vector.broadcast %slice3A_1263 : vector<64x1xf32> to vector<64x1024xf32>
    %sub3A_1266 = vector.broadcast %slice3A_1264 : vector<1x1024xf32> to vector<64x1024xf32>
    %sub3A_1267 = arith.subf %sub3A_1265, %sub3A_1266 : vector<64x1024xf32>
    %mul3A_1268 = arith.mulf %sub3A_1267, %sub3A_1267 : vector<64x1024xf32>
    %slice3A_1269 = vector.extract_strided_slice %get3A_1220 {offsets = [0, 8], sizes = [64, 1], strides = [1, 1]} : vector<64x32xf32> to vector<64x1xf32>
    %slice3A_1270 = vector.extract_strided_slice %reshape3A {offsets = [8, 0], sizes = [1, 1024], strides = [1, 1]} : vector<32x1024xf32> to vector<1x1024xf32>
    %sub3A_1271 = vector.broadcast %slice3A_1269 : vector<64x1xf32> to vector<64x1024xf32>
    %sub3A_1272 = vector.broadcast %slice3A_1270 : vector<1x1024xf32> to vector<64x1024xf32>
    %sub3A_1273 = arith.subf %sub3A_1271, %sub3A_1272 : vector<64x1024xf32>
    %mul3A_1274 = arith.mulf %sub3A_1273, %sub3A_1273 : vector<64x1024xf32>
    %slice3A_1275 = vector.extract_strided_slice %get3A_1220 {offsets = [0, 9], sizes = [64, 1], strides = [1, 1]} : vector<64x32xf32> to vector<64x1xf32>
    %slice3A_1276 = vector.extract_strided_slice %reshape3A {offsets = [9, 0], sizes = [1, 1024], strides = [1, 1]} : vector<32x1024xf32> to vector<1x1024xf32>
    %sub3A_1277 = vector.broadcast %slice3A_1275 : vector<64x1xf32> to vector<64x1024xf32>
    %sub3A_1278 = vector.broadcast %slice3A_1276 : vector<1x1024xf32> to vector<64x1024xf32>
    %sub3A_1279 = arith.subf %sub3A_1277, %sub3A_1278 : vector<64x1024xf32>
    %mul3A_1280 = arith.mulf %sub3A_1279, %sub3A_1279 : vector<64x1024xf32>
    %slice3A_1281 = vector.extract_strided_slice %get3A_1220 {offsets = [0, 10], sizes = [64, 1], strides = [1, 1]} : vector<64x32xf32> to vector<64x1xf32>
    %slice3A_1282 = vector.extract_strided_slice %reshape3A {offsets = [10, 0], sizes = [1, 1024], strides = [1, 1]} : vector<32x1024xf32> to vector<1x1024xf32>
    %sub3A_1283 = vector.broadcast %slice3A_1281 : vector<64x1xf32> to vector<64x1024xf32>
    %sub3A_1284 = vector.broadcast %slice3A_1282 : vector<1x1024xf32> to vector<64x1024xf32>
    %sub3A_1285 = arith.subf %sub3A_1283, %sub3A_1284 : vector<64x1024xf32>
    %mul3A_1286 = arith.mulf %sub3A_1285, %sub3A_1285 : vector<64x1024xf32>
    %slice3A_1287 = vector.extract_strided_slice %get3A_1220 {offsets = [0, 11], sizes = [64, 1], strides = [1, 1]} : vector<64x32xf32> to vector<64x1xf32>
    %slice3A_1288 = vector.extract_strided_slice %reshape3A {offsets = [11, 0], sizes = [1, 1024], strides = [1, 1]} : vector<32x1024xf32> to vector<1x1024xf32>
    %sub3A_1289 = vector.broadcast %slice3A_1287 : vector<64x1xf32> to vector<64x1024xf32>
    %sub3A_1290 = vector.broadcast %slice3A_1288 : vector<1x1024xf32> to vector<64x1024xf32>
    %sub3A_1291 = arith.subf %sub3A_1289, %sub3A_1290 : vector<64x1024xf32>
    %mul3A_1292 = arith.mulf %sub3A_1291, %sub3A_1291 : vector<64x1024xf32>
    %slice3A_1293 = vector.extract_strided_slice %get3A_1220 {offsets = [0, 12], sizes = [64, 1], strides = [1, 1]} : vector<64x32xf32> to vector<64x1xf32>
    %slice3A_1294 = vector.extract_strided_slice %reshape3A {offsets = [12, 0], sizes = [1, 1024], strides = [1, 1]} : vector<32x1024xf32> to vector<1x1024xf32>
    %sub3A_1295 = vector.broadcast %slice3A_1293 : vector<64x1xf32> to vector<64x1024xf32>
    %sub3A_1296 = vector.broadcast %slice3A_1294 : vector<1x1024xf32> to vector<64x1024xf32>
    %sub3A_1297 = arith.subf %sub3A_1295, %sub3A_1296 : vector<64x1024xf32>
    %mul3A_1298 = arith.mulf %sub3A_1297, %sub3A_1297 : vector<64x1024xf32>
    %slice3A_1299 = vector.extract_strided_slice %get3A_1220 {offsets = [0, 13], sizes = [64, 1], strides = [1, 1]} : vector<64x32xf32> to vector<64x1xf32>
    %slice3A_1300 = vector.extract_strided_slice %reshape3A {offsets = [13, 0], sizes = [1, 1024], strides = [1, 1]} : vector<32x1024xf32> to vector<1x1024xf32>
    %sub3A_1301 = vector.broadcast %slice3A_1299 : vector<64x1xf32> to vector<64x1024xf32>
    %sub3A_1302 = vector.broadcast %slice3A_1300 : vector<1x1024xf32> to vector<64x1024xf32>
    %sub3A_1303 = arith.subf %sub3A_1301, %sub3A_1302 : vector<64x1024xf32>
    %mul3A_1304 = arith.mulf %sub3A_1303, %sub3A_1303 : vector<64x1024xf32>
    %slice3A_1305 = vector.extract_strided_slice %get3A_1220 {offsets = [0, 14], sizes = [64, 1], strides = [1, 1]} : vector<64x32xf32> to vector<64x1xf32>
    %slice3A_1306 = vector.extract_strided_slice %reshape3A {offsets = [14, 0], sizes = [1, 1024], strides = [1, 1]} : vector<32x1024xf32> to vector<1x1024xf32>
    %sub3A_1307 = vector.broadcast %slice3A_1305 : vector<64x1xf32> to vector<64x1024xf32>
    %sub3A_1308 = vector.broadcast %slice3A_1306 : vector<1x1024xf32> to vector<64x1024xf32>
    %sub3A_1309 = arith.subf %sub3A_1307, %sub3A_1308 : vector<64x1024xf32>
    %mul3A_1310 = arith.mulf %sub3A_1309, %sub3A_1309 : vector<64x1024xf32>
    %slice3A_1311 = vector.extract_strided_slice %get3A_1220 {offsets = [0, 15], sizes = [64, 1], strides = [1, 1]} : vector<64x32xf32> to vector<64x1xf32>
    %slice3A_1312 = vector.extract_strided_slice %reshape3A {offsets = [15, 0], sizes = [1, 1024], strides = [1, 1]} : vector<32x1024xf32> to vector<1x1024xf32>
    %sub3A_1313 = vector.broadcast %slice3A_1311 : vector<64x1xf32> to vector<64x1024xf32>
    %sub3A_1314 = vector.broadcast %slice3A_1312 : vector<1x1024xf32> to vector<64x1024xf32>
    %sub3A_1315 = arith.subf %sub3A_1313, %sub3A_1314 : vector<64x1024xf32>
    %mul3A_1316 = arith.mulf %sub3A_1315, %sub3A_1315 : vector<64x1024xf32>
    %slice3A_1317 = vector.extract_strided_slice %get3A_1220 {offsets = [0, 16], sizes = [64, 1], strides = [1, 1]} : vector<64x32xf32> to vector<64x1xf32>
    %slice3A_1318 = vector.extract_strided_slice %reshape3A {offsets = [16, 0], sizes = [1, 1024], strides = [1, 1]} : vector<32x1024xf32> to vector<1x1024xf32>
    %sub3A_1319 = vector.broadcast %slice3A_1317 : vector<64x1xf32> to vector<64x1024xf32>
    %sub3A_1320 = vector.broadcast %slice3A_1318 : vector<1x1024xf32> to vector<64x1024xf32>
    %sub3A_1321 = arith.subf %sub3A_1319, %sub3A_1320 : vector<64x1024xf32>
    %mul3A_1322 = arith.mulf %sub3A_1321, %sub3A_1321 : vector<64x1024xf32>
    %slice3A_1323 = vector.extract_strided_slice %get3A_1220 {offsets = [0, 17], sizes = [64, 1], strides = [1, 1]} : vector<64x32xf32> to vector<64x1xf32>
    %slice3A_1324 = vector.extract_strided_slice %reshape3A {offsets = [17, 0], sizes = [1, 1024], strides = [1, 1]} : vector<32x1024xf32> to vector<1x1024xf32>
    %sub3A_1325 = vector.broadcast %slice3A_1323 : vector<64x1xf32> to vector<64x1024xf32>
    %sub3A_1326 = vector.broadcast %slice3A_1324 : vector<1x1024xf32> to vector<64x1024xf32>
    %sub3A_1327 = arith.subf %sub3A_1325, %sub3A_1326 : vector<64x1024xf32>
    %mul3A_1328 = arith.mulf %sub3A_1327, %sub3A_1327 : vector<64x1024xf32>
    %slice3A_1329 = vector.extract_strided_slice %get3A_1220 {offsets = [0, 18], sizes = [64, 1], strides = [1, 1]} : vector<64x32xf32> to vector<64x1xf32>
    %slice3A_1330 = vector.extract_strided_slice %reshape3A {offsets = [18, 0], sizes = [1, 1024], strides = [1, 1]} : vector<32x1024xf32> to vector<1x1024xf32>
    %sub3A_1331 = vector.broadcast %slice3A_1329 : vector<64x1xf32> to vector<64x1024xf32>
    %sub3A_1332 = vector.broadcast %slice3A_1330 : vector<1x1024xf32> to vector<64x1024xf32>
    %sub3A_1333 = arith.subf %sub3A_1331, %sub3A_1332 : vector<64x1024xf32>
    %mul3A_1334 = arith.mulf %sub3A_1333, %sub3A_1333 : vector<64x1024xf32>
    %slice3A_1335 = vector.extract_strided_slice %get3A_1220 {offsets = [0, 19], sizes = [64, 1], strides = [1, 1]} : vector<64x32xf32> to vector<64x1xf32>
    %slice3A_1336 = vector.extract_strided_slice %reshape3A {offsets = [19, 0], sizes = [1, 1024], strides = [1, 1]} : vector<32x1024xf32> to vector<1x1024xf32>
    %sub3A_1337 = vector.broadcast %slice3A_1335 : vector<64x1xf32> to vector<64x1024xf32>
    %sub3A_1338 = vector.broadcast %slice3A_1336 : vector<1x1024xf32> to vector<64x1024xf32>
    %sub3A_1339 = arith.subf %sub3A_1337, %sub3A_1338 : vector<64x1024xf32>
    %mul3A_1340 = arith.mulf %sub3A_1339, %sub3A_1339 : vector<64x1024xf32>
    %slice3A_1341 = vector.extract_strided_slice %get3A_1220 {offsets = [0, 20], sizes = [64, 1], strides = [1, 1]} : vector<64x32xf32> to vector<64x1xf32>
    %slice3A_1342 = vector.extract_strided_slice %reshape3A {offsets = [20, 0], sizes = [1, 1024], strides = [1, 1]} : vector<32x1024xf32> to vector<1x1024xf32>
    %sub3A_1343 = vector.broadcast %slice3A_1341 : vector<64x1xf32> to vector<64x1024xf32>
    %sub3A_1344 = vector.broadcast %slice3A_1342 : vector<1x1024xf32> to vector<64x1024xf32>
    %sub3A_1345 = arith.subf %sub3A_1343, %sub3A_1344 : vector<64x1024xf32>
    %mul3A_1346 = arith.mulf %sub3A_1345, %sub3A_1345 : vector<64x1024xf32>
    %slice3A_1347 = vector.extract_strided_slice %get3A_1220 {offsets = [0, 21], sizes = [64, 1], strides = [1, 1]} : vector<64x32xf32> to vector<64x1xf32>
    %slice3A_1348 = vector.extract_strided_slice %reshape3A {offsets = [21, 0], sizes = [1, 1024], strides = [1, 1]} : vector<32x1024xf32> to vector<1x1024xf32>
    %sub3A_1349 = vector.broadcast %slice3A_1347 : vector<64x1xf32> to vector<64x1024xf32>
    %sub3A_1350 = vector.broadcast %slice3A_1348 : vector<1x1024xf32> to vector<64x1024xf32>
    %sub3A_1351 = arith.subf %sub3A_1349, %sub3A_1350 : vector<64x1024xf32>
    %mul3A_1352 = arith.mulf %sub3A_1351, %sub3A_1351 : vector<64x1024xf32>
    %slice3A_1353 = vector.extract_strided_slice %get3A_1220 {offsets = [0, 22], sizes = [64, 1], strides = [1, 1]} : vector<64x32xf32> to vector<64x1xf32>
    %slice3A_1354 = vector.extract_strided_slice %reshape3A {offsets = [22, 0], sizes = [1, 1024], strides = [1, 1]} : vector<32x1024xf32> to vector<1x1024xf32>
    %sub3A_1355 = vector.broadcast %slice3A_1353 : vector<64x1xf32> to vector<64x1024xf32>
    %sub3A_1356 = vector.broadcast %slice3A_1354 : vector<1x1024xf32> to vector<64x1024xf32>
    %sub3A_1357 = arith.subf %sub3A_1355, %sub3A_1356 : vector<64x1024xf32>
    %mul3A_1358 = arith.mulf %sub3A_1357, %sub3A_1357 : vector<64x1024xf32>
    %slice3A_1359 = vector.extract_strided_slice %get3A_1220 {offsets = [0, 23], sizes = [64, 1], strides = [1, 1]} : vector<64x32xf32> to vector<64x1xf32>
    %slice3A_1360 = vector.extract_strided_slice %reshape3A {offsets = [23, 0], sizes = [1, 1024], strides = [1, 1]} : vector<32x1024xf32> to vector<1x1024xf32>
    %sub3A_1361 = vector.broadcast %slice3A_1359 : vector<64x1xf32> to vector<64x1024xf32>
    %sub3A_1362 = vector.broadcast %slice3A_1360 : vector<1x1024xf32> to vector<64x1024xf32>
    %sub3A_1363 = arith.subf %sub3A_1361, %sub3A_1362 : vector<64x1024xf32>
    %mul3A_1364 = arith.mulf %sub3A_1363, %sub3A_1363 : vector<64x1024xf32>
    %slice3A_1365 = vector.extract_strided_slice %get3A_1220 {offsets = [0, 24], sizes = [64, 1], strides = [1, 1]} : vector<64x32xf32> to vector<64x1xf32>
    %slice3A_1366 = vector.extract_strided_slice %reshape3A {offsets = [24, 0], sizes = [1, 1024], strides = [1, 1]} : vector<32x1024xf32> to vector<1x1024xf32>
    %sub3A_1367 = vector.broadcast %slice3A_1365 : vector<64x1xf32> to vector<64x1024xf32>
    %sub3A_1368 = vector.broadcast %slice3A_1366 : vector<1x1024xf32> to vector<64x1024xf32>
    %sub3A_1369 = arith.subf %sub3A_1367, %sub3A_1368 : vector<64x1024xf32>
    %mul3A_1370 = arith.mulf %sub3A_1369, %sub3A_1369 : vector<64x1024xf32>
    %slice3A_1371 = vector.extract_strided_slice %get3A_1220 {offsets = [0, 25], sizes = [64, 1], strides = [1, 1]} : vector<64x32xf32> to vector<64x1xf32>
    %slice3A_1372 = vector.extract_strided_slice %reshape3A {offsets = [25, 0], sizes = [1, 1024], strides = [1, 1]} : vector<32x1024xf32> to vector<1x1024xf32>
    %sub3A_1373 = vector.broadcast %slice3A_1371 : vector<64x1xf32> to vector<64x1024xf32>
    %sub3A_1374 = vector.broadcast %slice3A_1372 : vector<1x1024xf32> to vector<64x1024xf32>
    %sub3A_1375 = arith.subf %sub3A_1373, %sub3A_1374 : vector<64x1024xf32>
    %mul3A_1376 = arith.mulf %sub3A_1375, %sub3A_1375 : vector<64x1024xf32>
    %slice3A_1377 = vector.extract_strided_slice %get3A_1220 {offsets = [0, 26], sizes = [64, 1], strides = [1, 1]} : vector<64x32xf32> to vector<64x1xf32>
    %slice3A_1378 = vector.extract_strided_slice %reshape3A {offsets = [26, 0], sizes = [1, 1024], strides = [1, 1]} : vector<32x1024xf32> to vector<1x1024xf32>
    %sub3A_1379 = vector.broadcast %slice3A_1377 : vector<64x1xf32> to vector<64x1024xf32>
    %sub3A_1380 = vector.broadcast %slice3A_1378 : vector<1x1024xf32> to vector<64x1024xf32>
    %sub3A_1381 = arith.subf %sub3A_1379, %sub3A_1380 : vector<64x1024xf32>
    %mul3A_1382 = arith.mulf %sub3A_1381, %sub3A_1381 : vector<64x1024xf32>
    %slice3A_1383 = vector.extract_strided_slice %get3A_1220 {offsets = [0, 27], sizes = [64, 1], strides = [1, 1]} : vector<64x32xf32> to vector<64x1xf32>
    %slice3A_1384 = vector.extract_strided_slice %reshape3A {offsets = [27, 0], sizes = [1, 1024], strides = [1, 1]} : vector<32x1024xf32> to vector<1x1024xf32>
    %sub3A_1385 = vector.broadcast %slice3A_1383 : vector<64x1xf32> to vector<64x1024xf32>
    %sub3A_1386 = vector.broadcast %slice3A_1384 : vector<1x1024xf32> to vector<64x1024xf32>
    %sub3A_1387 = arith.subf %sub3A_1385, %sub3A_1386 : vector<64x1024xf32>
    %mul3A_1388 = arith.mulf %sub3A_1387, %sub3A_1387 : vector<64x1024xf32>
    %slice3A_1389 = vector.extract_strided_slice %get3A_1220 {offsets = [0, 28], sizes = [64, 1], strides = [1, 1]} : vector<64x32xf32> to vector<64x1xf32>
    %slice3A_1390 = vector.extract_strided_slice %reshape3A {offsets = [28, 0], sizes = [1, 1024], strides = [1, 1]} : vector<32x1024xf32> to vector<1x1024xf32>
    %sub3A_1391 = vector.broadcast %slice3A_1389 : vector<64x1xf32> to vector<64x1024xf32>
    %sub3A_1392 = vector.broadcast %slice3A_1390 : vector<1x1024xf32> to vector<64x1024xf32>
    %sub3A_1393 = arith.subf %sub3A_1391, %sub3A_1392 : vector<64x1024xf32>
    %mul3A_1394 = arith.mulf %sub3A_1393, %sub3A_1393 : vector<64x1024xf32>
    %slice3A_1395 = vector.extract_strided_slice %get3A_1220 {offsets = [0, 29], sizes = [64, 1], strides = [1, 1]} : vector<64x32xf32> to vector<64x1xf32>
    %slice3A_1396 = vector.extract_strided_slice %reshape3A {offsets = [29, 0], sizes = [1, 1024], strides = [1, 1]} : vector<32x1024xf32> to vector<1x1024xf32>
    %sub3A_1397 = vector.broadcast %slice3A_1395 : vector<64x1xf32> to vector<64x1024xf32>
    %sub3A_1398 = vector.broadcast %slice3A_1396 : vector<1x1024xf32> to vector<64x1024xf32>
    %sub3A_1399 = arith.subf %sub3A_1397, %sub3A_1398 : vector<64x1024xf32>
    %mul3A_1400 = arith.mulf %sub3A_1399, %sub3A_1399 : vector<64x1024xf32>
    %slice3A_1401 = vector.extract_strided_slice %get3A_1220 {offsets = [0, 30], sizes = [64, 1], strides = [1, 1]} : vector<64x32xf32> to vector<64x1xf32>
    %slice3A_1402 = vector.extract_strided_slice %reshape3A {offsets = [30, 0], sizes = [1, 1024], strides = [1, 1]} : vector<32x1024xf32> to vector<1x1024xf32>
    %sub3A_1403 = vector.broadcast %slice3A_1401 : vector<64x1xf32> to vector<64x1024xf32>
    %sub3A_1404 = vector.broadcast %slice3A_1402 : vector<1x1024xf32> to vector<64x1024xf32>
    %sub3A_1405 = arith.subf %sub3A_1403, %sub3A_1404 : vector<64x1024xf32>
    %mul3A_1406 = arith.mulf %sub3A_1405, %sub3A_1405 : vector<64x1024xf32>
    %slice3A_1407 = vector.extract_strided_slice %get3A_1220 {offsets = [0, 31], sizes = [64, 1], strides = [1, 1]} : vector<64x32xf32> to vector<64x1xf32>
    %slice3A_1408 = vector.extract_strided_slice %reshape3A {offsets = [31, 0], sizes = [1, 1024], strides = [1, 1]} : vector<32x1024xf32> to vector<1x1024xf32>
    %sub3A_1409 = vector.broadcast %slice3A_1407 : vector<64x1xf32> to vector<64x1024xf32>
    %sub3A_1410 = vector.broadcast %slice3A_1408 : vector<1x1024xf32> to vector<64x1024xf32>
    %sub3A_1411 = arith.subf %sub3A_1409, %sub3A_1410 : vector<64x1024xf32>
    %mul3A_1412 = arith.mulf %sub3A_1411, %sub3A_1411 : vector<64x1024xf32>
    %add3A_1413 = arith.addf %mul3A_1226, %mul3A_1250 : vector<64x1024xf32>
    %add3A_1414 = arith.addf %mul3A_1238, %mul3A_1262 : vector<64x1024xf32>
    %add3A_1415 = arith.addf %add3A_1413, %add3A_1414 : vector<64x1024xf32>
    %add3A_1416 = arith.addf %mul3A_1232, %mul3A_1256 : vector<64x1024xf32>
    %add3A_1417 = arith.addf %mul3A_1244, %mul3A_1268 : vector<64x1024xf32>
    %add3A_1418 = arith.addf %add3A_1416, %add3A_1417 : vector<64x1024xf32>
    %add3A_1419 = arith.addf %add3A_1415, %add3A_1418 : vector<64x1024xf32>
    %add3A_1420 = arith.addf %mul3A_1274, %mul3A_1298 : vector<64x1024xf32>
    %add3A_1421 = arith.addf %mul3A_1286, %mul3A_1310 : vector<64x1024xf32>
    %add3A_1422 = arith.addf %add3A_1420, %add3A_1421 : vector<64x1024xf32>
    %add3A_1423 = arith.addf %mul3A_1280, %mul3A_1304 : vector<64x1024xf32>
    %add3A_1424 = arith.addf %mul3A_1292, %mul3A_1316 : vector<64x1024xf32>
    %add3A_1425 = arith.addf %add3A_1423, %add3A_1424 : vector<64x1024xf32>
    %add3A_1426 = arith.addf %add3A_1422, %add3A_1425 : vector<64x1024xf32>
    %add3A_1427 = arith.addf %mul3A_1322, %mul3A_1346 : vector<64x1024xf32>
    %add3A_1428 = arith.addf %mul3A_1334, %mul3A_1358 : vector<64x1024xf32>
    %add3A_1429 = arith.addf %add3A_1427, %add3A_1428 : vector<64x1024xf32>
    %add3A_1430 = arith.addf %mul3A_1328, %mul3A_1352 : vector<64x1024xf32>
    %add3A_1431 = arith.addf %mul3A_1340, %mul3A_1364 : vector<64x1024xf32>
    %add3A_1432 = arith.addf %add3A_1430, %add3A_1431 : vector<64x1024xf32>
    %add3A_1433 = arith.addf %add3A_1429, %add3A_1432 : vector<64x1024xf32>
    %add3A_1434 = arith.addf %mul3A_1370, %mul3A_1394 : vector<64x1024xf32>
    %add3A_1435 = arith.addf %mul3A_1382, %mul3A_1406 : vector<64x1024xf32>
    %add3A_1436 = arith.addf %add3A_1434, %add3A_1435 : vector<64x1024xf32>
    %add3A_1437 = arith.addf %mul3A_1376, %mul3A_1400 : vector<64x1024xf32>
    %add3A_1438 = arith.addf %mul3A_1388, %mul3A_1412 : vector<64x1024xf32>
    %add3A_1439 = arith.addf %add3A_1437, %add3A_1438 : vector<64x1024xf32>
    %add3A_1440 = arith.addf %add3A_1436, %add3A_1439 : vector<64x1024xf32>
    %add3A_1441 = arith.addf %add3A_1419, %add3A_1426 : vector<64x1024xf32>
    %add3A_1442 = arith.addf %add3A_1441, %add3A_1433 : vector<64x1024xf32>
    %add3A_1443 = arith.addf %add3A_1442, %add3A_1440 : vector<64x1024xf32>
    %reduce_min3A_1444 = arith.constant dense<0x7F800000> : vector<1024xf32>
    %reduce_min3A_1445 = vector.multi_reduction <minimumf>, %add3A_1443, %reduce_min3A_1444 [0] : vector<64x1024xf32> to vector<1024xf32>
    %broadcast_in_dim3A_1446 = vector.shape_cast %reduce_min3A_1445 : vector<1024xf32> to vector<1x1024xf32>
    %iota3A_1447 = tpu.iota {dimensions = array<i32: 0>} : vector<64x1024xi32>
    %eq3A_1448 = vector.broadcast %broadcast_in_dim3A_1446 : vector<1x1024xf32> to vector<64x1024xf32>
    %eq3A_1449 = arith.cmpf oeq, %add3A_1443, %eq3A_1448 : vector<64x1024xf32>
    %jit3A_1450 = arith.constant 512 : i32
    %broadcast_in_dim3A_1451 = vector.broadcast %jit3A_1450 : i32 to vector<64x1024xi32>
    %select_n3A_1452 = arith.select %eq3A_1449, %iota3A_1447, %broadcast_in_dim3A_1451 : vector<64x1024xi1>, vector<64x1024xi32>
    %reduce_min3A_1453 = arith.constant dense<2147483647> : vector<1024xi32>
    %reduce_min3A_1454 = vector.multi_reduction <minsi>, %select_n3A_1452, %reduce_min3A_1453 [0] : vector<64x1024xi32> to vector<1024xi32>
    %broadcast_in_dim3A_1455 = vector.shape_cast %reduce_min3A_1454 : vector<1024xi32> to vector<1x1024xi32>
    %add3A_1456 = arith.constant 320 : i32
    %add3A_1457 = vector.broadcast %add3A_1456 : i32 to vector<1x1024xi32>
    %add3A_1458 = arith.addi %broadcast_in_dim3A_1455, %add3A_1457 : vector<1x1024xi32>
    %lt3A_1459 = arith.cmpf olt, %broadcast_in_dim3A_1446, %select_n3A_1216 : vector<1x1024xf32>
    %select_n3A_1460 = arith.select %lt3A_1459, %broadcast_in_dim3A_1446, %select_n3A_1216 : vector<1x1024xi1>, vector<1x1024xf32>
    %select_n3A_1461 = arith.select %lt3A_1459, %add3A_1458, %select_n3A_1217 : vector<1x1024xi1>, vector<1x1024xi32>
    %get3A_1462 = arith.constant 384 : index
    %get3A_1463 = arith.constant 0 : index
    %get3A_1464 = vector.load %arg2[%get3A_1462, %get3A_1463] : memref<512x32xf32, #tpu.memory_space<vmem>>, vector<64x32xf32>
    %slice3A_1465 = vector.extract_strided_slice %get3A_1464 {offsets = [0, 0], sizes = [64, 1], strides = [1, 1]} : vector<64x32xf32> to vector<64x1xf32>
    %slice3A_1466 = vector.extract_strided_slice %reshape3A {offsets = [0, 0], sizes = [1, 1024], strides = [1, 1]} : vector<32x1024xf32> to vector<1x1024xf32>
    %sub3A_1467 = vector.broadcast %slice3A_1465 : vector<64x1xf32> to vector<64x1024xf32>
    %sub3A_1468 = vector.broadcast %slice3A_1466 : vector<1x1024xf32> to vector<64x1024xf32>
    %sub3A_1469 = arith.subf %sub3A_1467, %sub3A_1468 : vector<64x1024xf32>
    %mul3A_1470 = arith.mulf %sub3A_1469, %sub3A_1469 : vector<64x1024xf32>
    %slice3A_1471 = vector.extract_strided_slice %get3A_1464 {offsets = [0, 1], sizes = [64, 1], strides = [1, 1]} : vector<64x32xf32> to vector<64x1xf32>
    %slice3A_1472 = vector.extract_strided_slice %reshape3A {offsets = [1, 0], sizes = [1, 1024], strides = [1, 1]} : vector<32x1024xf32> to vector<1x1024xf32>
    %sub3A_1473 = vector.broadcast %slice3A_1471 : vector<64x1xf32> to vector<64x1024xf32>
    %sub3A_1474 = vector.broadcast %slice3A_1472 : vector<1x1024xf32> to vector<64x1024xf32>
    %sub3A_1475 = arith.subf %sub3A_1473, %sub3A_1474 : vector<64x1024xf32>
    %mul3A_1476 = arith.mulf %sub3A_1475, %sub3A_1475 : vector<64x1024xf32>
    %slice3A_1477 = vector.extract_strided_slice %get3A_1464 {offsets = [0, 2], sizes = [64, 1], strides = [1, 1]} : vector<64x32xf32> to vector<64x1xf32>
    %slice3A_1478 = vector.extract_strided_slice %reshape3A {offsets = [2, 0], sizes = [1, 1024], strides = [1, 1]} : vector<32x1024xf32> to vector<1x1024xf32>
    %sub3A_1479 = vector.broadcast %slice3A_1477 : vector<64x1xf32> to vector<64x1024xf32>
    %sub3A_1480 = vector.broadcast %slice3A_1478 : vector<1x1024xf32> to vector<64x1024xf32>
    %sub3A_1481 = arith.subf %sub3A_1479, %sub3A_1480 : vector<64x1024xf32>
    %mul3A_1482 = arith.mulf %sub3A_1481, %sub3A_1481 : vector<64x1024xf32>
    %slice3A_1483 = vector.extract_strided_slice %get3A_1464 {offsets = [0, 3], sizes = [64, 1], strides = [1, 1]} : vector<64x32xf32> to vector<64x1xf32>
    %slice3A_1484 = vector.extract_strided_slice %reshape3A {offsets = [3, 0], sizes = [1, 1024], strides = [1, 1]} : vector<32x1024xf32> to vector<1x1024xf32>
    %sub3A_1485 = vector.broadcast %slice3A_1483 : vector<64x1xf32> to vector<64x1024xf32>
    %sub3A_1486 = vector.broadcast %slice3A_1484 : vector<1x1024xf32> to vector<64x1024xf32>
    %sub3A_1487 = arith.subf %sub3A_1485, %sub3A_1486 : vector<64x1024xf32>
    %mul3A_1488 = arith.mulf %sub3A_1487, %sub3A_1487 : vector<64x1024xf32>
    %slice3A_1489 = vector.extract_strided_slice %get3A_1464 {offsets = [0, 4], sizes = [64, 1], strides = [1, 1]} : vector<64x32xf32> to vector<64x1xf32>
    %slice3A_1490 = vector.extract_strided_slice %reshape3A {offsets = [4, 0], sizes = [1, 1024], strides = [1, 1]} : vector<32x1024xf32> to vector<1x1024xf32>
    %sub3A_1491 = vector.broadcast %slice3A_1489 : vector<64x1xf32> to vector<64x1024xf32>
    %sub3A_1492 = vector.broadcast %slice3A_1490 : vector<1x1024xf32> to vector<64x1024xf32>
    %sub3A_1493 = arith.subf %sub3A_1491, %sub3A_1492 : vector<64x1024xf32>
    %mul3A_1494 = arith.mulf %sub3A_1493, %sub3A_1493 : vector<64x1024xf32>
    %slice3A_1495 = vector.extract_strided_slice %get3A_1464 {offsets = [0, 5], sizes = [64, 1], strides = [1, 1]} : vector<64x32xf32> to vector<64x1xf32>
    %slice3A_1496 = vector.extract_strided_slice %reshape3A {offsets = [5, 0], sizes = [1, 1024], strides = [1, 1]} : vector<32x1024xf32> to vector<1x1024xf32>
    %sub3A_1497 = vector.broadcast %slice3A_1495 : vector<64x1xf32> to vector<64x1024xf32>
    %sub3A_1498 = vector.broadcast %slice3A_1496 : vector<1x1024xf32> to vector<64x1024xf32>
    %sub3A_1499 = arith.subf %sub3A_1497, %sub3A_1498 : vector<64x1024xf32>
    %mul3A_1500 = arith.mulf %sub3A_1499, %sub3A_1499 : vector<64x1024xf32>
    %slice3A_1501 = vector.extract_strided_slice %get3A_1464 {offsets = [0, 6], sizes = [64, 1], strides = [1, 1]} : vector<64x32xf32> to vector<64x1xf32>
    %slice3A_1502 = vector.extract_strided_slice %reshape3A {offsets = [6, 0], sizes = [1, 1024], strides = [1, 1]} : vector<32x1024xf32> to vector<1x1024xf32>
    %sub3A_1503 = vector.broadcast %slice3A_1501 : vector<64x1xf32> to vector<64x1024xf32>
    %sub3A_1504 = vector.broadcast %slice3A_1502 : vector<1x1024xf32> to vector<64x1024xf32>
    %sub3A_1505 = arith.subf %sub3A_1503, %sub3A_1504 : vector<64x1024xf32>
    %mul3A_1506 = arith.mulf %sub3A_1505, %sub3A_1505 : vector<64x1024xf32>
    %slice3A_1507 = vector.extract_strided_slice %get3A_1464 {offsets = [0, 7], sizes = [64, 1], strides = [1, 1]} : vector<64x32xf32> to vector<64x1xf32>
    %slice3A_1508 = vector.extract_strided_slice %reshape3A {offsets = [7, 0], sizes = [1, 1024], strides = [1, 1]} : vector<32x1024xf32> to vector<1x1024xf32>
    %sub3A_1509 = vector.broadcast %slice3A_1507 : vector<64x1xf32> to vector<64x1024xf32>
    %sub3A_1510 = vector.broadcast %slice3A_1508 : vector<1x1024xf32> to vector<64x1024xf32>
    %sub3A_1511 = arith.subf %sub3A_1509, %sub3A_1510 : vector<64x1024xf32>
    %mul3A_1512 = arith.mulf %sub3A_1511, %sub3A_1511 : vector<64x1024xf32>
    %slice3A_1513 = vector.extract_strided_slice %get3A_1464 {offsets = [0, 8], sizes = [64, 1], strides = [1, 1]} : vector<64x32xf32> to vector<64x1xf32>
    %slice3A_1514 = vector.extract_strided_slice %reshape3A {offsets = [8, 0], sizes = [1, 1024], strides = [1, 1]} : vector<32x1024xf32> to vector<1x1024xf32>
    %sub3A_1515 = vector.broadcast %slice3A_1513 : vector<64x1xf32> to vector<64x1024xf32>
    %sub3A_1516 = vector.broadcast %slice3A_1514 : vector<1x1024xf32> to vector<64x1024xf32>
    %sub3A_1517 = arith.subf %sub3A_1515, %sub3A_1516 : vector<64x1024xf32>
    %mul3A_1518 = arith.mulf %sub3A_1517, %sub3A_1517 : vector<64x1024xf32>
    %slice3A_1519 = vector.extract_strided_slice %get3A_1464 {offsets = [0, 9], sizes = [64, 1], strides = [1, 1]} : vector<64x32xf32> to vector<64x1xf32>
    %slice3A_1520 = vector.extract_strided_slice %reshape3A {offsets = [9, 0], sizes = [1, 1024], strides = [1, 1]} : vector<32x1024xf32> to vector<1x1024xf32>
    %sub3A_1521 = vector.broadcast %slice3A_1519 : vector<64x1xf32> to vector<64x1024xf32>
    %sub3A_1522 = vector.broadcast %slice3A_1520 : vector<1x1024xf32> to vector<64x1024xf32>
    %sub3A_1523 = arith.subf %sub3A_1521, %sub3A_1522 : vector<64x1024xf32>
    %mul3A_1524 = arith.mulf %sub3A_1523, %sub3A_1523 : vector<64x1024xf32>
    %slice3A_1525 = vector.extract_strided_slice %get3A_1464 {offsets = [0, 10], sizes = [64, 1], strides = [1, 1]} : vector<64x32xf32> to vector<64x1xf32>
    %slice3A_1526 = vector.extract_strided_slice %reshape3A {offsets = [10, 0], sizes = [1, 1024], strides = [1, 1]} : vector<32x1024xf32> to vector<1x1024xf32>
    %sub3A_1527 = vector.broadcast %slice3A_1525 : vector<64x1xf32> to vector<64x1024xf32>
    %sub3A_1528 = vector.broadcast %slice3A_1526 : vector<1x1024xf32> to vector<64x1024xf32>
    %sub3A_1529 = arith.subf %sub3A_1527, %sub3A_1528 : vector<64x1024xf32>
    %mul3A_1530 = arith.mulf %sub3A_1529, %sub3A_1529 : vector<64x1024xf32>
    %slice3A_1531 = vector.extract_strided_slice %get3A_1464 {offsets = [0, 11], sizes = [64, 1], strides = [1, 1]} : vector<64x32xf32> to vector<64x1xf32>
    %slice3A_1532 = vector.extract_strided_slice %reshape3A {offsets = [11, 0], sizes = [1, 1024], strides = [1, 1]} : vector<32x1024xf32> to vector<1x1024xf32>
    %sub3A_1533 = vector.broadcast %slice3A_1531 : vector<64x1xf32> to vector<64x1024xf32>
    %sub3A_1534 = vector.broadcast %slice3A_1532 : vector<1x1024xf32> to vector<64x1024xf32>
    %sub3A_1535 = arith.subf %sub3A_1533, %sub3A_1534 : vector<64x1024xf32>
    %mul3A_1536 = arith.mulf %sub3A_1535, %sub3A_1535 : vector<64x1024xf32>
    %slice3A_1537 = vector.extract_strided_slice %get3A_1464 {offsets = [0, 12], sizes = [64, 1], strides = [1, 1]} : vector<64x32xf32> to vector<64x1xf32>
    %slice3A_1538 = vector.extract_strided_slice %reshape3A {offsets = [12, 0], sizes = [1, 1024], strides = [1, 1]} : vector<32x1024xf32> to vector<1x1024xf32>
    %sub3A_1539 = vector.broadcast %slice3A_1537 : vector<64x1xf32> to vector<64x1024xf32>
    %sub3A_1540 = vector.broadcast %slice3A_1538 : vector<1x1024xf32> to vector<64x1024xf32>
    %sub3A_1541 = arith.subf %sub3A_1539, %sub3A_1540 : vector<64x1024xf32>
    %mul3A_1542 = arith.mulf %sub3A_1541, %sub3A_1541 : vector<64x1024xf32>
    %slice3A_1543 = vector.extract_strided_slice %get3A_1464 {offsets = [0, 13], sizes = [64, 1], strides = [1, 1]} : vector<64x32xf32> to vector<64x1xf32>
    %slice3A_1544 = vector.extract_strided_slice %reshape3A {offsets = [13, 0], sizes = [1, 1024], strides = [1, 1]} : vector<32x1024xf32> to vector<1x1024xf32>
    %sub3A_1545 = vector.broadcast %slice3A_1543 : vector<64x1xf32> to vector<64x1024xf32>
    %sub3A_1546 = vector.broadcast %slice3A_1544 : vector<1x1024xf32> to vector<64x1024xf32>
    %sub3A_1547 = arith.subf %sub3A_1545, %sub3A_1546 : vector<64x1024xf32>
    %mul3A_1548 = arith.mulf %sub3A_1547, %sub3A_1547 : vector<64x1024xf32>
    %slice3A_1549 = vector.extract_strided_slice %get3A_1464 {offsets = [0, 14], sizes = [64, 1], strides = [1, 1]} : vector<64x32xf32> to vector<64x1xf32>
    %slice3A_1550 = vector.extract_strided_slice %reshape3A {offsets = [14, 0], sizes = [1, 1024], strides = [1, 1]} : vector<32x1024xf32> to vector<1x1024xf32>
    %sub3A_1551 = vector.broadcast %slice3A_1549 : vector<64x1xf32> to vector<64x1024xf32>
    %sub3A_1552 = vector.broadcast %slice3A_1550 : vector<1x1024xf32> to vector<64x1024xf32>
    %sub3A_1553 = arith.subf %sub3A_1551, %sub3A_1552 : vector<64x1024xf32>
    %mul3A_1554 = arith.mulf %sub3A_1553, %sub3A_1553 : vector<64x1024xf32>
    %slice3A_1555 = vector.extract_strided_slice %get3A_1464 {offsets = [0, 15], sizes = [64, 1], strides = [1, 1]} : vector<64x32xf32> to vector<64x1xf32>
    %slice3A_1556 = vector.extract_strided_slice %reshape3A {offsets = [15, 0], sizes = [1, 1024], strides = [1, 1]} : vector<32x1024xf32> to vector<1x1024xf32>
    %sub3A_1557 = vector.broadcast %slice3A_1555 : vector<64x1xf32> to vector<64x1024xf32>
    %sub3A_1558 = vector.broadcast %slice3A_1556 : vector<1x1024xf32> to vector<64x1024xf32>
    %sub3A_1559 = arith.subf %sub3A_1557, %sub3A_1558 : vector<64x1024xf32>
    %mul3A_1560 = arith.mulf %sub3A_1559, %sub3A_1559 : vector<64x1024xf32>
    %slice3A_1561 = vector.extract_strided_slice %get3A_1464 {offsets = [0, 16], sizes = [64, 1], strides = [1, 1]} : vector<64x32xf32> to vector<64x1xf32>
    %slice3A_1562 = vector.extract_strided_slice %reshape3A {offsets = [16, 0], sizes = [1, 1024], strides = [1, 1]} : vector<32x1024xf32> to vector<1x1024xf32>
    %sub3A_1563 = vector.broadcast %slice3A_1561 : vector<64x1xf32> to vector<64x1024xf32>
    %sub3A_1564 = vector.broadcast %slice3A_1562 : vector<1x1024xf32> to vector<64x1024xf32>
    %sub3A_1565 = arith.subf %sub3A_1563, %sub3A_1564 : vector<64x1024xf32>
    %mul3A_1566 = arith.mulf %sub3A_1565, %sub3A_1565 : vector<64x1024xf32>
    %slice3A_1567 = vector.extract_strided_slice %get3A_1464 {offsets = [0, 17], sizes = [64, 1], strides = [1, 1]} : vector<64x32xf32> to vector<64x1xf32>
    %slice3A_1568 = vector.extract_strided_slice %reshape3A {offsets = [17, 0], sizes = [1, 1024], strides = [1, 1]} : vector<32x1024xf32> to vector<1x1024xf32>
    %sub3A_1569 = vector.broadcast %slice3A_1567 : vector<64x1xf32> to vector<64x1024xf32>
    %sub3A_1570 = vector.broadcast %slice3A_1568 : vector<1x1024xf32> to vector<64x1024xf32>
    %sub3A_1571 = arith.subf %sub3A_1569, %sub3A_1570 : vector<64x1024xf32>
    %mul3A_1572 = arith.mulf %sub3A_1571, %sub3A_1571 : vector<64x1024xf32>
    %slice3A_1573 = vector.extract_strided_slice %get3A_1464 {offsets = [0, 18], sizes = [64, 1], strides = [1, 1]} : vector<64x32xf32> to vector<64x1xf32>
    %slice3A_1574 = vector.extract_strided_slice %reshape3A {offsets = [18, 0], sizes = [1, 1024], strides = [1, 1]} : vector<32x1024xf32> to vector<1x1024xf32>
    %sub3A_1575 = vector.broadcast %slice3A_1573 : vector<64x1xf32> to vector<64x1024xf32>
    %sub3A_1576 = vector.broadcast %slice3A_1574 : vector<1x1024xf32> to vector<64x1024xf32>
    %sub3A_1577 = arith.subf %sub3A_1575, %sub3A_1576 : vector<64x1024xf32>
    %mul3A_1578 = arith.mulf %sub3A_1577, %sub3A_1577 : vector<64x1024xf32>
    %slice3A_1579 = vector.extract_strided_slice %get3A_1464 {offsets = [0, 19], sizes = [64, 1], strides = [1, 1]} : vector<64x32xf32> to vector<64x1xf32>
    %slice3A_1580 = vector.extract_strided_slice %reshape3A {offsets = [19, 0], sizes = [1, 1024], strides = [1, 1]} : vector<32x1024xf32> to vector<1x1024xf32>
    %sub3A_1581 = vector.broadcast %slice3A_1579 : vector<64x1xf32> to vector<64x1024xf32>
    %sub3A_1582 = vector.broadcast %slice3A_1580 : vector<1x1024xf32> to vector<64x1024xf32>
    %sub3A_1583 = arith.subf %sub3A_1581, %sub3A_1582 : vector<64x1024xf32>
    %mul3A_1584 = arith.mulf %sub3A_1583, %sub3A_1583 : vector<64x1024xf32>
    %slice3A_1585 = vector.extract_strided_slice %get3A_1464 {offsets = [0, 20], sizes = [64, 1], strides = [1, 1]} : vector<64x32xf32> to vector<64x1xf32>
    %slice3A_1586 = vector.extract_strided_slice %reshape3A {offsets = [20, 0], sizes = [1, 1024], strides = [1, 1]} : vector<32x1024xf32> to vector<1x1024xf32>
    %sub3A_1587 = vector.broadcast %slice3A_1585 : vector<64x1xf32> to vector<64x1024xf32>
    %sub3A_1588 = vector.broadcast %slice3A_1586 : vector<1x1024xf32> to vector<64x1024xf32>
    %sub3A_1589 = arith.subf %sub3A_1587, %sub3A_1588 : vector<64x1024xf32>
    %mul3A_1590 = arith.mulf %sub3A_1589, %sub3A_1589 : vector<64x1024xf32>
    %slice3A_1591 = vector.extract_strided_slice %get3A_1464 {offsets = [0, 21], sizes = [64, 1], strides = [1, 1]} : vector<64x32xf32> to vector<64x1xf32>
    %slice3A_1592 = vector.extract_strided_slice %reshape3A {offsets = [21, 0], sizes = [1, 1024], strides = [1, 1]} : vector<32x1024xf32> to vector<1x1024xf32>
    %sub3A_1593 = vector.broadcast %slice3A_1591 : vector<64x1xf32> to vector<64x1024xf32>
    %sub3A_1594 = vector.broadcast %slice3A_1592 : vector<1x1024xf32> to vector<64x1024xf32>
    %sub3A_1595 = arith.subf %sub3A_1593, %sub3A_1594 : vector<64x1024xf32>
    %mul3A_1596 = arith.mulf %sub3A_1595, %sub3A_1595 : vector<64x1024xf32>
    %slice3A_1597 = vector.extract_strided_slice %get3A_1464 {offsets = [0, 22], sizes = [64, 1], strides = [1, 1]} : vector<64x32xf32> to vector<64x1xf32>
    %slice3A_1598 = vector.extract_strided_slice %reshape3A {offsets = [22, 0], sizes = [1, 1024], strides = [1, 1]} : vector<32x1024xf32> to vector<1x1024xf32>
    %sub3A_1599 = vector.broadcast %slice3A_1597 : vector<64x1xf32> to vector<64x1024xf32>
    %sub3A_1600 = vector.broadcast %slice3A_1598 : vector<1x1024xf32> to vector<64x1024xf32>
    %sub3A_1601 = arith.subf %sub3A_1599, %sub3A_1600 : vector<64x1024xf32>
    %mul3A_1602 = arith.mulf %sub3A_1601, %sub3A_1601 : vector<64x1024xf32>
    %slice3A_1603 = vector.extract_strided_slice %get3A_1464 {offsets = [0, 23], sizes = [64, 1], strides = [1, 1]} : vector<64x32xf32> to vector<64x1xf32>
    %slice3A_1604 = vector.extract_strided_slice %reshape3A {offsets = [23, 0], sizes = [1, 1024], strides = [1, 1]} : vector<32x1024xf32> to vector<1x1024xf32>
    %sub3A_1605 = vector.broadcast %slice3A_1603 : vector<64x1xf32> to vector<64x1024xf32>
    %sub3A_1606 = vector.broadcast %slice3A_1604 : vector<1x1024xf32> to vector<64x1024xf32>
    %sub3A_1607 = arith.subf %sub3A_1605, %sub3A_1606 : vector<64x1024xf32>
    %mul3A_1608 = arith.mulf %sub3A_1607, %sub3A_1607 : vector<64x1024xf32>
    %slice3A_1609 = vector.extract_strided_slice %get3A_1464 {offsets = [0, 24], sizes = [64, 1], strides = [1, 1]} : vector<64x32xf32> to vector<64x1xf32>
    %slice3A_1610 = vector.extract_strided_slice %reshape3A {offsets = [24, 0], sizes = [1, 1024], strides = [1, 1]} : vector<32x1024xf32> to vector<1x1024xf32>
    %sub3A_1611 = vector.broadcast %slice3A_1609 : vector<64x1xf32> to vector<64x1024xf32>
    %sub3A_1612 = vector.broadcast %slice3A_1610 : vector<1x1024xf32> to vector<64x1024xf32>
    %sub3A_1613 = arith.subf %sub3A_1611, %sub3A_1612 : vector<64x1024xf32>
    %mul3A_1614 = arith.mulf %sub3A_1613, %sub3A_1613 : vector<64x1024xf32>
    %slice3A_1615 = vector.extract_strided_slice %get3A_1464 {offsets = [0, 25], sizes = [64, 1], strides = [1, 1]} : vector<64x32xf32> to vector<64x1xf32>
    %slice3A_1616 = vector.extract_strided_slice %reshape3A {offsets = [25, 0], sizes = [1, 1024], strides = [1, 1]} : vector<32x1024xf32> to vector<1x1024xf32>
    %sub3A_1617 = vector.broadcast %slice3A_1615 : vector<64x1xf32> to vector<64x1024xf32>
    %sub3A_1618 = vector.broadcast %slice3A_1616 : vector<1x1024xf32> to vector<64x1024xf32>
    %sub3A_1619 = arith.subf %sub3A_1617, %sub3A_1618 : vector<64x1024xf32>
    %mul3A_1620 = arith.mulf %sub3A_1619, %sub3A_1619 : vector<64x1024xf32>
    %slice3A_1621 = vector.extract_strided_slice %get3A_1464 {offsets = [0, 26], sizes = [64, 1], strides = [1, 1]} : vector<64x32xf32> to vector<64x1xf32>
    %slice3A_1622 = vector.extract_strided_slice %reshape3A {offsets = [26, 0], sizes = [1, 1024], strides = [1, 1]} : vector<32x1024xf32> to vector<1x1024xf32>
    %sub3A_1623 = vector.broadcast %slice3A_1621 : vector<64x1xf32> to vector<64x1024xf32>
    %sub3A_1624 = vector.broadcast %slice3A_1622 : vector<1x1024xf32> to vector<64x1024xf32>
    %sub3A_1625 = arith.subf %sub3A_1623, %sub3A_1624 : vector<64x1024xf32>
    %mul3A_1626 = arith.mulf %sub3A_1625, %sub3A_1625 : vector<64x1024xf32>
    %slice3A_1627 = vector.extract_strided_slice %get3A_1464 {offsets = [0, 27], sizes = [64, 1], strides = [1, 1]} : vector<64x32xf32> to vector<64x1xf32>
    %slice3A_1628 = vector.extract_strided_slice %reshape3A {offsets = [27, 0], sizes = [1, 1024], strides = [1, 1]} : vector<32x1024xf32> to vector<1x1024xf32>
    %sub3A_1629 = vector.broadcast %slice3A_1627 : vector<64x1xf32> to vector<64x1024xf32>
    %sub3A_1630 = vector.broadcast %slice3A_1628 : vector<1x1024xf32> to vector<64x1024xf32>
    %sub3A_1631 = arith.subf %sub3A_1629, %sub3A_1630 : vector<64x1024xf32>
    %mul3A_1632 = arith.mulf %sub3A_1631, %sub3A_1631 : vector<64x1024xf32>
    %slice3A_1633 = vector.extract_strided_slice %get3A_1464 {offsets = [0, 28], sizes = [64, 1], strides = [1, 1]} : vector<64x32xf32> to vector<64x1xf32>
    %slice3A_1634 = vector.extract_strided_slice %reshape3A {offsets = [28, 0], sizes = [1, 1024], strides = [1, 1]} : vector<32x1024xf32> to vector<1x1024xf32>
    %sub3A_1635 = vector.broadcast %slice3A_1633 : vector<64x1xf32> to vector<64x1024xf32>
    %sub3A_1636 = vector.broadcast %slice3A_1634 : vector<1x1024xf32> to vector<64x1024xf32>
    %sub3A_1637 = arith.subf %sub3A_1635, %sub3A_1636 : vector<64x1024xf32>
    %mul3A_1638 = arith.mulf %sub3A_1637, %sub3A_1637 : vector<64x1024xf32>
    %slice3A_1639 = vector.extract_strided_slice %get3A_1464 {offsets = [0, 29], sizes = [64, 1], strides = [1, 1]} : vector<64x32xf32> to vector<64x1xf32>
    %slice3A_1640 = vector.extract_strided_slice %reshape3A {offsets = [29, 0], sizes = [1, 1024], strides = [1, 1]} : vector<32x1024xf32> to vector<1x1024xf32>
    %sub3A_1641 = vector.broadcast %slice3A_1639 : vector<64x1xf32> to vector<64x1024xf32>
    %sub3A_1642 = vector.broadcast %slice3A_1640 : vector<1x1024xf32> to vector<64x1024xf32>
    %sub3A_1643 = arith.subf %sub3A_1641, %sub3A_1642 : vector<64x1024xf32>
    %mul3A_1644 = arith.mulf %sub3A_1643, %sub3A_1643 : vector<64x1024xf32>
    %slice3A_1645 = vector.extract_strided_slice %get3A_1464 {offsets = [0, 30], sizes = [64, 1], strides = [1, 1]} : vector<64x32xf32> to vector<64x1xf32>
    %slice3A_1646 = vector.extract_strided_slice %reshape3A {offsets = [30, 0], sizes = [1, 1024], strides = [1, 1]} : vector<32x1024xf32> to vector<1x1024xf32>
    %sub3A_1647 = vector.broadcast %slice3A_1645 : vector<64x1xf32> to vector<64x1024xf32>
    %sub3A_1648 = vector.broadcast %slice3A_1646 : vector<1x1024xf32> to vector<64x1024xf32>
    %sub3A_1649 = arith.subf %sub3A_1647, %sub3A_1648 : vector<64x1024xf32>
    %mul3A_1650 = arith.mulf %sub3A_1649, %sub3A_1649 : vector<64x1024xf32>
    %slice3A_1651 = vector.extract_strided_slice %get3A_1464 {offsets = [0, 31], sizes = [64, 1], strides = [1, 1]} : vector<64x32xf32> to vector<64x1xf32>
    %slice3A_1652 = vector.extract_strided_slice %reshape3A {offsets = [31, 0], sizes = [1, 1024], strides = [1, 1]} : vector<32x1024xf32> to vector<1x1024xf32>
    %sub3A_1653 = vector.broadcast %slice3A_1651 : vector<64x1xf32> to vector<64x1024xf32>
    %sub3A_1654 = vector.broadcast %slice3A_1652 : vector<1x1024xf32> to vector<64x1024xf32>
    %sub3A_1655 = arith.subf %sub3A_1653, %sub3A_1654 : vector<64x1024xf32>
    %mul3A_1656 = arith.mulf %sub3A_1655, %sub3A_1655 : vector<64x1024xf32>
    %add3A_1657 = arith.addf %mul3A_1470, %mul3A_1494 : vector<64x1024xf32>
    %add3A_1658 = arith.addf %mul3A_1482, %mul3A_1506 : vector<64x1024xf32>
    %add3A_1659 = arith.addf %add3A_1657, %add3A_1658 : vector<64x1024xf32>
    %add3A_1660 = arith.addf %mul3A_1476, %mul3A_1500 : vector<64x1024xf32>
    %add3A_1661 = arith.addf %mul3A_1488, %mul3A_1512 : vector<64x1024xf32>
    %add3A_1662 = arith.addf %add3A_1660, %add3A_1661 : vector<64x1024xf32>
    %add3A_1663 = arith.addf %add3A_1659, %add3A_1662 : vector<64x1024xf32>
    %add3A_1664 = arith.addf %mul3A_1518, %mul3A_1542 : vector<64x1024xf32>
    %add3A_1665 = arith.addf %mul3A_1530, %mul3A_1554 : vector<64x1024xf32>
    %add3A_1666 = arith.addf %add3A_1664, %add3A_1665 : vector<64x1024xf32>
    %add3A_1667 = arith.addf %mul3A_1524, %mul3A_1548 : vector<64x1024xf32>
    %add3A_1668 = arith.addf %mul3A_1536, %mul3A_1560 : vector<64x1024xf32>
    %add3A_1669 = arith.addf %add3A_1667, %add3A_1668 : vector<64x1024xf32>
    %add3A_1670 = arith.addf %add3A_1666, %add3A_1669 : vector<64x1024xf32>
    %add3A_1671 = arith.addf %mul3A_1566, %mul3A_1590 : vector<64x1024xf32>
    %add3A_1672 = arith.addf %mul3A_1578, %mul3A_1602 : vector<64x1024xf32>
    %add3A_1673 = arith.addf %add3A_1671, %add3A_1672 : vector<64x1024xf32>
    %add3A_1674 = arith.addf %mul3A_1572, %mul3A_1596 : vector<64x1024xf32>
    %add3A_1675 = arith.addf %mul3A_1584, %mul3A_1608 : vector<64x1024xf32>
    %add3A_1676 = arith.addf %add3A_1674, %add3A_1675 : vector<64x1024xf32>
    %add3A_1677 = arith.addf %add3A_1673, %add3A_1676 : vector<64x1024xf32>
    %add3A_1678 = arith.addf %mul3A_1614, %mul3A_1638 : vector<64x1024xf32>
    %add3A_1679 = arith.addf %mul3A_1626, %mul3A_1650 : vector<64x1024xf32>
    %add3A_1680 = arith.addf %add3A_1678, %add3A_1679 : vector<64x1024xf32>
    %add3A_1681 = arith.addf %mul3A_1620, %mul3A_1644 : vector<64x1024xf32>
    %add3A_1682 = arith.addf %mul3A_1632, %mul3A_1656 : vector<64x1024xf32>
    %add3A_1683 = arith.addf %add3A_1681, %add3A_1682 : vector<64x1024xf32>
    %add3A_1684 = arith.addf %add3A_1680, %add3A_1683 : vector<64x1024xf32>
    %add3A_1685 = arith.addf %add3A_1663, %add3A_1670 : vector<64x1024xf32>
    %add3A_1686 = arith.addf %add3A_1685, %add3A_1677 : vector<64x1024xf32>
    %add3A_1687 = arith.addf %add3A_1686, %add3A_1684 : vector<64x1024xf32>
    %reduce_min3A_1688 = arith.constant dense<0x7F800000> : vector<1024xf32>
    %reduce_min3A_1689 = vector.multi_reduction <minimumf>, %add3A_1687, %reduce_min3A_1688 [0] : vector<64x1024xf32> to vector<1024xf32>
    %broadcast_in_dim3A_1690 = vector.shape_cast %reduce_min3A_1689 : vector<1024xf32> to vector<1x1024xf32>
    %iota3A_1691 = tpu.iota {dimensions = array<i32: 0>} : vector<64x1024xi32>
    %eq3A_1692 = vector.broadcast %broadcast_in_dim3A_1690 : vector<1x1024xf32> to vector<64x1024xf32>
    %eq3A_1693 = arith.cmpf oeq, %add3A_1687, %eq3A_1692 : vector<64x1024xf32>
    %jit3A_1694 = arith.constant 512 : i32
    %broadcast_in_dim3A_1695 = vector.broadcast %jit3A_1694 : i32 to vector<64x1024xi32>
    %select_n3A_1696 = arith.select %eq3A_1693, %iota3A_1691, %broadcast_in_dim3A_1695 : vector<64x1024xi1>, vector<64x1024xi32>
    %reduce_min3A_1697 = arith.constant dense<2147483647> : vector<1024xi32>
    %reduce_min3A_1698 = vector.multi_reduction <minsi>, %select_n3A_1696, %reduce_min3A_1697 [0] : vector<64x1024xi32> to vector<1024xi32>
    %broadcast_in_dim3A_1699 = vector.shape_cast %reduce_min3A_1698 : vector<1024xi32> to vector<1x1024xi32>
    %add3A_1700 = arith.constant 384 : i32
    %add3A_1701 = vector.broadcast %add3A_1700 : i32 to vector<1x1024xi32>
    %add3A_1702 = arith.addi %broadcast_in_dim3A_1699, %add3A_1701 : vector<1x1024xi32>
    %lt3A_1703 = arith.cmpf olt, %broadcast_in_dim3A_1690, %select_n3A_1460 : vector<1x1024xf32>
    %select_n3A_1704 = arith.select %lt3A_1703, %broadcast_in_dim3A_1690, %select_n3A_1460 : vector<1x1024xi1>, vector<1x1024xf32>
    %select_n3A_1705 = arith.select %lt3A_1703, %add3A_1702, %select_n3A_1461 : vector<1x1024xi1>, vector<1x1024xi32>
    %get3A_1706 = arith.constant 448 : index
    %get3A_1707 = arith.constant 0 : index
    %get3A_1708 = vector.load %arg2[%get3A_1706, %get3A_1707] : memref<512x32xf32, #tpu.memory_space<vmem>>, vector<64x32xf32>
    %slice3A_1709 = vector.extract_strided_slice %get3A_1708 {offsets = [0, 0], sizes = [64, 1], strides = [1, 1]} : vector<64x32xf32> to vector<64x1xf32>
    %slice3A_1710 = vector.extract_strided_slice %reshape3A {offsets = [0, 0], sizes = [1, 1024], strides = [1, 1]} : vector<32x1024xf32> to vector<1x1024xf32>
    %sub3A_1711 = vector.broadcast %slice3A_1709 : vector<64x1xf32> to vector<64x1024xf32>
    %sub3A_1712 = vector.broadcast %slice3A_1710 : vector<1x1024xf32> to vector<64x1024xf32>
    %sub3A_1713 = arith.subf %sub3A_1711, %sub3A_1712 : vector<64x1024xf32>
    %mul3A_1714 = arith.mulf %sub3A_1713, %sub3A_1713 : vector<64x1024xf32>
    %slice3A_1715 = vector.extract_strided_slice %get3A_1708 {offsets = [0, 1], sizes = [64, 1], strides = [1, 1]} : vector<64x32xf32> to vector<64x1xf32>
    %slice3A_1716 = vector.extract_strided_slice %reshape3A {offsets = [1, 0], sizes = [1, 1024], strides = [1, 1]} : vector<32x1024xf32> to vector<1x1024xf32>
    %sub3A_1717 = vector.broadcast %slice3A_1715 : vector<64x1xf32> to vector<64x1024xf32>
    %sub3A_1718 = vector.broadcast %slice3A_1716 : vector<1x1024xf32> to vector<64x1024xf32>
    %sub3A_1719 = arith.subf %sub3A_1717, %sub3A_1718 : vector<64x1024xf32>
    %mul3A_1720 = arith.mulf %sub3A_1719, %sub3A_1719 : vector<64x1024xf32>
    %slice3A_1721 = vector.extract_strided_slice %get3A_1708 {offsets = [0, 2], sizes = [64, 1], strides = [1, 1]} : vector<64x32xf32> to vector<64x1xf32>
    %slice3A_1722 = vector.extract_strided_slice %reshape3A {offsets = [2, 0], sizes = [1, 1024], strides = [1, 1]} : vector<32x1024xf32> to vector<1x1024xf32>
    %sub3A_1723 = vector.broadcast %slice3A_1721 : vector<64x1xf32> to vector<64x1024xf32>
    %sub3A_1724 = vector.broadcast %slice3A_1722 : vector<1x1024xf32> to vector<64x1024xf32>
    %sub3A_1725 = arith.subf %sub3A_1723, %sub3A_1724 : vector<64x1024xf32>
    %mul3A_1726 = arith.mulf %sub3A_1725, %sub3A_1725 : vector<64x1024xf32>
    %slice3A_1727 = vector.extract_strided_slice %get3A_1708 {offsets = [0, 3], sizes = [64, 1], strides = [1, 1]} : vector<64x32xf32> to vector<64x1xf32>
    %slice3A_1728 = vector.extract_strided_slice %reshape3A {offsets = [3, 0], sizes = [1, 1024], strides = [1, 1]} : vector<32x1024xf32> to vector<1x1024xf32>
    %sub3A_1729 = vector.broadcast %slice3A_1727 : vector<64x1xf32> to vector<64x1024xf32>
    %sub3A_1730 = vector.broadcast %slice3A_1728 : vector<1x1024xf32> to vector<64x1024xf32>
    %sub3A_1731 = arith.subf %sub3A_1729, %sub3A_1730 : vector<64x1024xf32>
    %mul3A_1732 = arith.mulf %sub3A_1731, %sub3A_1731 : vector<64x1024xf32>
    %slice3A_1733 = vector.extract_strided_slice %get3A_1708 {offsets = [0, 4], sizes = [64, 1], strides = [1, 1]} : vector<64x32xf32> to vector<64x1xf32>
    %slice3A_1734 = vector.extract_strided_slice %reshape3A {offsets = [4, 0], sizes = [1, 1024], strides = [1, 1]} : vector<32x1024xf32> to vector<1x1024xf32>
    %sub3A_1735 = vector.broadcast %slice3A_1733 : vector<64x1xf32> to vector<64x1024xf32>
    %sub3A_1736 = vector.broadcast %slice3A_1734 : vector<1x1024xf32> to vector<64x1024xf32>
    %sub3A_1737 = arith.subf %sub3A_1735, %sub3A_1736 : vector<64x1024xf32>
    %mul3A_1738 = arith.mulf %sub3A_1737, %sub3A_1737 : vector<64x1024xf32>
    %slice3A_1739 = vector.extract_strided_slice %get3A_1708 {offsets = [0, 5], sizes = [64, 1], strides = [1, 1]} : vector<64x32xf32> to vector<64x1xf32>
    %slice3A_1740 = vector.extract_strided_slice %reshape3A {offsets = [5, 0], sizes = [1, 1024], strides = [1, 1]} : vector<32x1024xf32> to vector<1x1024xf32>
    %sub3A_1741 = vector.broadcast %slice3A_1739 : vector<64x1xf32> to vector<64x1024xf32>
    %sub3A_1742 = vector.broadcast %slice3A_1740 : vector<1x1024xf32> to vector<64x1024xf32>
    %sub3A_1743 = arith.subf %sub3A_1741, %sub3A_1742 : vector<64x1024xf32>
    %mul3A_1744 = arith.mulf %sub3A_1743, %sub3A_1743 : vector<64x1024xf32>
    %slice3A_1745 = vector.extract_strided_slice %get3A_1708 {offsets = [0, 6], sizes = [64, 1], strides = [1, 1]} : vector<64x32xf32> to vector<64x1xf32>
    %slice3A_1746 = vector.extract_strided_slice %reshape3A {offsets = [6, 0], sizes = [1, 1024], strides = [1, 1]} : vector<32x1024xf32> to vector<1x1024xf32>
    %sub3A_1747 = vector.broadcast %slice3A_1745 : vector<64x1xf32> to vector<64x1024xf32>
    %sub3A_1748 = vector.broadcast %slice3A_1746 : vector<1x1024xf32> to vector<64x1024xf32>
    %sub3A_1749 = arith.subf %sub3A_1747, %sub3A_1748 : vector<64x1024xf32>
    %mul3A_1750 = arith.mulf %sub3A_1749, %sub3A_1749 : vector<64x1024xf32>
    %slice3A_1751 = vector.extract_strided_slice %get3A_1708 {offsets = [0, 7], sizes = [64, 1], strides = [1, 1]} : vector<64x32xf32> to vector<64x1xf32>
    %slice3A_1752 = vector.extract_strided_slice %reshape3A {offsets = [7, 0], sizes = [1, 1024], strides = [1, 1]} : vector<32x1024xf32> to vector<1x1024xf32>
    %sub3A_1753 = vector.broadcast %slice3A_1751 : vector<64x1xf32> to vector<64x1024xf32>
    %sub3A_1754 = vector.broadcast %slice3A_1752 : vector<1x1024xf32> to vector<64x1024xf32>
    %sub3A_1755 = arith.subf %sub3A_1753, %sub3A_1754 : vector<64x1024xf32>
    %mul3A_1756 = arith.mulf %sub3A_1755, %sub3A_1755 : vector<64x1024xf32>
    %slice3A_1757 = vector.extract_strided_slice %get3A_1708 {offsets = [0, 8], sizes = [64, 1], strides = [1, 1]} : vector<64x32xf32> to vector<64x1xf32>
    %slice3A_1758 = vector.extract_strided_slice %reshape3A {offsets = [8, 0], sizes = [1, 1024], strides = [1, 1]} : vector<32x1024xf32> to vector<1x1024xf32>
    %sub3A_1759 = vector.broadcast %slice3A_1757 : vector<64x1xf32> to vector<64x1024xf32>
    %sub3A_1760 = vector.broadcast %slice3A_1758 : vector<1x1024xf32> to vector<64x1024xf32>
    %sub3A_1761 = arith.subf %sub3A_1759, %sub3A_1760 : vector<64x1024xf32>
    %mul3A_1762 = arith.mulf %sub3A_1761, %sub3A_1761 : vector<64x1024xf32>
    %slice3A_1763 = vector.extract_strided_slice %get3A_1708 {offsets = [0, 9], sizes = [64, 1], strides = [1, 1]} : vector<64x32xf32> to vector<64x1xf32>
    %slice3A_1764 = vector.extract_strided_slice %reshape3A {offsets = [9, 0], sizes = [1, 1024], strides = [1, 1]} : vector<32x1024xf32> to vector<1x1024xf32>
    %sub3A_1765 = vector.broadcast %slice3A_1763 : vector<64x1xf32> to vector<64x1024xf32>
    %sub3A_1766 = vector.broadcast %slice3A_1764 : vector<1x1024xf32> to vector<64x1024xf32>
    %sub3A_1767 = arith.subf %sub3A_1765, %sub3A_1766 : vector<64x1024xf32>
    %mul3A_1768 = arith.mulf %sub3A_1767, %sub3A_1767 : vector<64x1024xf32>
    %slice3A_1769 = vector.extract_strided_slice %get3A_1708 {offsets = [0, 10], sizes = [64, 1], strides = [1, 1]} : vector<64x32xf32> to vector<64x1xf32>
    %slice3A_1770 = vector.extract_strided_slice %reshape3A {offsets = [10, 0], sizes = [1, 1024], strides = [1, 1]} : vector<32x1024xf32> to vector<1x1024xf32>
    %sub3A_1771 = vector.broadcast %slice3A_1769 : vector<64x1xf32> to vector<64x1024xf32>
    %sub3A_1772 = vector.broadcast %slice3A_1770 : vector<1x1024xf32> to vector<64x1024xf32>
    %sub3A_1773 = arith.subf %sub3A_1771, %sub3A_1772 : vector<64x1024xf32>
    %mul3A_1774 = arith.mulf %sub3A_1773, %sub3A_1773 : vector<64x1024xf32>
    %slice3A_1775 = vector.extract_strided_slice %get3A_1708 {offsets = [0, 11], sizes = [64, 1], strides = [1, 1]} : vector<64x32xf32> to vector<64x1xf32>
    %slice3A_1776 = vector.extract_strided_slice %reshape3A {offsets = [11, 0], sizes = [1, 1024], strides = [1, 1]} : vector<32x1024xf32> to vector<1x1024xf32>
    %sub3A_1777 = vector.broadcast %slice3A_1775 : vector<64x1xf32> to vector<64x1024xf32>
    %sub3A_1778 = vector.broadcast %slice3A_1776 : vector<1x1024xf32> to vector<64x1024xf32>
    %sub3A_1779 = arith.subf %sub3A_1777, %sub3A_1778 : vector<64x1024xf32>
    %mul3A_1780 = arith.mulf %sub3A_1779, %sub3A_1779 : vector<64x1024xf32>
    %slice3A_1781 = vector.extract_strided_slice %get3A_1708 {offsets = [0, 12], sizes = [64, 1], strides = [1, 1]} : vector<64x32xf32> to vector<64x1xf32>
    %slice3A_1782 = vector.extract_strided_slice %reshape3A {offsets = [12, 0], sizes = [1, 1024], strides = [1, 1]} : vector<32x1024xf32> to vector<1x1024xf32>
    %sub3A_1783 = vector.broadcast %slice3A_1781 : vector<64x1xf32> to vector<64x1024xf32>
    %sub3A_1784 = vector.broadcast %slice3A_1782 : vector<1x1024xf32> to vector<64x1024xf32>
    %sub3A_1785 = arith.subf %sub3A_1783, %sub3A_1784 : vector<64x1024xf32>
    %mul3A_1786 = arith.mulf %sub3A_1785, %sub3A_1785 : vector<64x1024xf32>
    %slice3A_1787 = vector.extract_strided_slice %get3A_1708 {offsets = [0, 13], sizes = [64, 1], strides = [1, 1]} : vector<64x32xf32> to vector<64x1xf32>
    %slice3A_1788 = vector.extract_strided_slice %reshape3A {offsets = [13, 0], sizes = [1, 1024], strides = [1, 1]} : vector<32x1024xf32> to vector<1x1024xf32>
    %sub3A_1789 = vector.broadcast %slice3A_1787 : vector<64x1xf32> to vector<64x1024xf32>
    %sub3A_1790 = vector.broadcast %slice3A_1788 : vector<1x1024xf32> to vector<64x1024xf32>
    %sub3A_1791 = arith.subf %sub3A_1789, %sub3A_1790 : vector<64x1024xf32>
    %mul3A_1792 = arith.mulf %sub3A_1791, %sub3A_1791 : vector<64x1024xf32>
    %slice3A_1793 = vector.extract_strided_slice %get3A_1708 {offsets = [0, 14], sizes = [64, 1], strides = [1, 1]} : vector<64x32xf32> to vector<64x1xf32>
    %slice3A_1794 = vector.extract_strided_slice %reshape3A {offsets = [14, 0], sizes = [1, 1024], strides = [1, 1]} : vector<32x1024xf32> to vector<1x1024xf32>
    %sub3A_1795 = vector.broadcast %slice3A_1793 : vector<64x1xf32> to vector<64x1024xf32>
    %sub3A_1796 = vector.broadcast %slice3A_1794 : vector<1x1024xf32> to vector<64x1024xf32>
    %sub3A_1797 = arith.subf %sub3A_1795, %sub3A_1796 : vector<64x1024xf32>
    %mul3A_1798 = arith.mulf %sub3A_1797, %sub3A_1797 : vector<64x1024xf32>
    %slice3A_1799 = vector.extract_strided_slice %get3A_1708 {offsets = [0, 15], sizes = [64, 1], strides = [1, 1]} : vector<64x32xf32> to vector<64x1xf32>
    %slice3A_1800 = vector.extract_strided_slice %reshape3A {offsets = [15, 0], sizes = [1, 1024], strides = [1, 1]} : vector<32x1024xf32> to vector<1x1024xf32>
    %sub3A_1801 = vector.broadcast %slice3A_1799 : vector<64x1xf32> to vector<64x1024xf32>
    %sub3A_1802 = vector.broadcast %slice3A_1800 : vector<1x1024xf32> to vector<64x1024xf32>
    %sub3A_1803 = arith.subf %sub3A_1801, %sub3A_1802 : vector<64x1024xf32>
    %mul3A_1804 = arith.mulf %sub3A_1803, %sub3A_1803 : vector<64x1024xf32>
    %slice3A_1805 = vector.extract_strided_slice %get3A_1708 {offsets = [0, 16], sizes = [64, 1], strides = [1, 1]} : vector<64x32xf32> to vector<64x1xf32>
    %slice3A_1806 = vector.extract_strided_slice %reshape3A {offsets = [16, 0], sizes = [1, 1024], strides = [1, 1]} : vector<32x1024xf32> to vector<1x1024xf32>
    %sub3A_1807 = vector.broadcast %slice3A_1805 : vector<64x1xf32> to vector<64x1024xf32>
    %sub3A_1808 = vector.broadcast %slice3A_1806 : vector<1x1024xf32> to vector<64x1024xf32>
    %sub3A_1809 = arith.subf %sub3A_1807, %sub3A_1808 : vector<64x1024xf32>
    %mul3A_1810 = arith.mulf %sub3A_1809, %sub3A_1809 : vector<64x1024xf32>
    %slice3A_1811 = vector.extract_strided_slice %get3A_1708 {offsets = [0, 17], sizes = [64, 1], strides = [1, 1]} : vector<64x32xf32> to vector<64x1xf32>
    %slice3A_1812 = vector.extract_strided_slice %reshape3A {offsets = [17, 0], sizes = [1, 1024], strides = [1, 1]} : vector<32x1024xf32> to vector<1x1024xf32>
    %sub3A_1813 = vector.broadcast %slice3A_1811 : vector<64x1xf32> to vector<64x1024xf32>
    %sub3A_1814 = vector.broadcast %slice3A_1812 : vector<1x1024xf32> to vector<64x1024xf32>
    %sub3A_1815 = arith.subf %sub3A_1813, %sub3A_1814 : vector<64x1024xf32>
    %mul3A_1816 = arith.mulf %sub3A_1815, %sub3A_1815 : vector<64x1024xf32>
    %slice3A_1817 = vector.extract_strided_slice %get3A_1708 {offsets = [0, 18], sizes = [64, 1], strides = [1, 1]} : vector<64x32xf32> to vector<64x1xf32>
    %slice3A_1818 = vector.extract_strided_slice %reshape3A {offsets = [18, 0], sizes = [1, 1024], strides = [1, 1]} : vector<32x1024xf32> to vector<1x1024xf32>
    %sub3A_1819 = vector.broadcast %slice3A_1817 : vector<64x1xf32> to vector<64x1024xf32>
    %sub3A_1820 = vector.broadcast %slice3A_1818 : vector<1x1024xf32> to vector<64x1024xf32>
    %sub3A_1821 = arith.subf %sub3A_1819, %sub3A_1820 : vector<64x1024xf32>
    %mul3A_1822 = arith.mulf %sub3A_1821, %sub3A_1821 : vector<64x1024xf32>
    %slice3A_1823 = vector.extract_strided_slice %get3A_1708 {offsets = [0, 19], sizes = [64, 1], strides = [1, 1]} : vector<64x32xf32> to vector<64x1xf32>
    %slice3A_1824 = vector.extract_strided_slice %reshape3A {offsets = [19, 0], sizes = [1, 1024], strides = [1, 1]} : vector<32x1024xf32> to vector<1x1024xf32>
    %sub3A_1825 = vector.broadcast %slice3A_1823 : vector<64x1xf32> to vector<64x1024xf32>
    %sub3A_1826 = vector.broadcast %slice3A_1824 : vector<1x1024xf32> to vector<64x1024xf32>
    %sub3A_1827 = arith.subf %sub3A_1825, %sub3A_1826 : vector<64x1024xf32>
    %mul3A_1828 = arith.mulf %sub3A_1827, %sub3A_1827 : vector<64x1024xf32>
    %slice3A_1829 = vector.extract_strided_slice %get3A_1708 {offsets = [0, 20], sizes = [64, 1], strides = [1, 1]} : vector<64x32xf32> to vector<64x1xf32>
    %slice3A_1830 = vector.extract_strided_slice %reshape3A {offsets = [20, 0], sizes = [1, 1024], strides = [1, 1]} : vector<32x1024xf32> to vector<1x1024xf32>
    %sub3A_1831 = vector.broadcast %slice3A_1829 : vector<64x1xf32> to vector<64x1024xf32>
    %sub3A_1832 = vector.broadcast %slice3A_1830 : vector<1x1024xf32> to vector<64x1024xf32>
    %sub3A_1833 = arith.subf %sub3A_1831, %sub3A_1832 : vector<64x1024xf32>
    %mul3A_1834 = arith.mulf %sub3A_1833, %sub3A_1833 : vector<64x1024xf32>
    %slice3A_1835 = vector.extract_strided_slice %get3A_1708 {offsets = [0, 21], sizes = [64, 1], strides = [1, 1]} : vector<64x32xf32> to vector<64x1xf32>
    %slice3A_1836 = vector.extract_strided_slice %reshape3A {offsets = [21, 0], sizes = [1, 1024], strides = [1, 1]} : vector<32x1024xf32> to vector<1x1024xf32>
    %sub3A_1837 = vector.broadcast %slice3A_1835 : vector<64x1xf32> to vector<64x1024xf32>
    %sub3A_1838 = vector.broadcast %slice3A_1836 : vector<1x1024xf32> to vector<64x1024xf32>
    %sub3A_1839 = arith.subf %sub3A_1837, %sub3A_1838 : vector<64x1024xf32>
    %mul3A_1840 = arith.mulf %sub3A_1839, %sub3A_1839 : vector<64x1024xf32>
    %slice3A_1841 = vector.extract_strided_slice %get3A_1708 {offsets = [0, 22], sizes = [64, 1], strides = [1, 1]} : vector<64x32xf32> to vector<64x1xf32>
    %slice3A_1842 = vector.extract_strided_slice %reshape3A {offsets = [22, 0], sizes = [1, 1024], strides = [1, 1]} : vector<32x1024xf32> to vector<1x1024xf32>
    %sub3A_1843 = vector.broadcast %slice3A_1841 : vector<64x1xf32> to vector<64x1024xf32>
    %sub3A_1844 = vector.broadcast %slice3A_1842 : vector<1x1024xf32> to vector<64x1024xf32>
    %sub3A_1845 = arith.subf %sub3A_1843, %sub3A_1844 : vector<64x1024xf32>
    %mul3A_1846 = arith.mulf %sub3A_1845, %sub3A_1845 : vector<64x1024xf32>
    %slice3A_1847 = vector.extract_strided_slice %get3A_1708 {offsets = [0, 23], sizes = [64, 1], strides = [1, 1]} : vector<64x32xf32> to vector<64x1xf32>
    %slice3A_1848 = vector.extract_strided_slice %reshape3A {offsets = [23, 0], sizes = [1, 1024], strides = [1, 1]} : vector<32x1024xf32> to vector<1x1024xf32>
    %sub3A_1849 = vector.broadcast %slice3A_1847 : vector<64x1xf32> to vector<64x1024xf32>
    %sub3A_1850 = vector.broadcast %slice3A_1848 : vector<1x1024xf32> to vector<64x1024xf32>
    %sub3A_1851 = arith.subf %sub3A_1849, %sub3A_1850 : vector<64x1024xf32>
    %mul3A_1852 = arith.mulf %sub3A_1851, %sub3A_1851 : vector<64x1024xf32>
    %slice3A_1853 = vector.extract_strided_slice %get3A_1708 {offsets = [0, 24], sizes = [64, 1], strides = [1, 1]} : vector<64x32xf32> to vector<64x1xf32>
    %slice3A_1854 = vector.extract_strided_slice %reshape3A {offsets = [24, 0], sizes = [1, 1024], strides = [1, 1]} : vector<32x1024xf32> to vector<1x1024xf32>
    %sub3A_1855 = vector.broadcast %slice3A_1853 : vector<64x1xf32> to vector<64x1024xf32>
    %sub3A_1856 = vector.broadcast %slice3A_1854 : vector<1x1024xf32> to vector<64x1024xf32>
    %sub3A_1857 = arith.subf %sub3A_1855, %sub3A_1856 : vector<64x1024xf32>
    %mul3A_1858 = arith.mulf %sub3A_1857, %sub3A_1857 : vector<64x1024xf32>
    %slice3A_1859 = vector.extract_strided_slice %get3A_1708 {offsets = [0, 25], sizes = [64, 1], strides = [1, 1]} : vector<64x32xf32> to vector<64x1xf32>
    %slice3A_1860 = vector.extract_strided_slice %reshape3A {offsets = [25, 0], sizes = [1, 1024], strides = [1, 1]} : vector<32x1024xf32> to vector<1x1024xf32>
    %sub3A_1861 = vector.broadcast %slice3A_1859 : vector<64x1xf32> to vector<64x1024xf32>
    %sub3A_1862 = vector.broadcast %slice3A_1860 : vector<1x1024xf32> to vector<64x1024xf32>
    %sub3A_1863 = arith.subf %sub3A_1861, %sub3A_1862 : vector<64x1024xf32>
    %mul3A_1864 = arith.mulf %sub3A_1863, %sub3A_1863 : vector<64x1024xf32>
    %slice3A_1865 = vector.extract_strided_slice %get3A_1708 {offsets = [0, 26], sizes = [64, 1], strides = [1, 1]} : vector<64x32xf32> to vector<64x1xf32>
    %slice3A_1866 = vector.extract_strided_slice %reshape3A {offsets = [26, 0], sizes = [1, 1024], strides = [1, 1]} : vector<32x1024xf32> to vector<1x1024xf32>
    %sub3A_1867 = vector.broadcast %slice3A_1865 : vector<64x1xf32> to vector<64x1024xf32>
    %sub3A_1868 = vector.broadcast %slice3A_1866 : vector<1x1024xf32> to vector<64x1024xf32>
    %sub3A_1869 = arith.subf %sub3A_1867, %sub3A_1868 : vector<64x1024xf32>
    %mul3A_1870 = arith.mulf %sub3A_1869, %sub3A_1869 : vector<64x1024xf32>
    %slice3A_1871 = vector.extract_strided_slice %get3A_1708 {offsets = [0, 27], sizes = [64, 1], strides = [1, 1]} : vector<64x32xf32> to vector<64x1xf32>
    %slice3A_1872 = vector.extract_strided_slice %reshape3A {offsets = [27, 0], sizes = [1, 1024], strides = [1, 1]} : vector<32x1024xf32> to vector<1x1024xf32>
    %sub3A_1873 = vector.broadcast %slice3A_1871 : vector<64x1xf32> to vector<64x1024xf32>
    %sub3A_1874 = vector.broadcast %slice3A_1872 : vector<1x1024xf32> to vector<64x1024xf32>
    %sub3A_1875 = arith.subf %sub3A_1873, %sub3A_1874 : vector<64x1024xf32>
    %mul3A_1876 = arith.mulf %sub3A_1875, %sub3A_1875 : vector<64x1024xf32>
    %slice3A_1877 = vector.extract_strided_slice %get3A_1708 {offsets = [0, 28], sizes = [64, 1], strides = [1, 1]} : vector<64x32xf32> to vector<64x1xf32>
    %slice3A_1878 = vector.extract_strided_slice %reshape3A {offsets = [28, 0], sizes = [1, 1024], strides = [1, 1]} : vector<32x1024xf32> to vector<1x1024xf32>
    %sub3A_1879 = vector.broadcast %slice3A_1877 : vector<64x1xf32> to vector<64x1024xf32>
    %sub3A_1880 = vector.broadcast %slice3A_1878 : vector<1x1024xf32> to vector<64x1024xf32>
    %sub3A_1881 = arith.subf %sub3A_1879, %sub3A_1880 : vector<64x1024xf32>
    %mul3A_1882 = arith.mulf %sub3A_1881, %sub3A_1881 : vector<64x1024xf32>
    %slice3A_1883 = vector.extract_strided_slice %get3A_1708 {offsets = [0, 29], sizes = [64, 1], strides = [1, 1]} : vector<64x32xf32> to vector<64x1xf32>
    %slice3A_1884 = vector.extract_strided_slice %reshape3A {offsets = [29, 0], sizes = [1, 1024], strides = [1, 1]} : vector<32x1024xf32> to vector<1x1024xf32>
    %sub3A_1885 = vector.broadcast %slice3A_1883 : vector<64x1xf32> to vector<64x1024xf32>
    %sub3A_1886 = vector.broadcast %slice3A_1884 : vector<1x1024xf32> to vector<64x1024xf32>
    %sub3A_1887 = arith.subf %sub3A_1885, %sub3A_1886 : vector<64x1024xf32>
    %mul3A_1888 = arith.mulf %sub3A_1887, %sub3A_1887 : vector<64x1024xf32>
    %slice3A_1889 = vector.extract_strided_slice %get3A_1708 {offsets = [0, 30], sizes = [64, 1], strides = [1, 1]} : vector<64x32xf32> to vector<64x1xf32>
    %slice3A_1890 = vector.extract_strided_slice %reshape3A {offsets = [30, 0], sizes = [1, 1024], strides = [1, 1]} : vector<32x1024xf32> to vector<1x1024xf32>
    %sub3A_1891 = vector.broadcast %slice3A_1889 : vector<64x1xf32> to vector<64x1024xf32>
    %sub3A_1892 = vector.broadcast %slice3A_1890 : vector<1x1024xf32> to vector<64x1024xf32>
    %sub3A_1893 = arith.subf %sub3A_1891, %sub3A_1892 : vector<64x1024xf32>
    %mul3A_1894 = arith.mulf %sub3A_1893, %sub3A_1893 : vector<64x1024xf32>
    %slice3A_1895 = vector.extract_strided_slice %get3A_1708 {offsets = [0, 31], sizes = [64, 1], strides = [1, 1]} : vector<64x32xf32> to vector<64x1xf32>
    %slice3A_1896 = vector.extract_strided_slice %reshape3A {offsets = [31, 0], sizes = [1, 1024], strides = [1, 1]} : vector<32x1024xf32> to vector<1x1024xf32>
    %sub3A_1897 = vector.broadcast %slice3A_1895 : vector<64x1xf32> to vector<64x1024xf32>
    %sub3A_1898 = vector.broadcast %slice3A_1896 : vector<1x1024xf32> to vector<64x1024xf32>
    %sub3A_1899 = arith.subf %sub3A_1897, %sub3A_1898 : vector<64x1024xf32>
    %mul3A_1900 = arith.mulf %sub3A_1899, %sub3A_1899 : vector<64x1024xf32>
    %add3A_1901 = arith.addf %mul3A_1714, %mul3A_1738 : vector<64x1024xf32>
    %add3A_1902 = arith.addf %mul3A_1726, %mul3A_1750 : vector<64x1024xf32>
    %add3A_1903 = arith.addf %add3A_1901, %add3A_1902 : vector<64x1024xf32>
    %add3A_1904 = arith.addf %mul3A_1720, %mul3A_1744 : vector<64x1024xf32>
    %add3A_1905 = arith.addf %mul3A_1732, %mul3A_1756 : vector<64x1024xf32>
    %add3A_1906 = arith.addf %add3A_1904, %add3A_1905 : vector<64x1024xf32>
    %add3A_1907 = arith.addf %add3A_1903, %add3A_1906 : vector<64x1024xf32>
    %add3A_1908 = arith.addf %mul3A_1762, %mul3A_1786 : vector<64x1024xf32>
    %add3A_1909 = arith.addf %mul3A_1774, %mul3A_1798 : vector<64x1024xf32>
    %add3A_1910 = arith.addf %add3A_1908, %add3A_1909 : vector<64x1024xf32>
    %add3A_1911 = arith.addf %mul3A_1768, %mul3A_1792 : vector<64x1024xf32>
    %add3A_1912 = arith.addf %mul3A_1780, %mul3A_1804 : vector<64x1024xf32>
    %add3A_1913 = arith.addf %add3A_1911, %add3A_1912 : vector<64x1024xf32>
    %add3A_1914 = arith.addf %add3A_1910, %add3A_1913 : vector<64x1024xf32>
    %add3A_1915 = arith.addf %mul3A_1810, %mul3A_1834 : vector<64x1024xf32>
    %add3A_1916 = arith.addf %mul3A_1822, %mul3A_1846 : vector<64x1024xf32>
    %add3A_1917 = arith.addf %add3A_1915, %add3A_1916 : vector<64x1024xf32>
    %add3A_1918 = arith.addf %mul3A_1816, %mul3A_1840 : vector<64x1024xf32>
    %add3A_1919 = arith.addf %mul3A_1828, %mul3A_1852 : vector<64x1024xf32>
    %add3A_1920 = arith.addf %add3A_1918, %add3A_1919 : vector<64x1024xf32>
    %add3A_1921 = arith.addf %add3A_1917, %add3A_1920 : vector<64x1024xf32>
    %add3A_1922 = arith.addf %mul3A_1858, %mul3A_1882 : vector<64x1024xf32>
    %add3A_1923 = arith.addf %mul3A_1870, %mul3A_1894 : vector<64x1024xf32>
    %add3A_1924 = arith.addf %add3A_1922, %add3A_1923 : vector<64x1024xf32>
    %add3A_1925 = arith.addf %mul3A_1864, %mul3A_1888 : vector<64x1024xf32>
    %add3A_1926 = arith.addf %mul3A_1876, %mul3A_1900 : vector<64x1024xf32>
    %add3A_1927 = arith.addf %add3A_1925, %add3A_1926 : vector<64x1024xf32>
    %add3A_1928 = arith.addf %add3A_1924, %add3A_1927 : vector<64x1024xf32>
    %add3A_1929 = arith.addf %add3A_1907, %add3A_1914 : vector<64x1024xf32>
    %add3A_1930 = arith.addf %add3A_1929, %add3A_1921 : vector<64x1024xf32>
    %add3A_1931 = arith.addf %add3A_1930, %add3A_1928 : vector<64x1024xf32>
    %reduce_min3A_1932 = arith.constant dense<0x7F800000> : vector<1024xf32>
    %reduce_min3A_1933 = vector.multi_reduction <minimumf>, %add3A_1931, %reduce_min3A_1932 [0] : vector<64x1024xf32> to vector<1024xf32>
    %broadcast_in_dim3A_1934 = vector.shape_cast %reduce_min3A_1933 : vector<1024xf32> to vector<1x1024xf32>
    %iota3A_1935 = tpu.iota {dimensions = array<i32: 0>} : vector<64x1024xi32>
    %eq3A_1936 = vector.broadcast %broadcast_in_dim3A_1934 : vector<1x1024xf32> to vector<64x1024xf32>
    %eq3A_1937 = arith.cmpf oeq, %add3A_1931, %eq3A_1936 : vector<64x1024xf32>
    %jit3A_1938 = arith.constant 512 : i32
    %broadcast_in_dim3A_1939 = vector.broadcast %jit3A_1938 : i32 to vector<64x1024xi32>
    %select_n3A_1940 = arith.select %eq3A_1937, %iota3A_1935, %broadcast_in_dim3A_1939 : vector<64x1024xi1>, vector<64x1024xi32>
    %reduce_min3A_1941 = arith.constant dense<2147483647> : vector<1024xi32>
    %reduce_min3A_1942 = vector.multi_reduction <minsi>, %select_n3A_1940, %reduce_min3A_1941 [0] : vector<64x1024xi32> to vector<1024xi32>
    %broadcast_in_dim3A_1943 = vector.shape_cast %reduce_min3A_1942 : vector<1024xi32> to vector<1x1024xi32>
    %add3A_1944 = arith.constant 448 : i32
    %add3A_1945 = vector.broadcast %add3A_1944 : i32 to vector<1x1024xi32>
    %add3A_1946 = arith.addi %broadcast_in_dim3A_1943, %add3A_1945 : vector<1x1024xi32>
    %lt3A_1947 = arith.cmpf olt, %broadcast_in_dim3A_1934, %select_n3A_1704 : vector<1x1024xf32>
    %select_n3A_1948 = arith.select %lt3A_1947, %broadcast_in_dim3A_1934, %select_n3A_1704 : vector<1x1024xi1>, vector<1x1024xf32>
    %select_n3A_1949 = arith.select %lt3A_1947, %add3A_1946, %select_n3A_1705 : vector<1x1024xi1>, vector<1x1024xi32>
    %squeeze3A = vector.shape_cast %select_n3A_1949 : vector<1x1024xi32> to vector<1024xi32>
    %swap3A = arith.constant 0 : index
    %swap3A_1950 = arith.constant 0 : index
    %swap3A_1951 = vector.load %arg3[%swap3A, %swap3A_1950] : memref<1x1024xi32, #tpu.memory_space<vmem>>, vector<1x1024xi32>
    %swap3A_1952 = vector.shape_cast %swap3A_1951 : vector<1x1024xi32> to vector<1024xi32>
    %swap3A_1953 = vector.shape_cast %squeeze3A : vector<1024xi32> to vector<1x1024xi32>
    tpu.vector_store %arg3[%swap3A, %swap3A_1950], %swap3A_1953 {strides = array<i32>} : memref<1x1024xi32, #tpu.memory_space<vmem>>, vector<1x1024xi32>,
    %reduce_sum3A = vector.shape_cast %select_n3A_1948 : vector<1x1024xf32> to vector<1x1x1024xf32>
    %reduce_sum3A_1954 = arith.constant dense<0.000000e+00> : vector<1xf32>
    %reduce_sum3A_1955 = vector.multi_reduction <add>, %reduce_sum3A, %reduce_sum3A_1954 [1, 2] : vector<1x1x1024xf32> to vector<1xf32>
    %reduce_sum3A_1956 = vector.shape_cast %reduce_sum3A_1955 : vector<1xf32> to vector<1x1x1xf32>
    %reduce_sum3A_1957 = vector.extract %reduce_sum3A_1956[0, 0, 0] : f32 from vector<1x1x1xf32>
    %broadcast_in_dim3A_1958 = vector.broadcast %reduce_sum3A_1957 : f32 to vector<1x1xf32>
    %eq3A_1959 = arith.constant 0 : i32
    %eq3A_1960 = arith.cmpi eq, %arg0, %eq3A_1959 : i32
    %convert_element_type3A = arith.extui %eq3A_1960 : i1 to i32
    %cond3A = arith.constant 0 : i32
    %cond3A_1961 = arith.cmpi ne, %convert_element_type3A, %cond3A : i32
    scf.if %cond3A_1961 {
      %broadcast_in_dim3A_1974 = arith.constant 0.000000e+00 : f32
      %broadcast_in_dim3A_1975 = vector.broadcast %broadcast_in_dim3A_1974 : f32 to vector<1x1xf32>
      %swap3A_1976 = arith.constant 0 : index
      %swap3A_1977 = arith.constant 0 : index
      %swap3A_1978 = vector.load %arg4[%swap3A_1976, %swap3A_1977] : memref<1x1xf32, #tpu.memory_space<vmem>>, vector<1x1xf32>
      tpu.vector_store %arg4[%swap3A_1976, %swap3A_1977], %broadcast_in_dim3A_1975 {strides = array<i32>} : memref<1x1xf32, #tpu.memory_space<vmem>>, vector<1x1xf32>,
    } else {
    }
    %get3A_1962 = arith.constant 0 : index
    %get3A_1963 = arith.constant 0 : index
    %get3A_1964 = vector.load %arg4[%get3A_1962, %get3A_1963] : memref<1x1xf32, #tpu.memory_space<vmem>>, vector<1x1xf32>
    %add3A_1965 = arith.addf %get3A_1964, %broadcast_in_dim3A_1958 : vector<1x1xf32>
    %swap3A_1966 = arith.constant 0 : index
    %swap3A_1967 = arith.constant 0 : index
    %swap3A_1968 = vector.load %arg4[%swap3A_1966, %swap3A_1967] : memref<1x1xf32, #tpu.memory_space<vmem>>, vector<1x1xf32>
    tpu.vector_store %arg4[%swap3A_1966, %swap3A_1967], %add3A_1965 {strides = array<i32>} : memref<1x1xf32, #tpu.memory_space<vmem>>, vector<1x1xf32>,
    %eq3A_1969 = arith.constant 3 : i32
    %eq3A_1970 = arith.cmpi eq, %arg0, %eq3A_1969 : i32
    %convert_element_type3A_1971 = arith.extui %eq3A_1970 : i1 to i32
    %cond3A_1972 = arith.constant 0 : i32
    %cond3A_1973 = arith.cmpi ne, %convert_element_type3A_1971, %cond3A_1972 : i32
    scf.if %cond3A_1973 {
      %get3A_1974 = arith.constant 0 : index
      %get3A_1975 = arith.constant 0 : index
      %get3A_1976 = vector.load %arg4[%get3A_1974, %get3A_1975] : memref<1x1xf32, #tpu.memory_space<vmem>>, vector<1x1xf32>
      %mul3A_1977 = arith.constant 1.14440918E-5 : f32
      %mul3A_1978 = vector.broadcast %mul3A_1977 : f32 to vector<1x1xf32>
      %mul3A_1979 = arith.mulf %get3A_1976, %mul3A_1978 : vector<1x1xf32>
      %swap3A_1980 = arith.constant 0 : index
      %swap3A_1981 = arith.constant 0 : index
      %swap3A_1982 = vector.load %arg4[%swap3A_1980, %swap3A_1981] : memref<1x1xf32, #tpu.memory_space<vmem>>, vector<1x1xf32>
      tpu.vector_store %arg4[%swap3A_1980, %swap3A_1981], %mul3A_1979 {strides = array<i32>} : memref<1x1xf32, #tpu.memory_space<vmem>>, vector<1x1xf32>,
    } else {
    }
    return
  }
  func.func @transform_0(%arg0: i32) -> (i32, i32, i32, i32) {
    %c0_i32 = arith.constant 0 : i32
    %c0_i32_0 = arith.constant 0 : i32
    %c0_i32_1 = arith.constant 0 : i32
    %c0_i32_2 = arith.constant 0 : i32
    return %arg0, %c0_i32, %c0_i32_0, %c0_i32_1 : i32, i32, i32, i32
  }
  func.func @transform_1(%arg0: i32) -> (i32, i32) {
    %c0_i32 = arith.constant 0 : i32
    %c0_i32_0 = arith.constant 0 : i32
    %c0_i32_1 = arith.constant 0 : i32
    return %c0_i32, %c0_i32_0 : i32, i32
  }
  func.func @transform_2(%arg0: i32) -> (i32, i32) {
    %c0_i32 = arith.constant 0 : i32
    %c0_i32_0 = arith.constant 0 : i32
    return %c0_i32, %arg0 : i32, i32
  }
  func.func @transform_3(%arg0: i32) -> (i32, i32) {
    %c0_i32 = arith.constant 0 : i32
    %c0_i32_0 = arith.constant 0 : i32
    %c0_i32_1 = arith.constant 0 : i32
    return %c0_i32, %c0_i32_0 : i32, i32
  }
}

</mosaic_0001>

<sc_bundles>
// kernel: kernel.4.cloned.1.call-start
scs
__scs_entry_jumppad:
0x0: {  	(pc) =	sbr.rel $0x88, $3  }
0x1: {  	(tag) =	ssettag $0x0;
	lr =	simm.s32 $0x1  }
0x2: {  	[smem:$0x3F9F] =	sst lr;
	_ =	strace $0xD0000000  }
0x3: {  	_ = 	snop  }
0x4: {  	_ = 	snop  }
0x5: {  	_ = 	snop  }
0x6: {  	_ = 	snop  }
0x7: {  	_ = 	snop  }
__scs_overlays_trampoline_lowered:
0x8: {  	[smem:$0x3FAE] =	sst s0  }
0x9: {  	[smem:$0x3FAF] =	sst s1  }
0xa: {  	[smem:$0x3FB0] =	sst s2  }
0xb: {  	[smem:$0x3FB1] =	sst s3  }
0xc: {  	[smem:$0x3FB2] =	sst s4  }
0xd: {  	[smem:$0x3FB3] =	sst s5  }
0xe: {  	[smem:$0x3FB4] =	sst s6  }
0xf: {  	[smem:$0x3FB5] =	sst s7  }
0x10: {  	[smem:$0x3FB6] =	sst s8  }
0x11: {  	[smem:$0x3FB7] =	sst s9;
	s0 =	simm.s32 @!p0 $0x0  }
0x12: {  	s1 =	sld [smem:$0x3F9D];
	s0 =	simm.s32 @p0 $0x1  }
0x13: {  	[smem:$0x3FB8] =	sst s0;
	s0 =	simm.s32 @!p1 $0x0  }
0x14: {  	s2 =	sld [smem:$0x3F9C];
	s0 =	simm.s32 @p1 $0x1  }
0x15: {  	[smem:$0x3FB9] =	sst s0;
	s0 =	simm.s32 @!p2 $0x0  }
0x16: {  	s3 =	sld [smem:$0x3FDB];
	s0 =	simm.s32 @p2 $0x1  }
0x17: {  	s4 =	simm.s32 $0x1BF5;
	[smem:$0x3FBB] =	sst s0  }
0x18: {  	s0 =	sld [smem:$0x3F9E];
	_ =	swait.ge [sflag:s4], $0x0  }
0x19: {  	s7 =	sld [smem:$0x3F9F]  }
0x1a: {  	s8 =	sadd.s32 $0xFFFFE003, lr  }
0x1b: {  	s9 =	sadd.s32 $0xFFFFFEF7, lr;
	s5 =	simm.s32 $0xFFFFFFFF;
	p2 =	slt.u32 s8, $0xFFFFF086  }
0x1c: {  	p1 =	slt.u32 s9, $0xF7A;
	s5 =	simm.s32 @!p2 $0x0  }
0x1d: {  	s5 =	simm.s32 @p1 $0x1;
	p0 =	seq.s32 s7, s2  }
0x1e: {  	s7 =	smul.u32 @!p0 $0xF7A, s2;
	p2 =	seq.s32 @!p0 s5, $0x0  }
0x1f: {  	s9 =	smul.u32 $0xF7A, s1;
	s8 =	simm.s32 @!p0 $0x1BF5;
	p2 =	por !p2, p0  }
0x20: {  	[sflag:s8] =	ssyncset.s32 @!p0 $0xFFFFF086;
	s6 =	sadd.s32 @!p0 s3, s7;
	s7 =	simm.s32 @!p0 $0x108  }
0x21: {  	s3 =	sadd.s32 s3, s9;
	s6 =	sadd.s32 @!p0 $0x88, s6;
	s7 =	simm.s32 @p2 $0x1082  }
0x22: {  	[simem:s7], [sflag:s8] =	dma.local @!p0 [hbm:s6], $0xF7A  }
0x23: {  	s9 =	sor.u32 $0xD0000000, s2;
	s6 =	simm.s32 $0x108;
	_ =	swait.ge @!p0 [sflag:s8], $0x0  }
0x24: {  	s3 =	sadd.s32 $0x88, s3;
	s6 =	simm.s32 @!p1 $0x1082;
	[sflag:s4] =	ssyncset.s32 $0xFFFFF086  }
0x25: {  	[simem:s6], [sflag:s4] =	dma.local [hbm:s3], $0xF7A  }
0x26: {  	[smem:$0x3F9F] =	sst s1;
	(tag) =	ssettag s2;
	_ =	strace s9  }
0x27: {  	s1 =	sld [smem:$0x3FAF]  }
0x28: {  	s2 =	sld [smem:$0x3FB0]  }
0x29: {  	s4 =	sld [smem:$0x3FB2]  }
0x2a: {  	p0 =	seq.s32 s5, $0x0;
	s5 =	sld [smem:$0x3FB3]  }
0x2b: {  	s6 =	sld [smem:$0x3FB4]  }
0x2c: {  	s7 =	sld [smem:$0x3FB5]  }
0x2d: {  	s3 =	simm.s32 $0x108;
	s8 =	sld [smem:$0x3FB6]  }
0x2e: {  	s3 =	simm.s32 @!p0 $0x1082;
	s9 =	sld [smem:$0x3FB7]  }
0x2f: {  	lr =	sadd.s32 s0, s3;
	s0 =	sld [smem:$0x3FAE]  }
0x30: {  	s3 =	sld [smem:$0x3FB1]  }
0x31: {  	[smem:$0x3FBA] =	sst s10  }
0x32: {  	s10 =	sld [smem:$0x3FB8];
	_ =	sdelay $0x3  }
0x33: {  	p0 =	seq.s32 s10, $0x1;
	s10 =	sld [smem:$0x3FBA];
	_ =	sdelay $0x3  }
0x34: {  	[smem:$0x3FBA] =	sst s10  }
0x35: {  	s10 =	sld [smem:$0x3FB9];
	_ =	sdelay $0x3  }
0x36: {  	p1 =	seq.s32 s10, $0x1;
	s10 =	sld [smem:$0x3FBA];
	_ =	sdelay $0x3  }
0x37: {  	[smem:$0x3FBA] =	sst s10  }
0x38: {  	s10 =	sld [smem:$0x3FBB]  }
0x39: {  	_ = 	snop;
	(pc) =	sbr.ind lr, $3  }
0x3a: {  	_ = 	snop  }
0x3b: {  	_ = 	snop  }
0x3c: {  	p2 =	seq.s32 s10, $0x1;
	s10 =	sld [smem:$0x3FBA]  }
0x3d: {  	_ =	shalt  }
0x3e: {  	_ =	shalt  }
0x3f: {  	_ =	shalt  }
0x40: {  	_ =	shalt  }
0x41: {  	_ =	shalt  }
0x42: {  	_ =	shalt  }
0x43: {  	_ =	shalt  }
0x44: {  	_ =	shalt  }
0x45: {  	_ =	shalt  }
0x46: {  	_ =	shalt  }
0x47: {  	_ =	shalt  }
0x48: {  	_ =	shalt  }
0x49: {  	_ =	shalt  }
0x4a: {  	_ =	shalt  }
0x4b: {  	_ =	shalt  }
0x4c: {  	_ =	shalt  }
0x4d: {  	_ =	shalt  }
0x4e: {  	_ =	shalt  }
0x4f: {  	_ =	shalt  }
0x50: {  	_ =	shalt  }
0x51: {  	_ =	shalt  }
0x52: {  	_ =	shalt  }
0x53: {  	_ =	shalt  }
0x54: {  	_ =	shalt  }
0x55: {  	_ =	shalt  }
0x56: {  	_ =	shalt  }
0x57: {  	_ =	shalt  }
0x58: {  	_ =	shalt  }
0x59: {  	_ =	shalt  }
0x5a: {  	_ =	shalt  }
0x5b: {  	_ =	shalt  }
0x5c: {  	_ =	shalt  }
0x5d: {  	_ =	shalt  }
0x5e: {  	_ =	shalt  }
0x5f: {  	_ =	shalt  }
0x60: {  	_ =	shalt  }
0x61: {  	_ =	shalt  }
0x62: {  	_ =	shalt  }
0x63: {  	_ =	shalt  }
0x64: {  	_ =	shalt  }
0x65: {  	_ =	shalt  }
0x66: {  	_ =	shalt  }
0x67: {  	_ =	shalt  }
0x68: {  	_ =	shalt  }
0x69: {  	_ =	shalt  }
0x6a: {  	_ =	shalt  }
0x6b: {  	_ =	shalt  }
0x6c: {  	_ =	shalt  }
0x6d: {  	_ =	shalt  }
0x6e: {  	_ =	shalt  }
0x6f: {  	_ =	shalt  }
0x70: {  	_ =	shalt  }
0x71: {  	_ =	shalt  }
0x72: {  	_ =	shalt  }
0x73: {  	_ =	shalt  }
0x74: {  	_ =	shalt  }
0x75: {  	_ =	shalt  }
0x76: {  	_ =	shalt  }
0x77: {  	_ =	shalt  }
0x78: {  	_ =	shalt  }
0x79: {  	_ =	shalt  }
0x7a: {  	_ =	shalt  }
0x7b: {  	_ =	shalt  }
0x7c: {  	_ =	shalt  }
0x7d: {  	_ =	shalt  }
0x7e: {  	_ =	shalt  }
0x7f: {  	_ =	shalt  }
0x80: {  	_ =	shalt  }
0x81: {  	_ =	shalt  }
0x82: {  	_ =	shalt  }
0x83: {  	_ =	shalt  }
0x84: {  	_ =	shalt  }
0x85: {  	_ =	shalt  }
0x86: {  	_ =	shalt  }
0x87: {  	_ =	shalt  }
.Lfunc_end0:
.L_simem_size_0:
called_computation_lowered:
.L_overlay_start_0:
0x88: {  	s2 =	sld [smem:$0x3FD9]  }
0x89: {  	s3 =	sld [smem:$0x3FFE];
	_ =	sdelay $0x1  }
0x8a: {  	s1 =	srdreg.scid  }
0x8b: {  	s0 =	sand.u32 $0x1, s1  }
0x8c: {  	s14 =	sshll.u32 s0, $0xA;
	s2 =	sadd.s32 s3, s2  }
0x8d: {  	s2 =	sadd.s32 s2, s14  }
0x8e: {  	[smem:$0x3FC6] =	sst s2  }
0x8f: {  	_ = 	snop  }
0x90: {  	s2 =	sld [smem:$0x3FD0];
	_ =	sdelay $0x2  }
0x91: {  	s15 =	simm.s32 $0xA;
	s4 =	simm.s32 $0x10  }
0x92: {  	[smem:s4], [sflag:s15] =	dma.local [hbm:s2], $0x1  }
0x93: {  	_ =	swait.eq [sflag:s15], $0x1  }
0x94: {  	[sflag:s15] =	ssyncset.done $0x0  }
0x95: {  	s16 =	sld [smem:$0x10];
	[sflag:s15] =	ssyncadd.s32 $0xFFFFFFFF  }
0x96: {  	s17 =	sld [smem:$0x12];
	(tm) =	ssettm $0x1  }
0x97: {  	s18 =	sld [smem:$0x3FFB];
	_ =	sdelay $0x3  }
0x98: {  	_ =	strace s18  }
0x99: {  	s4 =	sld [smem:$0x3FFC];
	_ =	sdelay $0x3  }
0x9a: {  	_ =	strace s4  }
0x9b: {  	s4 =	sld [smem:$0x3FFD];
	_ =	sdelay $0x3  }
0x9c: {  	_ =	strace s4  }
0x9d: {  	_ =	strace $0x8FFFFFFF  }
0x9e: {  	s19 =	sld [smem:$0x3FDB];
	_ =	sdelay $0x1  }
0x9f: {  	s5 =	simm.s32 $_scs_section_size  }
0xa0: {  	s6 =	simm.s32 $_size__tile_overlayer_lowered;
	s7 =	simm.s32 $_tile_overlayer_lowered  }
0xa1: {  	s22 =	simm.s32 $0x1BFF;
	s21 =	sshll.u32 s7, $0x1;
	s4 =	sadd.s32 s5, s19  }
0xa2: {  	s8 =	simm.s32 $0x0;
	s20 =	sshll.u32 s6, $0x1;
	s6 =	sadd.s32 s21, s4  }
0xa3: {  	[timem:s8], [sflag:s22] =	dma.local [hbm:s6], s20  }
0xa4: {  	_ =	swait.ge [sflag:s22], s20  }
0xa5: {  	s5 =	ssub.s32 $0x0, s20;
	[sflag:s22] =	ssyncset.done $0x0  }
0xa6: {  	[sflag:s22] =	ssyncadd.s32 s5;
	_ =	sdelay $0x1  }
0xa7: {  	s23 =	simm.s32 $0x1B8B  }
0xa8: {  	_ =	swait.ge [sflag:s23], $0x1  }
0xa9: {  	[sflag:s23] =	ssyncset.done $0x0  }
0xaa: {  	s25 =	simm.s32 $0x1B8E;
	s24 =	sld [smem:$0x3FFE];
	[sflag:s23] =	ssyncadd.s32 $0xFFFFFFFF  }
0xab: {  	s26 =	simm.s32 $execute0_lowered;
	[smem:$0x3FD2] =	sst s25  }
0xac: {  	s6 =	sshll.u32 s26, $0x1;
	_ =	strace $0x80000046;
	[dreg:$0x1] =	wrdreg $0xFFFFFFFF  }
0xad: {  	s28 =	simm.s32 $_size_execute0_lowered;
	s4 =	sadd.s32 s4, s6;
	[dreg:$0x0] =	wrdreg $0x0  }
0xae: {  	s6 =	sshll.u32 s28, $0x1;
	[dreg:$0x2] =	wrdreg s4  }
0xaf: {  	[dreg:$0x3] =	wrdreg s6  }
0xb0: {  	[dreg:$0x4] =	wrdreg $0xC0  }
0xb1: {  	_ =	task [dreg:s8], $0x5FFFF  }
0xb2: {  	[dreg:$0x1] =	wrdreg $0xFFFFFFFF  }
0xb3: {  	[dreg:$0x0] =	wrdreg $0x60  }
0xb4: {  	[dreg:$0x2] =	wrdreg s16  }
0xb5: {  	[dreg:$0x3] =	wrdreg s17  }
0xb6: {  	[dreg:$0x4] =	wrdreg s24  }
0xb7: {  	[dreg:$0x5] =	wrdreg $0x9  }
0xb8: {  	_ =	task.clear_ibuf [dreg:s8], $0x6FFFF;
	_ =	strace $0x90000046  }
0xb9: {  	s29 =	simm.s32 $0x9;
	_ =	strace $0x80000048  }
0xba: {  	_ =	swait.ge [sflag:s29], $0x1  }
0xbb: {  	[sflag:s29] =	ssyncadd.s32 $0xFFFFFFFF  }
0xbc: {  	_ =	strace $0x90000048  }
0xbd: {  	_ =	sfence  }
0xbe: {  	s30 =	sld [smem:$0x0];
	_ =	sdelay $0x2  }
0xbf: {  	s31 =	sshll.u32 s1, $0xD;
	s1 =	sshrl.u32 s1, $0x2  }
0xc0: {  	s3 =	sand.u32 $0x4000, s31;
	s1 =	sadd.s32 s1, s30  }
0xc1: {  	s0 =	sor.u32 s3, s0;
	s1 =	sshll.u32 s1, $0x11  }
0xc2: {  	s0 =	sor.u32 s1, s0  }
0xc3: {  	s0 =	sadd.s32 $0x8F2B, s0  }
0xc4: {  	[sflag:s0] =	ssyncadd.remote.s32 $0x1  }
0xc5: {  	_ =	sfence.sel $0xFFFF  }
0xc6: {  	[dreg:$0x0] =	wrdreg $0xFFFFFFFF;
	(pc) =	sbr.abs _section_cstart, $3  }
0xc7: {  	[dreg:$0x1] =	wrdreg $0xFFFFFFFF  }
0xc8: {  	_ =	task.clear_ibuf [dreg:s8], $0x2FFFF;
	_ =	strace $0x9FFFFFFF  }
0xc9: {  	(tm) =	ssettm $0x7FFFFFFF  }
tec
execute0_lowered:
.L_overlay_start_1:
0x0: {  	(tag) =	ssettag $0x1  }
0x1: {  	s1 =	rddreg [dreg:$0x0];
	s2 =	srdreg.scid  }
0x2: {  	s4 =	rddreg [dreg:$0x1];
	s0 =	stileid.u32  }
0x3: {  	s8 =	rddreg [dreg:$0x2];
	s3 =	simm.s32 $0x0;
	s6 =	sand.u32 $0x1, s2  }
0x4: {  	s5 =	sshll.u32 s0, $0x8;
	s2 =	rddreg [dreg:$0x3];
	s7 =	sshll.u32 s6, $0x7  }
0x5: {  	[smem:$0x7FF] =	sst s3;
	s9 =	sor.u32 s7, s5  }
0x6: {  	_ =	strace $0x80000047;
	s10 =	ssub.s32 $0x2, s6;
	s5 =	sshrl.u32 s9, $0x3  }
0x7: {  	s6 =	simm.s32 $0x80;
	s5 =	sadd.s32 s4, s5;
	s4 =	simm.s32 $0x2  }
0x8: {  	[tilespmem:s3], [sflag:$0x2] =	stream.linear.gather [hbm4b:s5+s3], $0x80, $0x38;
	[tilespmem:$0x4080] =	vst v63  }
0x9: {  	s7 =	simm.s32 $0x1;
	s11 =	sshrl.u32 s10, $0x1;
	_ =	swait.ge [sflag:s4], $0x80  }
0xa: {  	s9 =	sshll.u32 s9, $0x4;
	s31 =	ssub.s32 s10, s11;
	[sflag:s4] =	ssyncset.done $0x0  }
0xb: {  	s8 =	sadd.s32 s9, s8;
	s9 =	smax.u32 s31, $0x1;
	[sflag:s4] =	ssyncadd.s32 $0xFFFFFF80  }
0xc: {  	[tilespmem:s6], [sflag:$0x1] =	stream.indirect.gather [hbm4b:s1+s6], $0x80, s3, s6, $0xb8;
	[tilespmem:$0x4080] =	vst v63  }
0xd: {  	p0 =	sne.s32 s9, $0x1;
	_ =	swait.ge [sflag:s7], $0x4000  }
.Ltmp0:
0xe: {  	[sflag:s7] =	ssyncset.done $0x0;
	(pc) =	sbr.rel @!p0 .LBB2_2-.Ltmp0, $4  }
0xf: {  	s8 =	sadd.s32 $0x400, s8;
	[sflag:s7] =	ssyncadd.s32 $0xFFFFC000  }
0x10: {  	[hbm4b:s8+s3] =	stream.linear.scatter [tilespmem:s6], [sflag:$0x2], $0x4000, $0x38;
	[tilespmem:$0x4080] =	vst v63  }
0x11: {  	_ =	swait.ge [sflag:s4], $0x4000  }
0x12: {  	s9 =	sadd.s32 $0xFFFFFFFF, s9;
	[sflag:s4] =	ssyncset.done $0x0  }
.LBB2_1:
0x13: {  	p0 =	sne.s32 s9, $0x1;
	s9 =	sadd.s32 $0xFFFFFFFF, s9;
	[sflag:s4] =	ssyncadd.s32 $0xFFFFC000  }
0x14: {  	[tilespmem:s3], [sflag:$0x2] =	stream.linear.gather [hbm4b:s5+s3], $0x80, $0x38;
	[tilespmem:$0x4080] =	vst v63  }
0x15: {  	_ =	swait.ge [sflag:s4], $0x80  }
0x16: {  	[sflag:s4] =	ssyncset.done $0x0  }
0x17: {  	[sflag:s4] =	ssyncadd.s32 $0xFFFFFF80  }
0x18: {  	[tilespmem:s6], [sflag:$0x1] =	stream.indirect.gather [hbm4b:s1+s6], $0x80, s3, s6, $0xb8;
	[tilespmem:$0x4080] =	vst v63  }
0x19: {  	_ =	swait.ge [sflag:s7], $0x4000  }
.Ltmp1:
0x1a: {  	[sflag:s7] =	ssyncset.done $0x0;
	(pc) =	sbr.rel @p0 .LBB2_1-.Ltmp1, $4  }
0x1b: {  	[sflag:s7] =	ssyncadd.s32 $0xFFFFC000  }
0x1c: {  	[hbm4b:s8+s3] =	stream.linear.scatter [tilespmem:s6], [sflag:$0x2], $0x4000, $0x38;
	[tilespmem:$0x4080] =	vst v63  }
0x1d: {  	_ =	swait.ge [sflag:s4], $0x4000  }
0x1e: {  	[sflag:s4] =	ssyncset.done $0x0  }
.LBB2_2:
0x1f: {  	[sflag:s4] =	ssyncadd.s32 $0xFFFFC000  }
0x20: {  	_ =	sfence.sel $0x180000  }
0x21: {  	[bflag:$0x0] =	sbarrier.arrive $0xFFFF  }
0x22: {  	p0 =	sne.s32 s0, $0x0;
	_ =	strace $0x90000047  }
0x23: {  	s0 =	sadd.s32 @!p0 $0x100000, s2;
	[bflag:$0x2] =	sbarrier.arrive $0xFFFF  }
0x24: {  	[sflag:s0] =	ssyncadd.tile.s32 @!p0 $0x1;
	_ =	shalt  }
.Lfunc_end2:
_tile_overlayer_lowered:
.L_overlay_start_2:
0x25: {  	(tag) =	ssettag $0x2  }
0x26: {  	s0 =	rddreg [dreg:$0x0];
	s2 =	stileid.u32  }
0x27: {  	s1 =	rddreg [dreg:$0x1];
	p0 =	sne.s32 s2, $0x0  }
0x28: {  	s3 =	rddreg [dreg:$0x2];
	[bflag:$0x3] =	sbarrier.arrive $0xFFFF;
	s2 =	simm.s32 @!p0 $0x1C02  }
0x29: {  	[timem:s3], [sflag:s2] =	dma.local @!p0 [hbm:s0], s1  }
0x2a: {  	s0 =	simm.s32 @!p0 $0x2  }
0x2b: {  	_ =	swait.ge @!p0 [sflag:s0], s1  }
0x2c: {  	s1 =	ssub.s32 @!p0 $0x0, s1;
	[sflag:s0] =	ssyncset.done @!p0 $0x0  }
0x2d: {  	[sflag:s0] =	ssyncadd.s32 @!p0 s1  }
0x2e: {  	[bflag:$0x3] =	sbarrier.arrive $0xFFFF  }
0x2f: {  	_ =	shalt  }

</sc_bundles>
